<compile_context>
chip_gen: v7x
topology: tpu7x:2x2x1
jax: 0.10.2.dev20260603
libtpu: 0.0.44.dev20260713+nightly
codegen_flags: <defaults>
</compile_context>

<pallas_src>
import functools

import jax
import jax.numpy as jnp
from jax import lax
from jax.experimental import pallas as pl
from jax.experimental.pallas import tpu as pltpu, tpu_sc as plsc

TOKENS = 32768
DIM = 4096
EXPERTS = 64
K = 8
BLOCK_T = 512

CHUNKS = (8192, 8192, 8192, 8192)

NW = 32
CH = 128


def _matmul_body(xa_ref, xb_ref, wt_ref, b_ref, p_ref):
    wt = wt_ref[...].astype(jnp.bfloat16)
    h = BLOCK_T // 2
    p_ref[pl.ds(0, h), :] = jnp.dot(
        xa_ref[...].astype(jnp.bfloat16), wt,
        preferred_element_type=jnp.float32) + b_ref[...]
    p_ref[pl.ds(h, h), :] = jnp.dot(
        xb_ref[...].astype(jnp.bfloat16), wt,
        preferred_element_type=jnp.float32) + b_ref[...]


EPAD = 128


@functools.cache
def _make_sc_topk(ct):
    rows_w = ct // NW
    ch = max(d for d in range(1, CH + 1) if rows_w % d == 0)
    nch = rows_w // ch

    gdn = lax.GatherDimensionNumbers(
        offset_dims=(), collapsed_slice_dims=(0,), start_index_map=(0,))

    def _sc_topk_body(p_hbm, idx_hbm, val_hbm, in_v, oi_v, ov_v):
        wid = lax.axis_index("s") * 2 + lax.axis_index("c")
        base = wid * rows_w
        lane = lax.iota(jnp.int32, 16)
        low8 = lane < 8
        shift8 = jnp.maximum(lane - 8, 0).reshape(16, 1)

        def top8(r):
            def srt(g, desc):
                kk = in_v[pl.ds(r * EPAD + g * 16, 16)]
                return plsc.sort_key_val(kk, lane + g * 16,
                                         descending=desc)

            g0 = in_v[pl.ds(r * EPAD, 16)]
            g1 = in_v[pl.ds(r * EPAD + 16, 16)]
            g2 = in_v[pl.ds(r * EPAD + 32, 16)]
            g3 = in_v[pl.ds(r * EPAD + 48, 16)]
            m = jnp.max(jnp.maximum(jnp.maximum(g0, g1),
                                    jnp.maximum(g2, g3)))
            den = jnp.sum(jnp.exp(g0 - m) + jnp.exp(g1 - m)
                          + jnp.exp(g2 - m) + jnp.exp(g3 - m))
            k0, v0 = srt(0, True)
            k1, v1 = srt(1, False)
            k2, v2 = srt(2, True)
            k3, v3 = srt(3, False)
            mk01 = jnp.where(low8, k0, k1)
            mv01 = jnp.where(low8, v0, v1)
            mk23 = jnp.where(low8, k2, k3)
            mv23 = jnp.where(low8, v2, v3)
            tk01, tv01 = plsc.sort_key_val(mk01, mv01, descending=True)
            tk23, tv23 = plsc.sort_key_val(mk23, mv23, descending=False)
            fk = jnp.where(low8, tk01, tk23)
            fv = jnp.where(low8, tv01, tv23)
            sk, sv = plsc.sort_key_val(fk, fv, descending=True)
            return jnp.exp(sk - m) / den, sv

        def chunk_body(c, carry):
            row0 = pl.multiple_of(base + c * ch, ch)
            pltpu.sync_copy(p_hbm.at[pl.ds(row0 * EPAD, ch * EPAD)],
                            in_v)

            def pair_body(pp, carry2):
                ka, va = top8(2 * pp)
                kb, vb = top8(2 * pp + 1)

                def pull(z):
                    return lax.gather(
                        z, shift8, gdn, (1,),
                        mode=lax.GatherScatterMode.PROMISE_IN_BOUNDS)

                ov_v[pl.ds(pp * 2 * K, 16)] = jnp.where(low8, ka, pull(kb))
                oi_v[pl.ds(pp * 2 * K, 16)] = jnp.where(low8, va, pull(vb))
                return carry2

            lax.fori_loop(0, ch // 2, pair_body, 0)
            pltpu.sync_copy(oi_v, idx_hbm.at[pl.ds(row0 * K, ch * K)])
            pltpu.sync_copy(ov_v, val_hbm.at[pl.ds(row0 * K, ch * K)])
            return carry

        lax.fori_loop(0, nch, chunk_body, 0)

    return pl.kernel(
        _sc_topk_body,
        out_type=[
            jax.ShapeDtypeStruct((ct * K,), jnp.int32),
            jax.ShapeDtypeStruct((ct * K,), jnp.float32),
        ],
        mesh=plsc.VectorSubcoreMesh(core_axis_name="c",
                                    subcore_axis_name="s"),
        compiler_params=pltpu.CompilerParams(needs_layout_passes=False),
        scratch_types=[
            pltpu.VMEM((ch * EPAD,), jnp.float32),
            pltpu.VMEM((ch * K,), jnp.int32),
            pltpu.VMEM((ch * K,), jnp.float32),
        ],
    )


@jax.jit
def kernel(x, W, b):
    wt = jnp.concatenate(
        [W, jnp.zeros((EPAD - EXPERTS, DIM), W.dtype)], axis=0).T
    b2 = jnp.concatenate(
        [b, jnp.zeros((EPAD - EXPERTS,), b.dtype)]).reshape(1, EPAD)
    idx_parts = []
    val_parts = []
    tok0 = 0
    for ct in CHUNKS:
        probs = pl.pallas_call(
            _matmul_body,
            grid=(ct // BLOCK_T,),
            in_specs=[
                pl.BlockSpec((BLOCK_T // 2, DIM),
                             functools.partial(lambda c, i: (c + 2 * i, 0),
                                               tok0 // (BLOCK_T // 2))),
                pl.BlockSpec((BLOCK_T // 2, DIM),
                             functools.partial(
                                 lambda c, i: (c + 2 * i + 1, 0),
                                 tok0 // (BLOCK_T // 2))),
                pl.BlockSpec((DIM, EPAD), lambda i: (0, 0)),
                pl.BlockSpec((1, EPAD), lambda i: (0, 0)),
            ],
            out_specs=pl.BlockSpec((BLOCK_T, EPAD), lambda i: (i, 0)),
            out_shape=jax.ShapeDtypeStruct((ct, EPAD), jnp.float32),
        )(x, x, wt, b2)
        idx_c, val_c = _make_sc_topk(ct)(probs.reshape(-1))
        idx_parts.append(idx_c)
        val_parts.append(val_c)
        tok0 += ct
    idx = jnp.concatenate(idx_parts).reshape(TOKENS, K)
    val = jnp.concatenate(val_parts).reshape(TOKENS, K)
    return idx, val

# --- scband reference (transcript-rebuilt; emitter-appended) ---
"""Pipeline reference for scband-top-kgating-50878182588814 (READ-ONLY COPY).

The authoritative reference and input builder live on the scoring server;
editing this copy changes nothing except your own understanding.
"""

import jax, jax.numpy as jnp
import numpy as np

INPUT_DIM = 4096
NUM_EXPERTS = 64
TOP_K = 8
TOKENS = 32768

def setup_inputs(seed: int = 0) -> dict:
    key = jax.random.key(seed)
    kx, kw, kb = jax.random.split(key, 3)
    x = jax.random.normal(kx, (TOKENS, INPUT_DIM), dtype=jnp.float32)
    # nn.Linear(input_dim, num_experts): weight [num_experts, input_dim], bias [num_experts]
    bound = 1.0 / np.sqrt(INPUT_DIM)
    W = jax.random.uniform(kw, (NUM_EXPERTS, INPUT_DIM), dtype=jnp.float32, minval=-bound, maxval=bound)
    b = jax.random.uniform(kb, (NUM_EXPERTS,), dtype=jnp.float32, minval=-bound, maxval=bound)
    return {"x": x, "W": W, "b": b}

def reference(x, W, b):
    gating_scores = x @ W.T + b  # [TOKENS, NUM_EXPERTS]
    probs = jax.nn.softmax(gating_scores, axis=1)
    top_k_values, top_k_indices = jax.lax.top_k(probs, TOP_K)
    return (top_k_indices, top_k_values)

if __name__ == "__main__":
    import jax
    _d = setup_inputs()
    print(jax.jit(kernel)(*tuple(_d.values())))

</pallas_src>

<mosaic_0001>
#map = affine_map<(d0, d1) -> (0)>
module attributes {stable_mosaic.version = 14 : i64} {
  func.func @_sc_topk_body(%arg0: i32, %arg1: i32, %arg2: memref<1048576xf32, #tpu.memory_space<hbm>>, %arg3: memref<65536xi32, #tpu.memory_space<hbm>>, %arg4: memref<65536xf32, #tpu.memory_space<hbm>>, %arg5: memref<16384xf32, #tpu.memory_space<vmem>>, %arg6: memref<1024xi32, #tpu.memory_space<vmem>>, %arg7: memref<1024xf32, #tpu.memory_space<vmem>>) attributes {dimension_semantics = [#tpu.dimension_semantics<core_parallel>, #tpu.dimension_semantics<subcore_parallel>], iteration_bounds = array<i64: 2, 16>, scalar_prefetch = 0 : i64, scratch_operands = 3 : i64, tpu.core_type = #tpu.core_type<sc_vector_subcore>, window_params = [{transform_indices = #map}, {transform_indices = #map}, {transform_indices = #map}]} {
    %mul3A = arith.constant 2 : i32
    %mul3A_0 = arith.muli %arg1, %mul3A : i32
    %add3A = arith.addi %mul3A_0, %arg0 : i32
    %mul3A_1 = arith.constant 256 : i32
    %mul3A_2 = arith.muli %add3A, %mul3A_1 : i32
    %iota3A = tpu.iota {dimensions = array<i32: 0>} : vector<16xi32>
    %lt3A = arith.constant 8 : i32
    %lt3A_3 = vector.broadcast %lt3A : i32 to vector<16xi32>
    %lt3A_4 = arith.cmpi slt, %iota3A, %lt3A_3 : vector<16xi32>
    %sub3A = arith.constant 8 : i32
    %sub3A_5 = vector.broadcast %sub3A : i32 to vector<16xi32>
    %sub3A_6 = arith.subi %iota3A, %sub3A_5 : vector<16xi32>
    %max3A = arith.constant 0 : i32
    %max3A_7 = vector.broadcast %max3A : i32 to vector<16xi32>
    %max3A_8 = arith.maxsi %sub3A_6, %max3A_7 : vector<16xi32>
    %reshape3A = vector.shape_cast %max3A_8 : vector<16xi32> to vector<16x1xi32>
    %scan3A = arith.constant 0 : i32
    %scan3A_9 = arith.constant 0 : i32
    %scan3A_10 = arith.constant 2 : i32
    %scan3A_11 = arith.addi %scan3A_9, %scan3A_10 : i32
    %scan3A_12 = arith.constant 1 : i32
    scf.for %scan3A_14 = %scan3A_9 to %scan3A_11 step %scan3A_12  : i32 {
      %mul3A_15 = arith.constant 128 : i32
      %mul3A_16 = arith.muli %scan3A_14, %mul3A_15 : i32
      %add3A_17 = arith.addi %mul3A_2, %mul3A_16 : i32
      %multiple_of3A = tpu.assume_multiple %add3A_17, 128 : i32
      %mul3A_18 = arith.constant 128 : i32
      %mul3A_19 = arith.muli %multiple_of3A, %mul3A_18 : i32
      "tpu.region"() ({
        %run_scoped3A = tpu.sem_alloc : memref<!tpu.dma_semaphore, #tpu.memory_space<semaphore_mem>>
        %dma_start3A = tpu.memref_slice %arg2[%mul3A_19] : memref<1048576xf32, #tpu.memory_space<hbm>> -> memref<16384xf32, #tpu.memory_space<hbm>>
        %dma_start3A_30 = tpu.memref_slice %arg2[%mul3A_19] : memref<1048576xf32, #tpu.memory_space<hbm>> -> memref<16384xf32, #tpu.memory_space<hbm>>
        tpu.enqueue_dma source(%dma_start3A_30 : memref<16384xf32, #tpu.memory_space<hbm>>) target(%arg5 : memref<16384xf32, #tpu.memory_space<vmem>>) target_semaphore(%run_scoped3A : memref<!tpu.dma_semaphore, #tpu.memory_space<semaphore_mem>>)
        %dma_wait3A = tpu.memref_slice %arg2[%mul3A_19] : memref<1048576xf32, #tpu.memory_space<hbm>> -> memref<16384xf32, #tpu.memory_space<hbm>>
        %dma_wait3A_31 = tpu.memref_slice %arg2[%mul3A_19] : memref<1048576xf32, #tpu.memory_space<hbm>> -> memref<16384xf32, #tpu.memory_space<hbm>>
        tpu.wait_dma2 semaphore(%run_scoped3A : memref<!tpu.dma_semaphore, #tpu.memory_space<semaphore_mem>>) src(%dma_wait3A_31 : memref<16384xf32, #tpu.memory_space<hbm>>) dst(%arg5 : memref<16384xf32, #tpu.memory_space<vmem>>)
        tpu.yield
      }) : () -> ()
      %scan3A_20 = arith.constant 0 : i32
      %scan3A_21 = arith.constant 0 : i32
      %scan3A_22 = arith.constant 64 : i32
      %scan3A_23 = arith.addi %scan3A_21, %scan3A_22 : i32
      %scan3A_24 = arith.constant 1 : i32
      scf.for %scan3A_30 = %scan3A_21 to %scan3A_23 step %scan3A_24  : i32 {
        %mul3A_31 = arith.constant 2 : i32
        %mul3A_32 = arith.muli %mul3A_31, %scan3A_30 : i32
        %mul3A_33 = arith.constant 128 : i32
        %mul3A_34 = arith.muli %mul3A_32, %mul3A_33 : i32
        %get3A = arith.index_cast %mul3A_34 : i32 to index
        %get3A_35 = tpu.vector_load %arg5[%get3A] {strides = array<i32>} : memref<16384xf32, #tpu.memory_space<vmem>>, vector<16xf32>,
        %mul3A_36 = arith.constant 128 : i32
        %mul3A_37 = arith.muli %mul3A_32, %mul3A_36 : i32
        %add3A_38 = arith.constant 16 : i32
        %add3A_39 = arith.addi %mul3A_37, %add3A_38 : i32
        %get3A_40 = arith.index_cast %add3A_39 : i32 to index
        %get3A_41 = tpu.vector_load %arg5[%get3A_40] {strides = array<i32>} : memref<16384xf32, #tpu.memory_space<vmem>>, vector<16xf32>,
        %mul3A_42 = arith.constant 128 : i32
        %mul3A_43 = arith.muli %mul3A_32, %mul3A_42 : i32
        %add3A_44 = arith.constant 32 : i32
        %add3A_45 = arith.addi %mul3A_43, %add3A_44 : i32
        %get3A_46 = arith.index_cast %add3A_45 : i32 to index
        %get3A_47 = tpu.vector_load %arg5[%get3A_46] {strides = array<i32>} : memref<16384xf32, #tpu.memory_space<vmem>>, vector<16xf32>,
        %mul3A_48 = arith.constant 128 : i32
        %mul3A_49 = arith.muli %mul3A_32, %mul3A_48 : i32
        %add3A_50 = arith.constant 48 : i32
        %add3A_51 = arith.addi %mul3A_49, %add3A_50 : i32
        %get3A_52 = arith.index_cast %add3A_51 : i32 to index
        %get3A_53 = tpu.vector_load %arg5[%get3A_52] {strides = array<i32>} : memref<16384xf32, #tpu.memory_space<vmem>>, vector<16xf32>,
        %max3A_54 = arith.maximumf %get3A_35, %get3A_41 : vector<16xf32>
        %max3A_55 = arith.maximumf %get3A_47, %get3A_53 : vector<16xf32>
        %max3A_56 = arith.maximumf %max3A_54, %max3A_55 : vector<16xf32>
        %reduce_max3A = arith.constant true
        %reduce_max3A_57 = vector.broadcast %reduce_max3A : i1 to vector<16xi1>
        %reduce_max3A_58 = tpu.scan <max>, %max3A_56 masked %reduce_max3A_57 : vector<16xf32>, vector<16xi1> -> vector<16xf32>
        %reduce_max3A_59 = vector.extract %reduce_max3A_58[15] : f32 from vector<16xf32>
        %sub3A_60 = vector.broadcast %reduce_max3A_59 : f32 to vector<16xf32>
        %sub3A_61 = arith.subf %get3A_35, %sub3A_60 : vector<16xf32>
        %exp3A = math.exp %sub3A_61 : vector<16xf32>
        %sub3A_62 = vector.broadcast %reduce_max3A_59 : f32 to vector<16xf32>
        %sub3A_63 = arith.subf %get3A_41, %sub3A_62 : vector<16xf32>
        %exp3A_64 = math.exp %sub3A_63 : vector<16xf32>
        %add3A_65 = arith.addf %exp3A, %exp3A_64 : vector<16xf32>
        %sub3A_66 = vector.broadcast %reduce_max3A_59 : f32 to vector<16xf32>
        %sub3A_67 = arith.subf %get3A_47, %sub3A_66 : vector<16xf32>
        %exp3A_68 = math.exp %sub3A_67 : vector<16xf32>
        %add3A_69 = arith.addf %add3A_65, %exp3A_68 : vector<16xf32>
        %sub3A_70 = vector.broadcast %reduce_max3A_59 : f32 to vector<16xf32>
        %sub3A_71 = arith.subf %get3A_53, %sub3A_70 : vector<16xf32>
        %exp3A_72 = math.exp %sub3A_71 : vector<16xf32>
        %add3A_73 = arith.addf %add3A_69, %exp3A_72 : vector<16xf32>
        %reduce_sum3A = arith.constant true
        %reduce_sum3A_74 = vector.broadcast %reduce_sum3A : i1 to vector<16xi1>
        %reduce_sum3A_75 = tpu.scan <sum>, %add3A_73 masked %reduce_sum3A_74 : vector<16xf32>, vector<16xi1> -> vector<16xf32>
        %reduce_sum3A_76 = vector.extract %reduce_sum3A_75[15] : f32 from vector<16xf32>
        %mul3A_77 = arith.constant 128 : i32
        %mul3A_78 = arith.muli %mul3A_32, %mul3A_77 : i32
        %add3A_79 = arith.constant 0 : i32
        %add3A_80 = arith.addi %mul3A_78, %add3A_79 : i32
        %get3A_81 = arith.index_cast %add3A_80 : i32 to index
        %get3A_82 = tpu.vector_load %arg5[%get3A_81] {strides = array<i32>} : memref<16384xf32, #tpu.memory_space<vmem>>, vector<16xf32>,
        %add3A_83 = arith.constant 0 : i32
        %add3A_84 = vector.broadcast %add3A_83 : i32 to vector<16xi32>
        %add3A_85 = arith.addi %iota3A, %add3A_84 : vector<16xi32>
        %masked_sort3A = arith.constant dense<true> : vector<16xi1>
        %masked_sort3A_86, %masked_sort3A_87, %masked_sort3A_88 = tpu.sort %get3A_82, %add3A_85 masked %masked_sort3A {descending = true} : (vector<16xf32>, vector<16xi32>, vector<16xi1>) -> (vector<16xi1>, vector<16xf32>, vector<16xi32>)
        %mul3A_89 = arith.constant 128 : i32
        %mul3A_90 = arith.muli %mul3A_32, %mul3A_89 : i32
        %add3A_91 = arith.constant 16 : i32
        %add3A_92 = arith.addi %mul3A_90, %add3A_91 : i32
        %get3A_93 = arith.index_cast %add3A_92 : i32 to index
        %get3A_94 = tpu.vector_load %arg5[%get3A_93] {strides = array<i32>} : memref<16384xf32, #tpu.memory_space<vmem>>, vector<16xf32>,
        %add3A_95 = arith.constant 16 : i32
        %add3A_96 = vector.broadcast %add3A_95 : i32 to vector<16xi32>
        %add3A_97 = arith.addi %iota3A, %add3A_96 : vector<16xi32>
        %masked_sort3A_98 = arith.constant dense<true> : vector<16xi1>
        %masked_sort3A_99, %masked_sort3A_100, %masked_sort3A_101 = tpu.sort %get3A_94, %add3A_97 masked %masked_sort3A_98 : (vector<16xf32>, vector<16xi32>, vector<16xi1>) -> (vector<16xi1>, vector<16xf32>, vector<16xi32>)
        %mul3A_102 = arith.constant 128 : i32
        %mul3A_103 = arith.muli %mul3A_32, %mul3A_102 : i32
        %add3A_104 = arith.constant 32 : i32
        %add3A_105 = arith.addi %mul3A_103, %add3A_104 : i32
        %get3A_106 = arith.index_cast %add3A_105 : i32 to index
        %get3A_107 = tpu.vector_load %arg5[%get3A_106] {strides = array<i32>} : memref<16384xf32, #tpu.memory_space<vmem>>, vector<16xf32>,
        %add3A_108 = arith.constant 32 : i32
        %add3A_109 = vector.broadcast %add3A_108 : i32 to vector<16xi32>
        %add3A_110 = arith.addi %iota3A, %add3A_109 : vector<16xi32>
        %masked_sort3A_111 = arith.constant dense<true> : vector<16xi1>
        %masked_sort3A_112, %masked_sort3A_113, %masked_sort3A_114 = tpu.sort %get3A_107, %add3A_110 masked %masked_sort3A_111 {descending = true} : (vector<16xf32>, vector<16xi32>, vector<16xi1>) -> (vector<16xi1>, vector<16xf32>, vector<16xi32>)
        %mul3A_115 = arith.constant 128 : i32
        %mul3A_116 = arith.muli %mul3A_32, %mul3A_115 : i32
        %add3A_117 = arith.constant 48 : i32
        %add3A_118 = arith.addi %mul3A_116, %add3A_117 : i32
        %get3A_119 = arith.index_cast %add3A_118 : i32 to index
        %get3A_120 = tpu.vector_load %arg5[%get3A_119] {strides = array<i32>} : memref<16384xf32, #tpu.memory_space<vmem>>, vector<16xf32>,
        %add3A_121 = arith.constant 48 : i32
        %add3A_122 = vector.broadcast %add3A_121 : i32 to vector<16xi32>
        %add3A_123 = arith.addi %iota3A, %add3A_122 : vector<16xi32>
        %masked_sort3A_124 = arith.constant dense<true> : vector<16xi1>
        %masked_sort3A_125, %masked_sort3A_126, %masked_sort3A_127 = tpu.sort %get3A_120, %add3A_123 masked %masked_sort3A_124 : (vector<16xf32>, vector<16xi32>, vector<16xi1>) -> (vector<16xi1>, vector<16xf32>, vector<16xi32>)
        %select_n3A = arith.select %lt3A_4, %masked_sort3A_87, %masked_sort3A_100 : vector<16xi1>, vector<16xf32>
        %select_n3A_128 = arith.select %lt3A_4, %masked_sort3A_88, %masked_sort3A_101 : vector<16xi1>, vector<16xi32>
        %select_n3A_129 = arith.select %lt3A_4, %masked_sort3A_113, %masked_sort3A_126 : vector<16xi1>, vector<16xf32>
        %select_n3A_130 = arith.select %lt3A_4, %masked_sort3A_114, %masked_sort3A_127 : vector<16xi1>, vector<16xi32>
        %masked_sort3A_131 = arith.constant dense<true> : vector<16xi1>
        %masked_sort3A_132, %masked_sort3A_133, %masked_sort3A_134 = tpu.sort %select_n3A, %select_n3A_128 masked %masked_sort3A_131 {descending = true} : (vector<16xf32>, vector<16xi32>, vector<16xi1>) -> (vector<16xi1>, vector<16xf32>, vector<16xi32>)
        %masked_sort3A_135 = arith.constant dense<true> : vector<16xi1>
        %masked_sort3A_136, %masked_sort3A_137, %masked_sort3A_138 = tpu.sort %select_n3A_129, %select_n3A_130 masked %masked_sort3A_135 : (vector<16xf32>, vector<16xi32>, vector<16xi1>) -> (vector<16xi1>, vector<16xf32>, vector<16xi32>)
        %select_n3A_139 = arith.select %lt3A_4, %masked_sort3A_133, %masked_sort3A_137 : vector<16xi1>, vector<16xf32>
        %select_n3A_140 = arith.select %lt3A_4, %masked_sort3A_134, %masked_sort3A_138 : vector<16xi1>, vector<16xi32>
        %masked_sort3A_141 = arith.constant dense<true> : vector<16xi1>
        %masked_sort3A_142, %masked_sort3A_143, %masked_sort3A_144 = tpu.sort %select_n3A_139, %select_n3A_140 masked %masked_sort3A_141 {descending = true} : (vector<16xf32>, vector<16xi32>, vector<16xi1>) -> (vector<16xi1>, vector<16xf32>, vector<16xi32>)
        %sub3A_145 = vector.broadcast %reduce_max3A_59 : f32 to vector<16xf32>
        %sub3A_146 = arith.subf %masked_sort3A_143, %sub3A_145 : vector<16xf32>
        %exp3A_147 = math.exp %sub3A_146 : vector<16xf32>
        %div3A = vector.broadcast %reduce_sum3A_76 : f32 to vector<16xf32>
        %div3A_148 = arith.divf %exp3A_147, %div3A : vector<16xf32>
        %mul3A_149 = arith.constant 2 : i32
        %mul3A_150 = arith.muli %mul3A_149, %scan3A_30 : i32
        %add3A_151 = arith.constant 1 : i32
        %add3A_152 = arith.addi %mul3A_150, %add3A_151 : i32
        %mul3A_153 = arith.constant 128 : i32
        %mul3A_154 = arith.muli %add3A_152, %mul3A_153 : i32
        %get3A_155 = arith.index_cast %mul3A_154 : i32 to index
        %get3A_156 = tpu.vector_load %arg5[%get3A_155] {strides = array<i32>} : memref<16384xf32, #tpu.memory_space<vmem>>, vector<16xf32>,
        %mul3A_157 = arith.constant 128 : i32
        %mul3A_158 = arith.muli %add3A_152, %mul3A_157 : i32
        %add3A_159 = arith.constant 16 : i32
        %add3A_160 = arith.addi %mul3A_158, %add3A_159 : i32
        %get3A_161 = arith.index_cast %add3A_160 : i32 to index
        %get3A_162 = tpu.vector_load %arg5[%get3A_161] {strides = array<i32>} : memref<16384xf32, #tpu.memory_space<vmem>>, vector<16xf32>,
        %mul3A_163 = arith.constant 128 : i32
        %mul3A_164 = arith.muli %add3A_152, %mul3A_163 : i32
        %add3A_165 = arith.constant 32 : i32
        %add3A_166 = arith.addi %mul3A_164, %add3A_165 : i32
        %get3A_167 = arith.index_cast %add3A_166 : i32 to index
        %get3A_168 = tpu.vector_load %arg5[%get3A_167] {strides = array<i32>} : memref<16384xf32, #tpu.memory_space<vmem>>, vector<16xf32>,
        %mul3A_169 = arith.constant 128 : i32
        %mul3A_170 = arith.muli %add3A_152, %mul3A_169 : i32
        %add3A_171 = arith.constant 48 : i32
        %add3A_172 = arith.addi %mul3A_170, %add3A_171 : i32
        %get3A_173 = arith.index_cast %add3A_172 : i32 to index
        %get3A_174 = tpu.vector_load %arg5[%get3A_173] {strides = array<i32>} : memref<16384xf32, #tpu.memory_space<vmem>>, vector<16xf32>,
        %max3A_175 = arith.maximumf %get3A_156, %get3A_162 : vector<16xf32>
        %max3A_176 = arith.maximumf %get3A_168, %get3A_174 : vector<16xf32>
        %max3A_177 = arith.maximumf %max3A_175, %max3A_176 : vector<16xf32>
        %reduce_max3A_178 = arith.constant true
        %reduce_max3A_179 = vector.broadcast %reduce_max3A_178 : i1 to vector<16xi1>
        %reduce_max3A_180 = tpu.scan <max>, %max3A_177 masked %reduce_max3A_179 : vector<16xf32>, vector<16xi1> -> vector<16xf32>
        %reduce_max3A_181 = vector.extract %reduce_max3A_180[15] : f32 from vector<16xf32>
        %sub3A_182 = vector.broadcast %reduce_max3A_181 : f32 to vector<16xf32>
        %sub3A_183 = arith.subf %get3A_156, %sub3A_182 : vector<16xf32>
        %exp3A_184 = math.exp %sub3A_183 : vector<16xf32>
        %sub3A_185 = vector.broadcast %reduce_max3A_181 : f32 to vector<16xf32>
        %sub3A_186 = arith.subf %get3A_162, %sub3A_185 : vector<16xf32>
        %exp3A_187 = math.exp %sub3A_186 : vector<16xf32>
        %add3A_188 = arith.addf %exp3A_184, %exp3A_187 : vector<16xf32>
        %sub3A_189 = vector.broadcast %reduce_max3A_181 : f32 to vector<16xf32>
        %sub3A_190 = arith.subf %get3A_168, %sub3A_189 : vector<16xf32>
        %exp3A_191 = math.exp %sub3A_190 : vector<16xf32>
        %add3A_192 = arith.addf %add3A_188, %exp3A_191 : vector<16xf32>
        %sub3A_193 = vector.broadcast %reduce_max3A_181 : f32 to vector<16xf32>
        %sub3A_194 = arith.subf %get3A_174, %sub3A_193 : vector<16xf32>
        %exp3A_195 = math.exp %sub3A_194 : vector<16xf32>
        %add3A_196 = arith.addf %add3A_192, %exp3A_195 : vector<16xf32>
        %reduce_sum3A_197 = arith.constant true
        %reduce_sum3A_198 = vector.broadcast %reduce_sum3A_197 : i1 to vector<16xi1>
        %reduce_sum3A_199 = tpu.scan <sum>, %add3A_196 masked %reduce_sum3A_198 : vector<16xf32>, vector<16xi1> -> vector<16xf32>
        %reduce_sum3A_200 = vector.extract %reduce_sum3A_199[15] : f32 from vector<16xf32>
        %mul3A_201 = arith.constant 128 : i32
        %mul3A_202 = arith.muli %add3A_152, %mul3A_201 : i32
        %add3A_203 = arith.constant 0 : i32
        %add3A_204 = arith.addi %mul3A_202, %add3A_203 : i32
        %get3A_205 = arith.index_cast %add3A_204 : i32 to index
        %get3A_206 = tpu.vector_load %arg5[%get3A_205] {strides = array<i32>} : memref<16384xf32, #tpu.memory_space<vmem>>, vector<16xf32>,
        %add3A_207 = arith.constant 0 : i32
        %add3A_208 = vector.broadcast %add3A_207 : i32 to vector<16xi32>
        %add3A_209 = arith.addi %iota3A, %add3A_208 : vector<16xi32>
        %masked_sort3A_210 = arith.constant dense<true> : vector<16xi1>
        %masked_sort3A_211, %masked_sort3A_212, %masked_sort3A_213 = tpu.sort %get3A_206, %add3A_209 masked %masked_sort3A_210 {descending = true} : (vector<16xf32>, vector<16xi32>, vector<16xi1>) -> (vector<16xi1>, vector<16xf32>, vector<16xi32>)
        %mul3A_214 = arith.constant 128 : i32
        %mul3A_215 = arith.muli %add3A_152, %mul3A_214 : i32
        %add3A_216 = arith.constant 16 : i32
        %add3A_217 = arith.addi %mul3A_215, %add3A_216 : i32
        %get3A_218 = arith.index_cast %add3A_217 : i32 to index
        %get3A_219 = tpu.vector_load %arg5[%get3A_218] {strides = array<i32>} : memref<16384xf32, #tpu.memory_space<vmem>>, vector<16xf32>,
        %add3A_220 = arith.constant 16 : i32
        %add3A_221 = vector.broadcast %add3A_220 : i32 to vector<16xi32>
        %add3A_222 = arith.addi %iota3A, %add3A_221 : vector<16xi32>
        %masked_sort3A_223 = arith.constant dense<true> : vector<16xi1>
        %masked_sort3A_224, %masked_sort3A_225, %masked_sort3A_226 = tpu.sort %get3A_219, %add3A_222 masked %masked_sort3A_223 : (vector<16xf32>, vector<16xi32>, vector<16xi1>) -> (vector<16xi1>, vector<16xf32>, vector<16xi32>)
        %mul3A_227 = arith.constant 128 : i32
        %mul3A_228 = arith.muli %add3A_152, %mul3A_227 : i32
        %add3A_229 = arith.constant 32 : i32
        %add3A_230 = arith.addi %mul3A_228, %add3A_229 : i32
        %get3A_231 = arith.index_cast %add3A_230 : i32 to index
        %get3A_232 = tpu.vector_load %arg5[%get3A_231] {strides = array<i32>} : memref<16384xf32, #tpu.memory_space<vmem>>, vector<16xf32>,
        %add3A_233 = arith.constant 32 : i32
        %add3A_234 = vector.broadcast %add3A_233 : i32 to vector<16xi32>
        %add3A_235 = arith.addi %iota3A, %add3A_234 : vector<16xi32>
        %masked_sort3A_236 = arith.constant dense<true> : vector<16xi1>
        %masked_sort3A_237, %masked_sort3A_238, %masked_sort3A_239 = tpu.sort %get3A_232, %add3A_235 masked %masked_sort3A_236 {descending = true} : (vector<16xf32>, vector<16xi32>, vector<16xi1>) -> (vector<16xi1>, vector<16xf32>, vector<16xi32>)
        %mul3A_240 = arith.constant 128 : i32
        %mul3A_241 = arith.muli %add3A_152, %mul3A_240 : i32
        %add3A_242 = arith.constant 48 : i32
        %add3A_243 = arith.addi %mul3A_241, %add3A_242 : i32
        %get3A_244 = arith.index_cast %add3A_243 : i32 to index
        %get3A_245 = tpu.vector_load %arg5[%get3A_244] {strides = array<i32>} : memref<16384xf32, #tpu.memory_space<vmem>>, vector<16xf32>,
        %add3A_246 = arith.constant 48 : i32
        %add3A_247 = vector.broadcast %add3A_246 : i32 to vector<16xi32>
        %add3A_248 = arith.addi %iota3A, %add3A_247 : vector<16xi32>
        %masked_sort3A_249 = arith.constant dense<true> : vector<16xi1>
        %masked_sort3A_250, %masked_sort3A_251, %masked_sort3A_252 = tpu.sort %get3A_245, %add3A_248 masked %masked_sort3A_249 : (vector<16xf32>, vector<16xi32>, vector<16xi1>) -> (vector<16xi1>, vector<16xf32>, vector<16xi32>)
        %select_n3A_253 = arith.select %lt3A_4, %masked_sort3A_212, %masked_sort3A_225 : vector<16xi1>, vector<16xf32>
        %select_n3A_254 = arith.select %lt3A_4, %masked_sort3A_213, %masked_sort3A_226 : vector<16xi1>, vector<16xi32>
        %select_n3A_255 = arith.select %lt3A_4, %masked_sort3A_238, %masked_sort3A_251 : vector<16xi1>, vector<16xf32>
        %select_n3A_256 = arith.select %lt3A_4, %masked_sort3A_239, %masked_sort3A_252 : vector<16xi1>, vector<16xi32>
        %masked_sort3A_257 = arith.constant dense<true> : vector<16xi1>
        %masked_sort3A_258, %masked_sort3A_259, %masked_sort3A_260 = tpu.sort %select_n3A_253, %select_n3A_254 masked %masked_sort3A_257 {descending = true} : (vector<16xf32>, vector<16xi32>, vector<16xi1>) -> (vector<16xi1>, vector<16xf32>, vector<16xi32>)
        %masked_sort3A_261 = arith.constant dense<true> : vector<16xi1>
        %masked_sort3A_262, %masked_sort3A_263, %masked_sort3A_264 = tpu.sort %select_n3A_255, %select_n3A_256 masked %masked_sort3A_261 : (vector<16xf32>, vector<16xi32>, vector<16xi1>) -> (vector<16xi1>, vector<16xf32>, vector<16xi32>)
        %select_n3A_265 = arith.select %lt3A_4, %masked_sort3A_259, %masked_sort3A_263 : vector<16xi1>, vector<16xf32>
        %select_n3A_266 = arith.select %lt3A_4, %masked_sort3A_260, %masked_sort3A_264 : vector<16xi1>, vector<16xi32>
        %masked_sort3A_267 = arith.constant dense<true> : vector<16xi1>
        %masked_sort3A_268, %masked_sort3A_269, %masked_sort3A_270 = tpu.sort %select_n3A_265, %select_n3A_266 masked %masked_sort3A_267 {descending = true} : (vector<16xf32>, vector<16xi32>, vector<16xi1>) -> (vector<16xi1>, vector<16xf32>, vector<16xi32>)
        %sub3A_271 = vector.broadcast %reduce_max3A_181 : f32 to vector<16xf32>
        %sub3A_272 = arith.subf %masked_sort3A_269, %sub3A_271 : vector<16xf32>
        %exp3A_273 = math.exp %sub3A_272 : vector<16xf32>
        %div3A_274 = vector.broadcast %reduce_sum3A_200 : f32 to vector<16xf32>
        %div3A_275 = arith.divf %exp3A_273, %div3A_274 : vector<16xf32>
        %gather3A = vector.shape_cast %reshape3A : vector<16x1xi32> to vector<16xi32>
        %gather3A_276 = tpu.dynamic_gather %div3A_275[%gather3A] in [0] : vector<16xf32>, vector<16xi32> -> vector<16xf32>
        %select_n3A_277 = arith.select %lt3A_4, %div3A_148, %gather3A_276 : vector<16xi1>, vector<16xf32>
        %mul3A_278 = arith.constant 2 : i32
        %mul3A_279 = arith.muli %scan3A_30, %mul3A_278 : i32
        %mul3A_280 = arith.constant 8 : i32
        %mul3A_281 = arith.muli %mul3A_279, %mul3A_280 : i32
        %swap3A = arith.index_cast %mul3A_281 : i32 to index
        %swap3A_282 = tpu.vector_load %arg7[%swap3A] {strides = array<i32>} : memref<1024xf32, #tpu.memory_space<vmem>>, vector<16xf32>,
        tpu.vector_store %arg7[%swap3A], %select_n3A_277 {strides = array<i32>} : memref<1024xf32, #tpu.memory_space<vmem>>, vector<16xf32>,
        %gather3A_283 = vector.shape_cast %reshape3A : vector<16x1xi32> to vector<16xi32>
        %gather3A_284 = tpu.dynamic_gather %masked_sort3A_270[%gather3A_283] in [0] : vector<16xi32>, vector<16xi32> -> vector<16xi32>
        %select_n3A_285 = arith.select %lt3A_4, %masked_sort3A_144, %gather3A_284 : vector<16xi1>, vector<16xi32>
        %mul3A_286 = arith.constant 2 : i32
        %mul3A_287 = arith.muli %scan3A_30, %mul3A_286 : i32
        %mul3A_288 = arith.constant 8 : i32
        %mul3A_289 = arith.muli %mul3A_287, %mul3A_288 : i32
        %swap3A_290 = arith.index_cast %mul3A_289 : i32 to index
        %swap3A_291 = tpu.vector_load %arg6[%swap3A_290] {strides = array<i32>} : memref<1024xi32, #tpu.memory_space<vmem>>, vector<16xi32>,
        tpu.vector_store %arg6[%swap3A_290], %select_n3A_285 {strides = array<i32>} : memref<1024xi32, #tpu.memory_space<vmem>>, vector<16xi32>,
      }
      %scan3A_25 = arith.constant 64 : i32
      %mul3A_26 = arith.constant 8 : i32
      %mul3A_27 = arith.muli %multiple_of3A, %mul3A_26 : i32
      "tpu.region"() ({
        %run_scoped3A = tpu.sem_alloc : memref<!tpu.dma_semaphore, #tpu.memory_space<semaphore_mem>>
        %dma_start3A = tpu.memref_slice %arg3[%mul3A_27] : memref<65536xi32, #tpu.memory_space<hbm>> -> memref<1024xi32, #tpu.memory_space<hbm>>
        %dma_start3A_30 = tpu.memref_slice %arg3[%mul3A_27] : memref<65536xi32, #tpu.memory_space<hbm>> -> memref<1024xi32, #tpu.memory_space<hbm>>
        tpu.enqueue_dma source(%arg6 : memref<1024xi32, #tpu.memory_space<vmem>>) target(%dma_start3A_30 : memref<1024xi32, #tpu.memory_space<hbm>>) target_semaphore(%run_scoped3A : memref<!tpu.dma_semaphore, #tpu.memory_space<semaphore_mem>>)
        %dma_wait3A = tpu.memref_slice %arg3[%mul3A_27] : memref<65536xi32, #tpu.memory_space<hbm>> -> memref<1024xi32, #tpu.memory_space<hbm>>
        %dma_wait3A_31 = tpu.memref_slice %arg3[%mul3A_27] : memref<65536xi32, #tpu.memory_space<hbm>> -> memref<1024xi32, #tpu.memory_space<hbm>>
        tpu.wait_dma2 semaphore(%run_scoped3A : memref<!tpu.dma_semaphore, #tpu.memory_space<semaphore_mem>>) src(%arg6 : memref<1024xi32, #tpu.memory_space<vmem>>) dst(%dma_wait3A_31 : memref<1024xi32, #tpu.memory_space<hbm>>)
        tpu.yield
      }) : () -> ()
      %mul3A_28 = arith.constant 8 : i32
      %mul3A_29 = arith.muli %multiple_of3A, %mul3A_28 : i32
      "tpu.region"() ({
        %run_scoped3A = tpu.sem_alloc : memref<!tpu.dma_semaphore, #tpu.memory_space<semaphore_mem>>
        %dma_start3A = tpu.memref_slice %arg4[%mul3A_29] : memref<65536xf32, #tpu.memory_space<hbm>> -> memref<1024xf32, #tpu.memory_space<hbm>>
        %dma_start3A_30 = tpu.memref_slice %arg4[%mul3A_29] : memref<65536xf32, #tpu.memory_space<hbm>> -> memref<1024xf32, #tpu.memory_space<hbm>>
        tpu.enqueue_dma source(%arg7 : memref<1024xf32, #tpu.memory_space<vmem>>) target(%dma_start3A_30 : memref<1024xf32, #tpu.memory_space<hbm>>) target_semaphore(%run_scoped3A : memref<!tpu.dma_semaphore, #tpu.memory_space<semaphore_mem>>)
        %dma_wait3A = tpu.memref_slice %arg4[%mul3A_29] : memref<65536xf32, #tpu.memory_space<hbm>> -> memref<1024xf32, #tpu.memory_space<hbm>>
        %dma_wait3A_31 = tpu.memref_slice %arg4[%mul3A_29] : memref<65536xf32, #tpu.memory_space<hbm>> -> memref<1024xf32, #tpu.memory_space<hbm>>
        tpu.wait_dma2 semaphore(%run_scoped3A : memref<!tpu.dma_semaphore, #tpu.memory_space<semaphore_mem>>) src(%arg7 : memref<1024xf32, #tpu.memory_space<vmem>>) dst(%dma_wait3A_31 : memref<1024xf32, #tpu.memory_space<hbm>>)
        tpu.yield
      }) : () -> ()
    }
    %scan3A_13 = arith.constant 2 : i32
    return
  }
}

#map = affine_map<(d0, d1) -> (0)>
module attributes {stable_mosaic.version = 14 : i64} {
  func.func @_sc_topk_body(%arg0: i32, %arg1: i32, %arg2: memref<1048576xf32, #tpu.memory_space<hbm>>, %arg3: memref<65536xi32, #tpu.memory_space<hbm>>, %arg4: memref<65536xf32, #tpu.memory_space<hbm>>, %arg5: memref<16384xf32, #tpu.memory_space<vmem>>, %arg6: memref<1024xi32, #tpu.memory_space<vmem>>, %arg7: memref<1024xf32, #tpu.memory_space<vmem>>) attributes {dimension_semantics = [#tpu.dimension_semantics<core_parallel>, #tpu.dimension_semantics<subcore_parallel>], iteration_bounds = array<i64: 2, 16>, scalar_prefetch = 0 : i64, scratch_operands = 3 : i64, tpu.core_type = #tpu.core_type<sc_vector_subcore>, window_params = [{transform_indices = #map}, {transform_indices = #map}, {transform_indices = #map}]} {
    %mul3A = arith.constant 2 : i32
    %mul3A_0 = arith.muli %arg1, %mul3A : i32
    %add3A = arith.addi %mul3A_0, %arg0 : i32
    %mul3A_1 = arith.constant 256 : i32
    %mul3A_2 = arith.muli %add3A, %mul3A_1 : i32
    %iota3A = tpu.iota {dimensions = array<i32: 0>} : vector<16xi32>
    %lt3A = arith.constant 8 : i32
    %lt3A_3 = vector.broadcast %lt3A : i32 to vector<16xi32>
    %lt3A_4 = arith.cmpi slt, %iota3A, %lt3A_3 : vector<16xi32>
    %sub3A = arith.constant 8 : i32
    %sub3A_5 = vector.broadcast %sub3A : i32 to vector<16xi32>
    %sub3A_6 = arith.subi %iota3A, %sub3A_5 : vector<16xi32>
    %max3A = arith.constant 0 : i32
    %max3A_7 = vector.broadcast %max3A : i32 to vector<16xi32>
    %max3A_8 = arith.maxsi %sub3A_6, %max3A_7 : vector<16xi32>
    %reshape3A = vector.shape_cast %max3A_8 : vector<16xi32> to vector<16x1xi32>
    %scan3A = arith.constant 0 : i32
    %scan3A_9 = arith.constant 0 : i32
    %scan3A_10 = arith.constant 2 : i32
    %scan3A_11 = arith.addi %scan3A_9, %scan3A_10 : i32
    %scan3A_12 = arith.constant 1 : i32
    scf.for %scan3A_14 = %scan3A_9 to %scan3A_11 step %scan3A_12  : i32 {
      %mul3A_15 = arith.constant 128 : i32
      %mul3A_16 = arith.muli %scan3A_14, %mul3A_15 : i32
      %add3A_17 = arith.addi %mul3A_2, %mul3A_16 : i32
      %multiple_of3A = tpu.assume_multiple %add3A_17, 128 : i32
      %mul3A_18 = arith.constant 128 : i32
      %mul3A_19 = arith.muli %multiple_of3A, %mul3A_18 : i32
      "tpu.region"() ({
        %run_scoped3A = tpu.sem_alloc : memref<!tpu.dma_semaphore, #tpu.memory_space<semaphore_mem>>
        %dma_start3A = tpu.memref_slice %arg2[%mul3A_19] : memref<1048576xf32, #tpu.memory_space<hbm>> -> memref<16384xf32, #tpu.memory_space<hbm>>
        %dma_start3A_30 = tpu.memref_slice %arg2[%mul3A_19] : memref<1048576xf32, #tpu.memory_space<hbm>> -> memref<16384xf32, #tpu.memory_space<hbm>>
        tpu.enqueue_dma source(%dma_start3A_30 : memref<16384xf32, #tpu.memory_space<hbm>>) target(%arg5 : memref<16384xf32, #tpu.memory_space<vmem>>) target_semaphore(%run_scoped3A : memref<!tpu.dma_semaphore, #tpu.memory_space<semaphore_mem>>)
        %dma_wait3A = tpu.memref_slice %arg2[%mul3A_19] : memref<1048576xf32, #tpu.memory_space<hbm>> -> memref<16384xf32, #tpu.memory_space<hbm>>
        %dma_wait3A_31 = tpu.memref_slice %arg2[%mul3A_19] : memref<1048576xf32, #tpu.memory_space<hbm>> -> memref<16384xf32, #tpu.memory_space<hbm>>
        tpu.wait_dma2 semaphore(%run_scoped3A : memref<!tpu.dma_semaphore, #tpu.memory_space<semaphore_mem>>) src(%dma_wait3A_31 : memref<16384xf32, #tpu.memory_space<hbm>>) dst(%arg5 : memref<16384xf32, #tpu.memory_space<vmem>>)
        tpu.yield
      }) : () -> ()
      %scan3A_20 = arith.constant 0 : i32
      %scan3A_21 = arith.constant 0 : i32
      %scan3A_22 = arith.constant 64 : i32
      %scan3A_23 = arith.addi %scan3A_21, %scan3A_22 : i32
      %scan3A_24 = arith.constant 1 : i32
      scf.for %scan3A_30 = %scan3A_21 to %scan3A_23 step %scan3A_24  : i32 {
        %mul3A_31 = arith.constant 2 : i32
        %mul3A_32 = arith.muli %mul3A_31, %scan3A_30 : i32
        %mul3A_33 = arith.constant 128 : i32
        %mul3A_34 = arith.muli %mul3A_32, %mul3A_33 : i32
        %get3A = arith.index_cast %mul3A_34 : i32 to index
        %get3A_35 = tpu.vector_load %arg5[%get3A] {strides = array<i32>} : memref<16384xf32, #tpu.memory_space<vmem>>, vector<16xf32>,
        %mul3A_36 = arith.constant 128 : i32
        %mul3A_37 = arith.muli %mul3A_32, %mul3A_36 : i32
        %add3A_38 = arith.constant 16 : i32
        %add3A_39 = arith.addi %mul3A_37, %add3A_38 : i32
        %get3A_40 = arith.index_cast %add3A_39 : i32 to index
        %get3A_41 = tpu.vector_load %arg5[%get3A_40] {strides = array<i32>} : memref<16384xf32, #tpu.memory_space<vmem>>, vector<16xf32>,
        %mul3A_42 = arith.constant 128 : i32
        %mul3A_43 = arith.muli %mul3A_32, %mul3A_42 : i32
        %add3A_44 = arith.constant 32 : i32
        %add3A_45 = arith.addi %mul3A_43, %add3A_44 : i32
        %get3A_46 = arith.index_cast %add3A_45 : i32 to index
        %get3A_47 = tpu.vector_load %arg5[%get3A_46] {strides = array<i32>} : memref<16384xf32, #tpu.memory_space<vmem>>, vector<16xf32>,
        %mul3A_48 = arith.constant 128 : i32
        %mul3A_49 = arith.muli %mul3A_32, %mul3A_48 : i32
        %add3A_50 = arith.constant 48 : i32
        %add3A_51 = arith.addi %mul3A_49, %add3A_50 : i32
        %get3A_52 = arith.index_cast %add3A_51 : i32 to index
        %get3A_53 = tpu.vector_load %arg5[%get3A_52] {strides = array<i32>} : memref<16384xf32, #tpu.memory_space<vmem>>, vector<16xf32>,
        %max3A_54 = arith.maximumf %get3A_35, %get3A_41 : vector<16xf32>
        %max3A_55 = arith.maximumf %get3A_47, %get3A_53 : vector<16xf32>
        %max3A_56 = arith.maximumf %max3A_54, %max3A_55 : vector<16xf32>
        %reduce_max3A = arith.constant true
        %reduce_max3A_57 = vector.broadcast %reduce_max3A : i1 to vector<16xi1>
        %reduce_max3A_58 = tpu.scan <max>, %max3A_56 masked %reduce_max3A_57 : vector<16xf32>, vector<16xi1> -> vector<16xf32>
        %reduce_max3A_59 = vector.extract %reduce_max3A_58[15] : f32 from vector<16xf32>
        %sub3A_60 = vector.broadcast %reduce_max3A_59 : f32 to vector<16xf32>
        %sub3A_61 = arith.subf %get3A_35, %sub3A_60 : vector<16xf32>
        %exp3A = math.exp %sub3A_61 : vector<16xf32>
        %sub3A_62 = vector.broadcast %reduce_max3A_59 : f32 to vector<16xf32>
        %sub3A_63 = arith.subf %get3A_41, %sub3A_62 : vector<16xf32>
        %exp3A_64 = math.exp %sub3A_63 : vector<16xf32>
        %add3A_65 = arith.addf %exp3A, %exp3A_64 : vector<16xf32>
        %sub3A_66 = vector.broadcast %reduce_max3A_59 : f32 to vector<16xf32>
        %sub3A_67 = arith.subf %get3A_47, %sub3A_66 : vector<16xf32>
        %exp3A_68 = math.exp %sub3A_67 : vector<16xf32>
        %add3A_69 = arith.addf %add3A_65, %exp3A_68 : vector<16xf32>
        %sub3A_70 = vector.broadcast %reduce_max3A_59 : f32 to vector<16xf32>
        %sub3A_71 = arith.subf %get3A_53, %sub3A_70 : vector<16xf32>
        %exp3A_72 = math.exp %sub3A_71 : vector<16xf32>
        %add3A_73 = arith.addf %add3A_69, %exp3A_72 : vector<16xf32>
        %reduce_sum3A = arith.constant true
        %reduce_sum3A_74 = vector.broadcast %reduce_sum3A : i1 to vector<16xi1>
        %reduce_sum3A_75 = tpu.scan <sum>, %add3A_73 masked %reduce_sum3A_74 : vector<16xf32>, vector<16xi1> -> vector<16xf32>
        %reduce_sum3A_76 = vector.extract %reduce_sum3A_75[15] : f32 from vector<16xf32>
        %mul3A_77 = arith.constant 128 : i32
        %mul3A_78 = arith.muli %mul3A_32, %mul3A_77 : i32
        %add3A_79 = arith.constant 0 : i32
        %add3A_80 = arith.addi %mul3A_78, %add3A_79 : i32
        %get3A_81 = arith.index_cast %add3A_80 : i32 to index
        %get3A_82 = tpu.vector_load %arg5[%get3A_81] {strides = array<i32>} : memref<16384xf32, #tpu.memory_space<vmem>>, vector<16xf32>,
        %add3A_83 = arith.constant 0 : i32
        %add3A_84 = vector.broadcast %add3A_83 : i32 to vector<16xi32>
        %add3A_85 = arith.addi %iota3A, %add3A_84 : vector<16xi32>
        %masked_sort3A = arith.constant dense<true> : vector<16xi1>
        %masked_sort3A_86, %masked_sort3A_87, %masked_sort3A_88 = tpu.sort %get3A_82, %add3A_85 masked %masked_sort3A {descending = true} : (vector<16xf32>, vector<16xi32>, vector<16xi1>) -> (vector<16xi1>, vector<16xf32>, vector<16xi32>)
        %mul3A_89 = arith.constant 128 : i32
        %mul3A_90 = arith.muli %mul3A_32, %mul3A_89 : i32
        %add3A_91 = arith.constant 16 : i32
        %add3A_92 = arith.addi %mul3A_90, %add3A_91 : i32
        %get3A_93 = arith.index_cast %add3A_92 : i32 to index
        %get3A_94 = tpu.vector_load %arg5[%get3A_93] {strides = array<i32>} : memref<16384xf32, #tpu.memory_space<vmem>>, vector<16xf32>,
        %add3A_95 = arith.constant 16 : i32
        %add3A_96 = vector.broadcast %add3A_95 : i32 to vector<16xi32>
        %add3A_97 = arith.addi %iota3A, %add3A_96 : vector<16xi32>
        %masked_sort3A_98 = arith.constant dense<true> : vector<16xi1>
        %masked_sort3A_99, %masked_sort3A_100, %masked_sort3A_101 = tpu.sort %get3A_94, %add3A_97 masked %masked_sort3A_98 : (vector<16xf32>, vector<16xi32>, vector<16xi1>) -> (vector<16xi1>, vector<16xf32>, vector<16xi32>)
        %mul3A_102 = arith.constant 128 : i32
        %mul3A_103 = arith.muli %mul3A_32, %mul3A_102 : i32
        %add3A_104 = arith.constant 32 : i32
        %add3A_105 = arith.addi %mul3A_103, %add3A_104 : i32
        %get3A_106 = arith.index_cast %add3A_105 : i32 to index
        %get3A_107 = tpu.vector_load %arg5[%get3A_106] {strides = array<i32>} : memref<16384xf32, #tpu.memory_space<vmem>>, vector<16xf32>,
        %add3A_108 = arith.constant 32 : i32
        %add3A_109 = vector.broadcast %add3A_108 : i32 to vector<16xi32>
        %add3A_110 = arith.addi %iota3A, %add3A_109 : vector<16xi32>
        %masked_sort3A_111 = arith.constant dense<true> : vector<16xi1>
        %masked_sort3A_112, %masked_sort3A_113, %masked_sort3A_114 = tpu.sort %get3A_107, %add3A_110 masked %masked_sort3A_111 {descending = true} : (vector<16xf32>, vector<16xi32>, vector<16xi1>) -> (vector<16xi1>, vector<16xf32>, vector<16xi32>)
        %mul3A_115 = arith.constant 128 : i32
        %mul3A_116 = arith.muli %mul3A_32, %mul3A_115 : i32
        %add3A_117 = arith.constant 48 : i32
        %add3A_118 = arith.addi %mul3A_116, %add3A_117 : i32
        %get3A_119 = arith.index_cast %add3A_118 : i32 to index
        %get3A_120 = tpu.vector_load %arg5[%get3A_119] {strides = array<i32>} : memref<16384xf32, #tpu.memory_space<vmem>>, vector<16xf32>,
        %add3A_121 = arith.constant 48 : i32
        %add3A_122 = vector.broadcast %add3A_121 : i32 to vector<16xi32>
        %add3A_123 = arith.addi %iota3A, %add3A_122 : vector<16xi32>
        %masked_sort3A_124 = arith.constant dense<true> : vector<16xi1>
        %masked_sort3A_125, %masked_sort3A_126, %masked_sort3A_127 = tpu.sort %get3A_120, %add3A_123 masked %masked_sort3A_124 : (vector<16xf32>, vector<16xi32>, vector<16xi1>) -> (vector<16xi1>, vector<16xf32>, vector<16xi32>)
        %select_n3A = arith.select %lt3A_4, %masked_sort3A_87, %masked_sort3A_100 : vector<16xi1>, vector<16xf32>
        %select_n3A_128 = arith.select %lt3A_4, %masked_sort3A_88, %masked_sort3A_101 : vector<16xi1>, vector<16xi32>
        %select_n3A_129 = arith.select %lt3A_4, %masked_sort3A_113, %masked_sort3A_126 : vector<16xi1>, vector<16xf32>
        %select_n3A_130 = arith.select %lt3A_4, %masked_sort3A_114, %masked_sort3A_127 : vector<16xi1>, vector<16xi32>
        %masked_sort3A_131 = arith.constant dense<true> : vector<16xi1>
        %masked_sort3A_132, %masked_sort3A_133, %masked_sort3A_134 = tpu.sort %select_n3A, %select_n3A_128 masked %masked_sort3A_131 {descending = true} : (vector<16xf32>, vector<16xi32>, vector<16xi1>) -> (vector<16xi1>, vector<16xf32>, vector<16xi32>)
        %masked_sort3A_135 = arith.constant dense<true> : vector<16xi1>
        %masked_sort3A_136, %masked_sort3A_137, %masked_sort3A_138 = tpu.sort %select_n3A_129, %select_n3A_130 masked %masked_sort3A_135 : (vector<16xf32>, vector<16xi32>, vector<16xi1>) -> (vector<16xi1>, vector<16xf32>, vector<16xi32>)
        %select_n3A_139 = arith.select %lt3A_4, %masked_sort3A_133, %masked_sort3A_137 : vector<16xi1>, vector<16xf32>
        %select_n3A_140 = arith.select %lt3A_4, %masked_sort3A_134, %masked_sort3A_138 : vector<16xi1>, vector<16xi32>
        %masked_sort3A_141 = arith.constant dense<true> : vector<16xi1>
        %masked_sort3A_142, %masked_sort3A_143, %masked_sort3A_144 = tpu.sort %select_n3A_139, %select_n3A_140 masked %masked_sort3A_141 {descending = true} : (vector<16xf32>, vector<16xi32>, vector<16xi1>) -> (vector<16xi1>, vector<16xf32>, vector<16xi32>)
        %sub3A_145 = vector.broadcast %reduce_max3A_59 : f32 to vector<16xf32>
        %sub3A_146 = arith.subf %masked_sort3A_143, %sub3A_145 : vector<16xf32>
        %exp3A_147 = math.exp %sub3A_146 : vector<16xf32>
        %div3A = vector.broadcast %reduce_sum3A_76 : f32 to vector<16xf32>
        %div3A_148 = arith.divf %exp3A_147, %div3A : vector<16xf32>
        %mul3A_149 = arith.constant 2 : i32
        %mul3A_150 = arith.muli %mul3A_149, %scan3A_30 : i32
        %add3A_151 = arith.constant 1 : i32
        %add3A_152 = arith.addi %mul3A_150, %add3A_151 : i32
        %mul3A_153 = arith.constant 128 : i32
        %mul3A_154 = arith.muli %add3A_152, %mul3A_153 : i32
        %get3A_155 = arith.index_cast %mul3A_154 : i32 to index
        %get3A_156 = tpu.vector_load %arg5[%get3A_155] {strides = array<i32>} : memref<16384xf32, #tpu.memory_space<vmem>>, vector<16xf32>,
        %mul3A_157 = arith.constant 128 : i32
        %mul3A_158 = arith.muli %add3A_152, %mul3A_157 : i32
        %add3A_159 = arith.constant 16 : i32
        %add3A_160 = arith.addi %mul3A_158, %add3A_159 : i32
        %get3A_161 = arith.index_cast %add3A_160 : i32 to index
        %get3A_162 = tpu.vector_load %arg5[%get3A_161] {strides = array<i32>} : memref<16384xf32, #tpu.memory_space<vmem>>, vector<16xf32>,
        %mul3A_163 = arith.constant 128 : i32
        %mul3A_164 = arith.muli %add3A_152, %mul3A_163 : i32
        %add3A_165 = arith.constant 32 : i32
        %add3A_166 = arith.addi %mul3A_164, %add3A_165 : i32
        %get3A_167 = arith.index_cast %add3A_166 : i32 to index
        %get3A_168 = tpu.vector_load %arg5[%get3A_167] {strides = array<i32>} : memref<16384xf32, #tpu.memory_space<vmem>>, vector<16xf32>,
        %mul3A_169 = arith.constant 128 : i32
        %mul3A_170 = arith.muli %add3A_152, %mul3A_169 : i32
        %add3A_171 = arith.constant 48 : i32
        %add3A_172 = arith.addi %mul3A_170, %add3A_171 : i32
        %get3A_173 = arith.index_cast %add3A_172 : i32 to index
        %get3A_174 = tpu.vector_load %arg5[%get3A_173] {strides = array<i32>} : memref<16384xf32, #tpu.memory_space<vmem>>, vector<16xf32>,
        %max3A_175 = arith.maximumf %get3A_156, %get3A_162 : vector<16xf32>
        %max3A_176 = arith.maximumf %get3A_168, %get3A_174 : vector<16xf32>
        %max3A_177 = arith.maximumf %max3A_175, %max3A_176 : vector<16xf32>
        %reduce_max3A_178 = arith.constant true
        %reduce_max3A_179 = vector.broadcast %reduce_max3A_178 : i1 to vector<16xi1>
        %reduce_max3A_180 = tpu.scan <max>, %max3A_177 masked %reduce_max3A_179 : vector<16xf32>, vector<16xi1> -> vector<16xf32>
        %reduce_max3A_181 = vector.extract %reduce_max3A_180[15] : f32 from vector<16xf32>
        %sub3A_182 = vector.broadcast %reduce_max3A_181 : f32 to vector<16xf32>
        %sub3A_183 = arith.subf %get3A_156, %sub3A_182 : vector<16xf32>
        %exp3A_184 = math.exp %sub3A_183 : vector<16xf32>
        %sub3A_185 = vector.broadcast %reduce_max3A_181 : f32 to vector<16xf32>
        %sub3A_186 = arith.subf %get3A_162, %sub3A_185 : vector<16xf32>
        %exp3A_187 = math.exp %sub3A_186 : vector<16xf32>
        %add3A_188 = arith.addf %exp3A_184, %exp3A_187 : vector<16xf32>
        %sub3A_189 = vector.broadcast %reduce_max3A_181 : f32 to vector<16xf32>
        %sub3A_190 = arith.subf %get3A_168, %sub3A_189 : vector<16xf32>
        %exp3A_191 = math.exp %sub3A_190 : vector<16xf32>
        %add3A_192 = arith.addf %add3A_188, %exp3A_191 : vector<16xf32>
        %sub3A_193 = vector.broadcast %reduce_max3A_181 : f32 to vector<16xf32>
        %sub3A_194 = arith.subf %get3A_174, %sub3A_193 : vector<16xf32>
        %exp3A_195 = math.exp %sub3A_194 : vector<16xf32>
        %add3A_196 = arith.addf %add3A_192, %exp3A_195 : vector<16xf32>
        %reduce_sum3A_197 = arith.constant true
        %reduce_sum3A_198 = vector.broadcast %reduce_sum3A_197 : i1 to vector<16xi1>
        %reduce_sum3A_199 = tpu.scan <sum>, %add3A_196 masked %reduce_sum3A_198 : vector<16xf32>, vector<16xi1> -> vector<16xf32>
        %reduce_sum3A_200 = vector.extract %reduce_sum3A_199[15] : f32 from vector<16xf32>
        %mul3A_201 = arith.constant 128 : i32
        %mul3A_202 = arith.muli %add3A_152, %mul3A_201 : i32
        %add3A_203 = arith.constant 0 : i32
        %add3A_204 = arith.addi %mul3A_202, %add3A_203 : i32
        %get3A_205 = arith.index_cast %add3A_204 : i32 to index
        %get3A_206 = tpu.vector_load %arg5[%get3A_205] {strides = array<i32>} : memref<16384xf32, #tpu.memory_space<vmem>>, vector<16xf32>,
        %add3A_207 = arith.constant 0 : i32
        %add3A_208 = vector.broadcast %add3A_207 : i32 to vector<16xi32>
        %add3A_209 = arith.addi %iota3A, %add3A_208 : vector<16xi32>
        %masked_sort3A_210 = arith.constant dense<true> : vector<16xi1>
        %masked_sort3A_211, %masked_sort3A_212, %masked_sort3A_213 = tpu.sort %get3A_206, %add3A_209 masked %masked_sort3A_210 {descending = true} : (vector<16xf32>, vector<16xi32>, vector<16xi1>) -> (vector<16xi1>, vector<16xf32>, vector<16xi32>)
        %mul3A_214 = arith.constant 128 : i32
        %mul3A_215 = arith.muli %add3A_152, %mul3A_214 : i32
        %add3A_216 = arith.constant 16 : i32
        %add3A_217 = arith.addi %mul3A_215, %add3A_216 : i32
        %get3A_218 = arith.index_cast %add3A_217 : i32 to index
        %get3A_219 = tpu.vector_load %arg5[%get3A_218] {strides = array<i32>} : memref<16384xf32, #tpu.memory_space<vmem>>, vector<16xf32>,
        %add3A_220 = arith.constant 16 : i32
        %add3A_221 = vector.broadcast %add3A_220 : i32 to vector<16xi32>
        %add3A_222 = arith.addi %iota3A, %add3A_221 : vector<16xi32>
        %masked_sort3A_223 = arith.constant dense<true> : vector<16xi1>
        %masked_sort3A_224, %masked_sort3A_225, %masked_sort3A_226 = tpu.sort %get3A_219, %add3A_222 masked %masked_sort3A_223 : (vector<16xf32>, vector<16xi32>, vector<16xi1>) -> (vector<16xi1>, vector<16xf32>, vector<16xi32>)
        %mul3A_227 = arith.constant 128 : i32
        %mul3A_228 = arith.muli %add3A_152, %mul3A_227 : i32
        %add3A_229 = arith.constant 32 : i32
        %add3A_230 = arith.addi %mul3A_228, %add3A_229 : i32
        %get3A_231 = arith.index_cast %add3A_230 : i32 to index
        %get3A_232 = tpu.vector_load %arg5[%get3A_231] {strides = array<i32>} : memref<16384xf32, #tpu.memory_space<vmem>>, vector<16xf32>,
        %add3A_233 = arith.constant 32 : i32
        %add3A_234 = vector.broadcast %add3A_233 : i32 to vector<16xi32>
        %add3A_235 = arith.addi %iota3A, %add3A_234 : vector<16xi32>
        %masked_sort3A_236 = arith.constant dense<true> : vector<16xi1>
        %masked_sort3A_237, %masked_sort3A_238, %masked_sort3A_239 = tpu.sort %get3A_232, %add3A_235 masked %masked_sort3A_236 {descending = true} : (vector<16xf32>, vector<16xi32>, vector<16xi1>) -> (vector<16xi1>, vector<16xf32>, vector<16xi32>)
        %mul3A_240 = arith.constant 128 : i32
        %mul3A_241 = arith.muli %add3A_152, %mul3A_240 : i32
        %add3A_242 = arith.constant 48 : i32
        %add3A_243 = arith.addi %mul3A_241, %add3A_242 : i32
        %get3A_244 = arith.index_cast %add3A_243 : i32 to index
        %get3A_245 = tpu.vector_load %arg5[%get3A_244] {strides = array<i32>} : memref<16384xf32, #tpu.memory_space<vmem>>, vector<16xf32>,
        %add3A_246 = arith.constant 48 : i32
        %add3A_247 = vector.broadcast %add3A_246 : i32 to vector<16xi32>
        %add3A_248 = arith.addi %iota3A, %add3A_247 : vector<16xi32>
        %masked_sort3A_249 = arith.constant dense<true> : vector<16xi1>
        %masked_sort3A_250, %masked_sort3A_251, %masked_sort3A_252 = tpu.sort %get3A_245, %add3A_248 masked %masked_sort3A_249 : (vector<16xf32>, vector<16xi32>, vector<16xi1>) -> (vector<16xi1>, vector<16xf32>, vector<16xi32>)
        %select_n3A_253 = arith.select %lt3A_4, %masked_sort3A_212, %masked_sort3A_225 : vector<16xi1>, vector<16xf32>
        %select_n3A_254 = arith.select %lt3A_4, %masked_sort3A_213, %masked_sort3A_226 : vector<16xi1>, vector<16xi32>
        %select_n3A_255 = arith.select %lt3A_4, %masked_sort3A_238, %masked_sort3A_251 : vector<16xi1>, vector<16xf32>
        %select_n3A_256 = arith.select %lt3A_4, %masked_sort3A_239, %masked_sort3A_252 : vector<16xi1>, vector<16xi32>
        %masked_sort3A_257 = arith.constant dense<true> : vector<16xi1>
        %masked_sort3A_258, %masked_sort3A_259, %masked_sort3A_260 = tpu.sort %select_n3A_253, %select_n3A_254 masked %masked_sort3A_257 {descending = true} : (vector<16xf32>, vector<16xi32>, vector<16xi1>) -> (vector<16xi1>, vector<16xf32>, vector<16xi32>)
        %masked_sort3A_261 = arith.constant dense<true> : vector<16xi1>
        %masked_sort3A_262, %masked_sort3A_263, %masked_sort3A_264 = tpu.sort %select_n3A_255, %select_n3A_256 masked %masked_sort3A_261 : (vector<16xf32>, vector<16xi32>, vector<16xi1>) -> (vector<16xi1>, vector<16xf32>, vector<16xi32>)
        %select_n3A_265 = arith.select %lt3A_4, %masked_sort3A_259, %masked_sort3A_263 : vector<16xi1>, vector<16xf32>
        %select_n3A_266 = arith.select %lt3A_4, %masked_sort3A_260, %masked_sort3A_264 : vector<16xi1>, vector<16xi32>
        %masked_sort3A_267 = arith.constant dense<true> : vector<16xi1>
        %masked_sort3A_268, %masked_sort3A_269, %masked_sort3A_270 = tpu.sort %select_n3A_265, %select_n3A_266 masked %masked_sort3A_267 {descending = true} : (vector<16xf32>, vector<16xi32>, vector<16xi1>) -> (vector<16xi1>, vector<16xf32>, vector<16xi32>)
        %sub3A_271 = vector.broadcast %reduce_max3A_181 : f32 to vector<16xf32>
        %sub3A_272 = arith.subf %masked_sort3A_269, %sub3A_271 : vector<16xf32>
        %exp3A_273 = math.exp %sub3A_272 : vector<16xf32>
        %div3A_274 = vector.broadcast %reduce_sum3A_200 : f32 to vector<16xf32>
        %div3A_275 = arith.divf %exp3A_273, %div3A_274 : vector<16xf32>
        %gather3A = vector.shape_cast %reshape3A : vector<16x1xi32> to vector<16xi32>
        %gather3A_276 = tpu.dynamic_gather %div3A_275[%gather3A] in [0] : vector<16xf32>, vector<16xi32> -> vector<16xf32>
        %select_n3A_277 = arith.select %lt3A_4, %div3A_148, %gather3A_276 : vector<16xi1>, vector<16xf32>
        %mul3A_278 = arith.constant 2 : i32
        %mul3A_279 = arith.muli %scan3A_30, %mul3A_278 : i32
        %mul3A_280 = arith.constant 8 : i32
        %mul3A_281 = arith.muli %mul3A_279, %mul3A_280 : i32
        %swap3A = arith.index_cast %mul3A_281 : i32 to index
        %swap3A_282 = tpu.vector_load %arg7[%swap3A] {strides = array<i32>} : memref<1024xf32, #tpu.memory_space<vmem>>, vector<16xf32>,
        tpu.vector_store %arg7[%swap3A], %select_n3A_277 {strides = array<i32>} : memref<1024xf32, #tpu.memory_space<vmem>>, vector<16xf32>,
        %gather3A_283 = vector.shape_cast %reshape3A : vector<16x1xi32> to vector<16xi32>
        %gather3A_284 = tpu.dynamic_gather %masked_sort3A_270[%gather3A_283] in [0] : vector<16xi32>, vector<16xi32> -> vector<16xi32>
        %select_n3A_285 = arith.select %lt3A_4, %masked_sort3A_144, %gather3A_284 : vector<16xi1>, vector<16xi32>
        %mul3A_286 = arith.constant 2 : i32
        %mul3A_287 = arith.muli %scan3A_30, %mul3A_286 : i32
        %mul3A_288 = arith.constant 8 : i32
        %mul3A_289 = arith.muli %mul3A_287, %mul3A_288 : i32
        %swap3A_290 = arith.index_cast %mul3A_289 : i32 to index
        %swap3A_291 = tpu.vector_load %arg6[%swap3A_290] {strides = array<i32>} : memref<1024xi32, #tpu.memory_space<vmem>>, vector<16xi32>,
        tpu.vector_store %arg6[%swap3A_290], %select_n3A_285 {strides = array<i32>} : memref<1024xi32, #tpu.memory_space<vmem>>, vector<16xi32>,
      }
      %scan3A_25 = arith.constant 64 : i32
      %mul3A_26 = arith.constant 8 : i32
      %mul3A_27 = arith.muli %multiple_of3A, %mul3A_26 : i32
      "tpu.region"() ({
        %run_scoped3A = tpu.sem_alloc : memref<!tpu.dma_semaphore, #tpu.memory_space<semaphore_mem>>
        %dma_start3A = tpu.memref_slice %arg3[%mul3A_27] : memref<65536xi32, #tpu.memory_space<hbm>> -> memref<1024xi32, #tpu.memory_space<hbm>>
        %dma_start3A_30 = tpu.memref_slice %arg3[%mul3A_27] : memref<65536xi32, #tpu.memory_space<hbm>> -> memref<1024xi32, #tpu.memory_space<hbm>>
        tpu.enqueue_dma source(%arg6 : memref<1024xi32, #tpu.memory_space<vmem>>) target(%dma_start3A_30 : memref<1024xi32, #tpu.memory_space<hbm>>) target_semaphore(%run_scoped3A : memref<!tpu.dma_semaphore, #tpu.memory_space<semaphore_mem>>)
        %dma_wait3A = tpu.memref_slice %arg3[%mul3A_27] : memref<65536xi32, #tpu.memory_space<hbm>> -> memref<1024xi32, #tpu.memory_space<hbm>>
        %dma_wait3A_31 = tpu.memref_slice %arg3[%mul3A_27] : memref<65536xi32, #tpu.memory_space<hbm>> -> memref<1024xi32, #tpu.memory_space<hbm>>
        tpu.wait_dma2 semaphore(%run_scoped3A : memref<!tpu.dma_semaphore, #tpu.memory_space<semaphore_mem>>) src(%arg6 : memref<1024xi32, #tpu.memory_space<vmem>>) dst(%dma_wait3A_31 : memref<1024xi32, #tpu.memory_space<hbm>>)
        tpu.yield
      }) : () -> ()
      %mul3A_28 = arith.constant 8 : i32
      %mul3A_29 = arith.muli %multiple_of3A, %mul3A_28 : i32
      "tpu.region"() ({
        %run_scoped3A = tpu.sem_alloc : memref<!tpu.dma_semaphore, #tpu.memory_space<semaphore_mem>>
        %dma_start3A = tpu.memref_slice %arg4[%mul3A_29] : memref<65536xf32, #tpu.memory_space<hbm>> -> memref<1024xf32, #tpu.memory_space<hbm>>
        %dma_start3A_30 = tpu.memref_slice %arg4[%mul3A_29] : memref<65536xf32, #tpu.memory_space<hbm>> -> memref<1024xf32, #tpu.memory_space<hbm>>
        tpu.enqueue_dma source(%arg7 : memref<1024xf32, #tpu.memory_space<vmem>>) target(%dma_start3A_30 : memref<1024xf32, #tpu.memory_space<hbm>>) target_semaphore(%run_scoped3A : memref<!tpu.dma_semaphore, #tpu.memory_space<semaphore_mem>>)
        %dma_wait3A = tpu.memref_slice %arg4[%mul3A_29] : memref<65536xf32, #tpu.memory_space<hbm>> -> memref<1024xf32, #tpu.memory_space<hbm>>
        %dma_wait3A_31 = tpu.memref_slice %arg4[%mul3A_29] : memref<65536xf32, #tpu.memory_space<hbm>> -> memref<1024xf32, #tpu.memory_space<hbm>>
        tpu.wait_dma2 semaphore(%run_scoped3A : memref<!tpu.dma_semaphore, #tpu.memory_space<semaphore_mem>>) src(%arg7 : memref<1024xf32, #tpu.memory_space<vmem>>) dst(%dma_wait3A_31 : memref<1024xf32, #tpu.memory_space<hbm>>)
        tpu.yield
      }) : () -> ()
    }
    %scan3A_13 = arith.constant 2 : i32
    return
  }
}

#map = affine_map<(d0, d1) -> (0)>
module attributes {stable_mosaic.version = 14 : i64} {
  func.func @_sc_topk_body(%arg0: i32, %arg1: i32, %arg2: memref<1048576xf32, #tpu.memory_space<hbm>>, %arg3: memref<65536xi32, #tpu.memory_space<hbm>>, %arg4: memref<65536xf32, #tpu.memory_space<hbm>>, %arg5: memref<16384xf32, #tpu.memory_space<vmem>>, %arg6: memref<1024xi32, #tpu.memory_space<vmem>>, %arg7: memref<1024xf32, #tpu.memory_space<vmem>>) attributes {dimension_semantics = [#tpu.dimension_semantics<core_parallel>, #tpu.dimension_semantics<subcore_parallel>], iteration_bounds = array<i64: 2, 16>, scalar_prefetch = 0 : i64, scratch_operands = 3 : i64, tpu.core_type = #tpu.core_type<sc_vector_subcore>, window_params = [{transform_indices = #map}, {transform_indices = #map}, {transform_indices = #map}]} {
    %mul3A = arith.constant 2 : i32
    %mul3A_0 = arith.muli %arg1, %mul3A : i32
    %add3A = arith.addi %mul3A_0, %arg0 : i32
    %mul3A_1 = arith.constant 256 : i32
    %mul3A_2 = arith.muli %add3A, %mul3A_1 : i32
    %iota3A = tpu.iota {dimensions = array<i32: 0>} : vector<16xi32>
    %lt3A = arith.constant 8 : i32
    %lt3A_3 = vector.broadcast %lt3A : i32 to vector<16xi32>
    %lt3A_4 = arith.cmpi slt, %iota3A, %lt3A_3 : vector<16xi32>
    %sub3A = arith.constant 8 : i32
    %sub3A_5 = vector.broadcast %sub3A : i32 to vector<16xi32>
    %sub3A_6 = arith.subi %iota3A, %sub3A_5 : vector<16xi32>
    %max3A = arith.constant 0 : i32
    %max3A_7 = vector.broadcast %max3A : i32 to vector<16xi32>
    %max3A_8 = arith.maxsi %sub3A_6, %max3A_7 : vector<16xi32>
    %reshape3A = vector.shape_cast %max3A_8 : vector<16xi32> to vector<16x1xi32>
    %scan3A = arith.constant 0 : i32
    %scan3A_9 = arith.constant 0 : i32
    %scan3A_10 = arith.constant 2 : i32
    %scan3A_11 = arith.addi %scan3A_9, %scan3A_10 : i32
    %scan3A_12 = arith.constant 1 : i32
    scf.for %scan3A_14 = %scan3A_9 to %scan3A_11 step %scan3A_12  : i32 {
      %mul3A_15 = arith.constant 128 : i32
      %mul3A_16 = arith.muli %scan3A_14, %mul3A_15 : i32
      %add3A_17 = arith.addi %mul3A_2, %mul3A_16 : i32
      %multiple_of3A = tpu.assume_multiple %add3A_17, 128 : i32
      %mul3A_18 = arith.constant 128 : i32
      %mul3A_19 = arith.muli %multiple_of3A, %mul3A_18 : i32
      "tpu.region"() ({
        %run_scoped3A = tpu.sem_alloc : memref<!tpu.dma_semaphore, #tpu.memory_space<semaphore_mem>>
        %dma_start3A = tpu.memref_slice %arg2[%mul3A_19] : memref<1048576xf32, #tpu.memory_space<hbm>> -> memref<16384xf32, #tpu.memory_space<hbm>>
        %dma_start3A_30 = tpu.memref_slice %arg2[%mul3A_19] : memref<1048576xf32, #tpu.memory_space<hbm>> -> memref<16384xf32, #tpu.memory_space<hbm>>
        tpu.enqueue_dma source(%dma_start3A_30 : memref<16384xf32, #tpu.memory_space<hbm>>) target(%arg5 : memref<16384xf32, #tpu.memory_space<vmem>>) target_semaphore(%run_scoped3A : memref<!tpu.dma_semaphore, #tpu.memory_space<semaphore_mem>>)
        %dma_wait3A = tpu.memref_slice %arg2[%mul3A_19] : memref<1048576xf32, #tpu.memory_space<hbm>> -> memref<16384xf32, #tpu.memory_space<hbm>>
        %dma_wait3A_31 = tpu.memref_slice %arg2[%mul3A_19] : memref<1048576xf32, #tpu.memory_space<hbm>> -> memref<16384xf32, #tpu.memory_space<hbm>>
        tpu.wait_dma2 semaphore(%run_scoped3A : memref<!tpu.dma_semaphore, #tpu.memory_space<semaphore_mem>>) src(%dma_wait3A_31 : memref<16384xf32, #tpu.memory_space<hbm>>) dst(%arg5 : memref<16384xf32, #tpu.memory_space<vmem>>)
        tpu.yield
      }) : () -> ()
      %scan3A_20 = arith.constant 0 : i32
      %scan3A_21 = arith.constant 0 : i32
      %scan3A_22 = arith.constant 64 : i32
      %scan3A_23 = arith.addi %scan3A_21, %scan3A_22 : i32
      %scan3A_24 = arith.constant 1 : i32
      scf.for %scan3A_30 = %scan3A_21 to %scan3A_23 step %scan3A_24  : i32 {
        %mul3A_31 = arith.constant 2 : i32
        %mul3A_32 = arith.muli %mul3A_31, %scan3A_30 : i32
        %mul3A_33 = arith.constant 128 : i32
        %mul3A_34 = arith.muli %mul3A_32, %mul3A_33 : i32
        %get3A = arith.index_cast %mul3A_34 : i32 to index
        %get3A_35 = tpu.vector_load %arg5[%get3A] {strides = array<i32>} : memref<16384xf32, #tpu.memory_space<vmem>>, vector<16xf32>,
        %mul3A_36 = arith.constant 128 : i32
        %mul3A_37 = arith.muli %mul3A_32, %mul3A_36 : i32
        %add3A_38 = arith.constant 16 : i32
        %add3A_39 = arith.addi %mul3A_37, %add3A_38 : i32
        %get3A_40 = arith.index_cast %add3A_39 : i32 to index
        %get3A_41 = tpu.vector_load %arg5[%get3A_40] {strides = array<i32>} : memref<16384xf32, #tpu.memory_space<vmem>>, vector<16xf32>,
        %mul3A_42 = arith.constant 128 : i32
        %mul3A_43 = arith.muli %mul3A_32, %mul3A_42 : i32
        %add3A_44 = arith.constant 32 : i32
        %add3A_45 = arith.addi %mul3A_43, %add3A_44 : i32
        %get3A_46 = arith.index_cast %add3A_45 : i32 to index
        %get3A_47 = tpu.vector_load %arg5[%get3A_46] {strides = array<i32>} : memref<16384xf32, #tpu.memory_space<vmem>>, vector<16xf32>,
        %mul3A_48 = arith.constant 128 : i32
        %mul3A_49 = arith.muli %mul3A_32, %mul3A_48 : i32
        %add3A_50 = arith.constant 48 : i32
        %add3A_51 = arith.addi %mul3A_49, %add3A_50 : i32
        %get3A_52 = arith.index_cast %add3A_51 : i32 to index
        %get3A_53 = tpu.vector_load %arg5[%get3A_52] {strides = array<i32>} : memref<16384xf32, #tpu.memory_space<vmem>>, vector<16xf32>,
        %max3A_54 = arith.maximumf %get3A_35, %get3A_41 : vector<16xf32>
        %max3A_55 = arith.maximumf %get3A_47, %get3A_53 : vector<16xf32>
        %max3A_56 = arith.maximumf %max3A_54, %max3A_55 : vector<16xf32>
        %reduce_max3A = arith.constant true
        %reduce_max3A_57 = vector.broadcast %reduce_max3A : i1 to vector<16xi1>
        %reduce_max3A_58 = tpu.scan <max>, %max3A_56 masked %reduce_max3A_57 : vector<16xf32>, vector<16xi1> -> vector<16xf32>
        %reduce_max3A_59 = vector.extract %reduce_max3A_58[15] : f32 from vector<16xf32>
        %sub3A_60 = vector.broadcast %reduce_max3A_59 : f32 to vector<16xf32>
        %sub3A_61 = arith.subf %get3A_35, %sub3A_60 : vector<16xf32>
        %exp3A = math.exp %sub3A_61 : vector<16xf32>
        %sub3A_62 = vector.broadcast %reduce_max3A_59 : f32 to vector<16xf32>
        %sub3A_63 = arith.subf %get3A_41, %sub3A_62 : vector<16xf32>
        %exp3A_64 = math.exp %sub3A_63 : vector<16xf32>
        %add3A_65 = arith.addf %exp3A, %exp3A_64 : vector<16xf32>
        %sub3A_66 = vector.broadcast %reduce_max3A_59 : f32 to vector<16xf32>
        %sub3A_67 = arith.subf %get3A_47, %sub3A_66 : vector<16xf32>
        %exp3A_68 = math.exp %sub3A_67 : vector<16xf32>
        %add3A_69 = arith.addf %add3A_65, %exp3A_68 : vector<16xf32>
        %sub3A_70 = vector.broadcast %reduce_max3A_59 : f32 to vector<16xf32>
        %sub3A_71 = arith.subf %get3A_53, %sub3A_70 : vector<16xf32>
        %exp3A_72 = math.exp %sub3A_71 : vector<16xf32>
        %add3A_73 = arith.addf %add3A_69, %exp3A_72 : vector<16xf32>
        %reduce_sum3A = arith.constant true
        %reduce_sum3A_74 = vector.broadcast %reduce_sum3A : i1 to vector<16xi1>
        %reduce_sum3A_75 = tpu.scan <sum>, %add3A_73 masked %reduce_sum3A_74 : vector<16xf32>, vector<16xi1> -> vector<16xf32>
        %reduce_sum3A_76 = vector.extract %reduce_sum3A_75[15] : f32 from vector<16xf32>
        %mul3A_77 = arith.constant 128 : i32
        %mul3A_78 = arith.muli %mul3A_32, %mul3A_77 : i32
        %add3A_79 = arith.constant 0 : i32
        %add3A_80 = arith.addi %mul3A_78, %add3A_79 : i32
        %get3A_81 = arith.index_cast %add3A_80 : i32 to index
        %get3A_82 = tpu.vector_load %arg5[%get3A_81] {strides = array<i32>} : memref<16384xf32, #tpu.memory_space<vmem>>, vector<16xf32>,
        %add3A_83 = arith.constant 0 : i32
        %add3A_84 = vector.broadcast %add3A_83 : i32 to vector<16xi32>
        %add3A_85 = arith.addi %iota3A, %add3A_84 : vector<16xi32>
        %masked_sort3A = arith.constant dense<true> : vector<16xi1>
        %masked_sort3A_86, %masked_sort3A_87, %masked_sort3A_88 = tpu.sort %get3A_82, %add3A_85 masked %masked_sort3A {descending = true} : (vector<16xf32>, vector<16xi32>, vector<16xi1>) -> (vector<16xi1>, vector<16xf32>, vector<16xi32>)
        %mul3A_89 = arith.constant 128 : i32
        %mul3A_90 = arith.muli %mul3A_32, %mul3A_89 : i32
        %add3A_91 = arith.constant 16 : i32
        %add3A_92 = arith.addi %mul3A_90, %add3A_91 : i32
        %get3A_93 = arith.index_cast %add3A_92 : i32 to index
        %get3A_94 = tpu.vector_load %arg5[%get3A_93] {strides = array<i32>} : memref<16384xf32, #tpu.memory_space<vmem>>, vector<16xf32>,
        %add3A_95 = arith.constant 16 : i32
        %add3A_96 = vector.broadcast %add3A_95 : i32 to vector<16xi32>
        %add3A_97 = arith.addi %iota3A, %add3A_96 : vector<16xi32>
        %masked_sort3A_98 = arith.constant dense<true> : vector<16xi1>
        %masked_sort3A_99, %masked_sort3A_100, %masked_sort3A_101 = tpu.sort %get3A_94, %add3A_97 masked %masked_sort3A_98 : (vector<16xf32>, vector<16xi32>, vector<16xi1>) -> (vector<16xi1>, vector<16xf32>, vector<16xi32>)
        %mul3A_102 = arith.constant 128 : i32
        %mul3A_103 = arith.muli %mul3A_32, %mul3A_102 : i32
        %add3A_104 = arith.constant 32 : i32
        %add3A_105 = arith.addi %mul3A_103, %add3A_104 : i32
        %get3A_106 = arith.index_cast %add3A_105 : i32 to index
        %get3A_107 = tpu.vector_load %arg5[%get3A_106] {strides = array<i32>} : memref<16384xf32, #tpu.memory_space<vmem>>, vector<16xf32>,
        %add3A_108 = arith.constant 32 : i32
        %add3A_109 = vector.broadcast %add3A_108 : i32 to vector<16xi32>
        %add3A_110 = arith.addi %iota3A, %add3A_109 : vector<16xi32>
        %masked_sort3A_111 = arith.constant dense<true> : vector<16xi1>
        %masked_sort3A_112, %masked_sort3A_113, %masked_sort3A_114 = tpu.sort %get3A_107, %add3A_110 masked %masked_sort3A_111 {descending = true} : (vector<16xf32>, vector<16xi32>, vector<16xi1>) -> (vector<16xi1>, vector<16xf32>, vector<16xi32>)
        %mul3A_115 = arith.constant 128 : i32
        %mul3A_116 = arith.muli %mul3A_32, %mul3A_115 : i32
        %add3A_117 = arith.constant 48 : i32
        %add3A_118 = arith.addi %mul3A_116, %add3A_117 : i32
        %get3A_119 = arith.index_cast %add3A_118 : i32 to index
        %get3A_120 = tpu.vector_load %arg5[%get3A_119] {strides = array<i32>} : memref<16384xf32, #tpu.memory_space<vmem>>, vector<16xf32>,
        %add3A_121 = arith.constant 48 : i32
        %add3A_122 = vector.broadcast %add3A_121 : i32 to vector<16xi32>
        %add3A_123 = arith.addi %iota3A, %add3A_122 : vector<16xi32>
        %masked_sort3A_124 = arith.constant dense<true> : vector<16xi1>
        %masked_sort3A_125, %masked_sort3A_126, %masked_sort3A_127 = tpu.sort %get3A_120, %add3A_123 masked %masked_sort3A_124 : (vector<16xf32>, vector<16xi32>, vector<16xi1>) -> (vector<16xi1>, vector<16xf32>, vector<16xi32>)
        %select_n3A = arith.select %lt3A_4, %masked_sort3A_87, %masked_sort3A_100 : vector<16xi1>, vector<16xf32>
        %select_n3A_128 = arith.select %lt3A_4, %masked_sort3A_88, %masked_sort3A_101 : vector<16xi1>, vector<16xi32>
        %select_n3A_129 = arith.select %lt3A_4, %masked_sort3A_113, %masked_sort3A_126 : vector<16xi1>, vector<16xf32>
        %select_n3A_130 = arith.select %lt3A_4, %masked_sort3A_114, %masked_sort3A_127 : vector<16xi1>, vector<16xi32>
        %masked_sort3A_131 = arith.constant dense<true> : vector<16xi1>
        %masked_sort3A_132, %masked_sort3A_133, %masked_sort3A_134 = tpu.sort %select_n3A, %select_n3A_128 masked %masked_sort3A_131 {descending = true} : (vector<16xf32>, vector<16xi32>, vector<16xi1>) -> (vector<16xi1>, vector<16xf32>, vector<16xi32>)
        %masked_sort3A_135 = arith.constant dense<true> : vector<16xi1>
        %masked_sort3A_136, %masked_sort3A_137, %masked_sort3A_138 = tpu.sort %select_n3A_129, %select_n3A_130 masked %masked_sort3A_135 : (vector<16xf32>, vector<16xi32>, vector<16xi1>) -> (vector<16xi1>, vector<16xf32>, vector<16xi32>)
        %select_n3A_139 = arith.select %lt3A_4, %masked_sort3A_133, %masked_sort3A_137 : vector<16xi1>, vector<16xf32>
        %select_n3A_140 = arith.select %lt3A_4, %masked_sort3A_134, %masked_sort3A_138 : vector<16xi1>, vector<16xi32>
        %masked_sort3A_141 = arith.constant dense<true> : vector<16xi1>
        %masked_sort3A_142, %masked_sort3A_143, %masked_sort3A_144 = tpu.sort %select_n3A_139, %select_n3A_140 masked %masked_sort3A_141 {descending = true} : (vector<16xf32>, vector<16xi32>, vector<16xi1>) -> (vector<16xi1>, vector<16xf32>, vector<16xi32>)
        %sub3A_145 = vector.broadcast %reduce_max3A_59 : f32 to vector<16xf32>
        %sub3A_146 = arith.subf %masked_sort3A_143, %sub3A_145 : vector<16xf32>
        %exp3A_147 = math.exp %sub3A_146 : vector<16xf32>
        %div3A = vector.broadcast %reduce_sum3A_76 : f32 to vector<16xf32>
        %div3A_148 = arith.divf %exp3A_147, %div3A : vector<16xf32>
        %mul3A_149 = arith.constant 2 : i32
        %mul3A_150 = arith.muli %mul3A_149, %scan3A_30 : i32
        %add3A_151 = arith.constant 1 : i32
        %add3A_152 = arith.addi %mul3A_150, %add3A_151 : i32
        %mul3A_153 = arith.constant 128 : i32
        %mul3A_154 = arith.muli %add3A_152, %mul3A_153 : i32
        %get3A_155 = arith.index_cast %mul3A_154 : i32 to index
        %get3A_156 = tpu.vector_load %arg5[%get3A_155] {strides = array<i32>} : memref<16384xf32, #tpu.memory_space<vmem>>, vector<16xf32>,
        %mul3A_157 = arith.constant 128 : i32
        %mul3A_158 = arith.muli %add3A_152, %mul3A_157 : i32
        %add3A_159 = arith.constant 16 : i32
        %add3A_160 = arith.addi %mul3A_158, %add3A_159 : i32
        %get3A_161 = arith.index_cast %add3A_160 : i32 to index
        %get3A_162 = tpu.vector_load %arg5[%get3A_161] {strides = array<i32>} : memref<16384xf32, #tpu.memory_space<vmem>>, vector<16xf32>,
        %mul3A_163 = arith.constant 128 : i32
        %mul3A_164 = arith.muli %add3A_152, %mul3A_163 : i32
        %add3A_165 = arith.constant 32 : i32
        %add3A_166 = arith.addi %mul3A_164, %add3A_165 : i32
        %get3A_167 = arith.index_cast %add3A_166 : i32 to index
        %get3A_168 = tpu.vector_load %arg5[%get3A_167] {strides = array<i32>} : memref<16384xf32, #tpu.memory_space<vmem>>, vector<16xf32>,
        %mul3A_169 = arith.constant 128 : i32
        %mul3A_170 = arith.muli %add3A_152, %mul3A_169 : i32
        %add3A_171 = arith.constant 48 : i32
        %add3A_172 = arith.addi %mul3A_170, %add3A_171 : i32
        %get3A_173 = arith.index_cast %add3A_172 : i32 to index
        %get3A_174 = tpu.vector_load %arg5[%get3A_173] {strides = array<i32>} : memref<16384xf32, #tpu.memory_space<vmem>>, vector<16xf32>,
        %max3A_175 = arith.maximumf %get3A_156, %get3A_162 : vector<16xf32>
        %max3A_176 = arith.maximumf %get3A_168, %get3A_174 : vector<16xf32>
        %max3A_177 = arith.maximumf %max3A_175, %max3A_176 : vector<16xf32>
        %reduce_max3A_178 = arith.constant true
        %reduce_max3A_179 = vector.broadcast %reduce_max3A_178 : i1 to vector<16xi1>
        %reduce_max3A_180 = tpu.scan <max>, %max3A_177 masked %reduce_max3A_179 : vector<16xf32>, vector<16xi1> -> vector<16xf32>
        %reduce_max3A_181 = vector.extract %reduce_max3A_180[15] : f32 from vector<16xf32>
        %sub3A_182 = vector.broadcast %reduce_max3A_181 : f32 to vector<16xf32>
        %sub3A_183 = arith.subf %get3A_156, %sub3A_182 : vector<16xf32>
        %exp3A_184 = math.exp %sub3A_183 : vector<16xf32>
        %sub3A_185 = vector.broadcast %reduce_max3A_181 : f32 to vector<16xf32>
        %sub3A_186 = arith.subf %get3A_162, %sub3A_185 : vector<16xf32>
        %exp3A_187 = math.exp %sub3A_186 : vector<16xf32>
        %add3A_188 = arith.addf %exp3A_184, %exp3A_187 : vector<16xf32>
        %sub3A_189 = vector.broadcast %reduce_max3A_181 : f32 to vector<16xf32>
        %sub3A_190 = arith.subf %get3A_168, %sub3A_189 : vector<16xf32>
        %exp3A_191 = math.exp %sub3A_190 : vector<16xf32>
        %add3A_192 = arith.addf %add3A_188, %exp3A_191 : vector<16xf32>
        %sub3A_193 = vector.broadcast %reduce_max3A_181 : f32 to vector<16xf32>
        %sub3A_194 = arith.subf %get3A_174, %sub3A_193 : vector<16xf32>
        %exp3A_195 = math.exp %sub3A_194 : vector<16xf32>
        %add3A_196 = arith.addf %add3A_192, %exp3A_195 : vector<16xf32>
        %reduce_sum3A_197 = arith.constant true
        %reduce_sum3A_198 = vector.broadcast %reduce_sum3A_197 : i1 to vector<16xi1>
        %reduce_sum3A_199 = tpu.scan <sum>, %add3A_196 masked %reduce_sum3A_198 : vector<16xf32>, vector<16xi1> -> vector<16xf32>
        %reduce_sum3A_200 = vector.extract %reduce_sum3A_199[15] : f32 from vector<16xf32>
        %mul3A_201 = arith.constant 128 : i32
        %mul3A_202 = arith.muli %add3A_152, %mul3A_201 : i32
        %add3A_203 = arith.constant 0 : i32
        %add3A_204 = arith.addi %mul3A_202, %add3A_203 : i32
        %get3A_205 = arith.index_cast %add3A_204 : i32 to index
        %get3A_206 = tpu.vector_load %arg5[%get3A_205] {strides = array<i32>} : memref<16384xf32, #tpu.memory_space<vmem>>, vector<16xf32>,
        %add3A_207 = arith.constant 0 : i32
        %add3A_208 = vector.broadcast %add3A_207 : i32 to vector<16xi32>
        %add3A_209 = arith.addi %iota3A, %add3A_208 : vector<16xi32>
        %masked_sort3A_210 = arith.constant dense<true> : vector<16xi1>
        %masked_sort3A_211, %masked_sort3A_212, %masked_sort3A_213 = tpu.sort %get3A_206, %add3A_209 masked %masked_sort3A_210 {descending = true} : (vector<16xf32>, vector<16xi32>, vector<16xi1>) -> (vector<16xi1>, vector<16xf32>, vector<16xi32>)
        %mul3A_214 = arith.constant 128 : i32
        %mul3A_215 = arith.muli %add3A_152, %mul3A_214 : i32
        %add3A_216 = arith.constant 16 : i32
        %add3A_217 = arith.addi %mul3A_215, %add3A_216 : i32
        %get3A_218 = arith.index_cast %add3A_217 : i32 to index
        %get3A_219 = tpu.vector_load %arg5[%get3A_218] {strides = array<i32>} : memref<16384xf32, #tpu.memory_space<vmem>>, vector<16xf32>,
        %add3A_220 = arith.constant 16 : i32
        %add3A_221 = vector.broadcast %add3A_220 : i32 to vector<16xi32>
        %add3A_222 = arith.addi %iota3A, %add3A_221 : vector<16xi32>
        %masked_sort3A_223 = arith.constant dense<true> : vector<16xi1>
        %masked_sort3A_224, %masked_sort3A_225, %masked_sort3A_226 = tpu.sort %get3A_219, %add3A_222 masked %masked_sort3A_223 : (vector<16xf32>, vector<16xi32>, vector<16xi1>) -> (vector<16xi1>, vector<16xf32>, vector<16xi32>)
        %mul3A_227 = arith.constant 128 : i32
        %mul3A_228 = arith.muli %add3A_152, %mul3A_227 : i32
        %add3A_229 = arith.constant 32 : i32
        %add3A_230 = arith.addi %mul3A_228, %add3A_229 : i32
        %get3A_231 = arith.index_cast %add3A_230 : i32 to index
        %get3A_232 = tpu.vector_load %arg5[%get3A_231] {strides = array<i32>} : memref<16384xf32, #tpu.memory_space<vmem>>, vector<16xf32>,
        %add3A_233 = arith.constant 32 : i32
        %add3A_234 = vector.broadcast %add3A_233 : i32 to vector<16xi32>
        %add3A_235 = arith.addi %iota3A, %add3A_234 : vector<16xi32>
        %masked_sort3A_236 = arith.constant dense<true> : vector<16xi1>
        %masked_sort3A_237, %masked_sort3A_238, %masked_sort3A_239 = tpu.sort %get3A_232, %add3A_235 masked %masked_sort3A_236 {descending = true} : (vector<16xf32>, vector<16xi32>, vector<16xi1>) -> (vector<16xi1>, vector<16xf32>, vector<16xi32>)
        %mul3A_240 = arith.constant 128 : i32
        %mul3A_241 = arith.muli %add3A_152, %mul3A_240 : i32
        %add3A_242 = arith.constant 48 : i32
        %add3A_243 = arith.addi %mul3A_241, %add3A_242 : i32
        %get3A_244 = arith.index_cast %add3A_243 : i32 to index
        %get3A_245 = tpu.vector_load %arg5[%get3A_244] {strides = array<i32>} : memref<16384xf32, #tpu.memory_space<vmem>>, vector<16xf32>,
        %add3A_246 = arith.constant 48 : i32
        %add3A_247 = vector.broadcast %add3A_246 : i32 to vector<16xi32>
        %add3A_248 = arith.addi %iota3A, %add3A_247 : vector<16xi32>
        %masked_sort3A_249 = arith.constant dense<true> : vector<16xi1>
        %masked_sort3A_250, %masked_sort3A_251, %masked_sort3A_252 = tpu.sort %get3A_245, %add3A_248 masked %masked_sort3A_249 : (vector<16xf32>, vector<16xi32>, vector<16xi1>) -> (vector<16xi1>, vector<16xf32>, vector<16xi32>)
        %select_n3A_253 = arith.select %lt3A_4, %masked_sort3A_212, %masked_sort3A_225 : vector<16xi1>, vector<16xf32>
        %select_n3A_254 = arith.select %lt3A_4, %masked_sort3A_213, %masked_sort3A_226 : vector<16xi1>, vector<16xi32>
        %select_n3A_255 = arith.select %lt3A_4, %masked_sort3A_238, %masked_sort3A_251 : vector<16xi1>, vector<16xf32>
        %select_n3A_256 = arith.select %lt3A_4, %masked_sort3A_239, %masked_sort3A_252 : vector<16xi1>, vector<16xi32>
        %masked_sort3A_257 = arith.constant dense<true> : vector<16xi1>
        %masked_sort3A_258, %masked_sort3A_259, %masked_sort3A_260 = tpu.sort %select_n3A_253, %select_n3A_254 masked %masked_sort3A_257 {descending = true} : (vector<16xf32>, vector<16xi32>, vector<16xi1>) -> (vector<16xi1>, vector<16xf32>, vector<16xi32>)
        %masked_sort3A_261 = arith.constant dense<true> : vector<16xi1>
        %masked_sort3A_262, %masked_sort3A_263, %masked_sort3A_264 = tpu.sort %select_n3A_255, %select_n3A_256 masked %masked_sort3A_261 : (vector<16xf32>, vector<16xi32>, vector<16xi1>) -> (vector<16xi1>, vector<16xf32>, vector<16xi32>)
        %select_n3A_265 = arith.select %lt3A_4, %masked_sort3A_259, %masked_sort3A_263 : vector<16xi1>, vector<16xf32>
        %select_n3A_266 = arith.select %lt3A_4, %masked_sort3A_260, %masked_sort3A_264 : vector<16xi1>, vector<16xi32>
        %masked_sort3A_267 = arith.constant dense<true> : vector<16xi1>
        %masked_sort3A_268, %masked_sort3A_269, %masked_sort3A_270 = tpu.sort %select_n3A_265, %select_n3A_266 masked %masked_sort3A_267 {descending = true} : (vector<16xf32>, vector<16xi32>, vector<16xi1>) -> (vector<16xi1>, vector<16xf32>, vector<16xi32>)
        %sub3A_271 = vector.broadcast %reduce_max3A_181 : f32 to vector<16xf32>
        %sub3A_272 = arith.subf %masked_sort3A_269, %sub3A_271 : vector<16xf32>
        %exp3A_273 = math.exp %sub3A_272 : vector<16xf32>
        %div3A_274 = vector.broadcast %reduce_sum3A_200 : f32 to vector<16xf32>
        %div3A_275 = arith.divf %exp3A_273, %div3A_274 : vector<16xf32>
        %gather3A = vector.shape_cast %reshape3A : vector<16x1xi32> to vector<16xi32>
        %gather3A_276 = tpu.dynamic_gather %div3A_275[%gather3A] in [0] : vector<16xf32>, vector<16xi32> -> vector<16xf32>
        %select_n3A_277 = arith.select %lt3A_4, %div3A_148, %gather3A_276 : vector<16xi1>, vector<16xf32>
        %mul3A_278 = arith.constant 2 : i32
        %mul3A_279 = arith.muli %scan3A_30, %mul3A_278 : i32
        %mul3A_280 = arith.constant 8 : i32
        %mul3A_281 = arith.muli %mul3A_279, %mul3A_280 : i32
        %swap3A = arith.index_cast %mul3A_281 : i32 to index
        %swap3A_282 = tpu.vector_load %arg7[%swap3A] {strides = array<i32>} : memref<1024xf32, #tpu.memory_space<vmem>>, vector<16xf32>,
        tpu.vector_store %arg7[%swap3A], %select_n3A_277 {strides = array<i32>} : memref<1024xf32, #tpu.memory_space<vmem>>, vector<16xf32>,
        %gather3A_283 = vector.shape_cast %reshape3A : vector<16x1xi32> to vector<16xi32>
        %gather3A_284 = tpu.dynamic_gather %masked_sort3A_270[%gather3A_283] in [0] : vector<16xi32>, vector<16xi32> -> vector<16xi32>
        %select_n3A_285 = arith.select %lt3A_4, %masked_sort3A_144, %gather3A_284 : vector<16xi1>, vector<16xi32>
        %mul3A_286 = arith.constant 2 : i32
        %mul3A_287 = arith.muli %scan3A_30, %mul3A_286 : i32
        %mul3A_288 = arith.constant 8 : i32
        %mul3A_289 = arith.muli %mul3A_287, %mul3A_288 : i32
        %swap3A_290 = arith.index_cast %mul3A_289 : i32 to index
        %swap3A_291 = tpu.vector_load %arg6[%swap3A_290] {strides = array<i32>} : memref<1024xi32, #tpu.memory_space<vmem>>, vector<16xi32>,
        tpu.vector_store %arg6[%swap3A_290], %select_n3A_285 {strides = array<i32>} : memref<1024xi32, #tpu.memory_space<vmem>>, vector<16xi32>,
      }
      %scan3A_25 = arith.constant 64 : i32
      %mul3A_26 = arith.constant 8 : i32
      %mul3A_27 = arith.muli %multiple_of3A, %mul3A_26 : i32
      "tpu.region"() ({
        %run_scoped3A = tpu.sem_alloc : memref<!tpu.dma_semaphore, #tpu.memory_space<semaphore_mem>>
        %dma_start3A = tpu.memref_slice %arg3[%mul3A_27] : memref<65536xi32, #tpu.memory_space<hbm>> -> memref<1024xi32, #tpu.memory_space<hbm>>
        %dma_start3A_30 = tpu.memref_slice %arg3[%mul3A_27] : memref<65536xi32, #tpu.memory_space<hbm>> -> memref<1024xi32, #tpu.memory_space<hbm>>
        tpu.enqueue_dma source(%arg6 : memref<1024xi32, #tpu.memory_space<vmem>>) target(%dma_start3A_30 : memref<1024xi32, #tpu.memory_space<hbm>>) target_semaphore(%run_scoped3A : memref<!tpu.dma_semaphore, #tpu.memory_space<semaphore_mem>>)
        %dma_wait3A = tpu.memref_slice %arg3[%mul3A_27] : memref<65536xi32, #tpu.memory_space<hbm>> -> memref<1024xi32, #tpu.memory_space<hbm>>
        %dma_wait3A_31 = tpu.memref_slice %arg3[%mul3A_27] : memref<65536xi32, #tpu.memory_space<hbm>> -> memref<1024xi32, #tpu.memory_space<hbm>>
        tpu.wait_dma2 semaphore(%run_scoped3A : memref<!tpu.dma_semaphore, #tpu.memory_space<semaphore_mem>>) src(%arg6 : memref<1024xi32, #tpu.memory_space<vmem>>) dst(%dma_wait3A_31 : memref<1024xi32, #tpu.memory_space<hbm>>)
        tpu.yield
      }) : () -> ()
      %mul3A_28 = arith.constant 8 : i32
      %mul3A_29 = arith.muli %multiple_of3A, %mul3A_28 : i32
      "tpu.region"() ({
        %run_scoped3A = tpu.sem_alloc : memref<!tpu.dma_semaphore, #tpu.memory_space<semaphore_mem>>
        %dma_start3A = tpu.memref_slice %arg4[%mul3A_29] : memref<65536xf32, #tpu.memory_space<hbm>> -> memref<1024xf32, #tpu.memory_space<hbm>>
        %dma_start3A_30 = tpu.memref_slice %arg4[%mul3A_29] : memref<65536xf32, #tpu.memory_space<hbm>> -> memref<1024xf32, #tpu.memory_space<hbm>>
        tpu.enqueue_dma source(%arg7 : memref<1024xf32, #tpu.memory_space<vmem>>) target(%dma_start3A_30 : memref<1024xf32, #tpu.memory_space<hbm>>) target_semaphore(%run_scoped3A : memref<!tpu.dma_semaphore, #tpu.memory_space<semaphore_mem>>)
        %dma_wait3A = tpu.memref_slice %arg4[%mul3A_29] : memref<65536xf32, #tpu.memory_space<hbm>> -> memref<1024xf32, #tpu.memory_space<hbm>>
        %dma_wait3A_31 = tpu.memref_slice %arg4[%mul3A_29] : memref<65536xf32, #tpu.memory_space<hbm>> -> memref<1024xf32, #tpu.memory_space<hbm>>
        tpu.wait_dma2 semaphore(%run_scoped3A : memref<!tpu.dma_semaphore, #tpu.memory_space<semaphore_mem>>) src(%arg7 : memref<1024xf32, #tpu.memory_space<vmem>>) dst(%dma_wait3A_31 : memref<1024xf32, #tpu.memory_space<hbm>>)
        tpu.yield
      }) : () -> ()
    }
    %scan3A_13 = arith.constant 2 : i32
    return
  }
}

#map = affine_map<(d0, d1) -> (0)>
module attributes {stable_mosaic.version = 14 : i64} {
  func.func @_sc_topk_body(%arg0: i32, %arg1: i32, %arg2: memref<1048576xf32, #tpu.memory_space<hbm>>, %arg3: memref<65536xi32, #tpu.memory_space<hbm>>, %arg4: memref<65536xf32, #tpu.memory_space<hbm>>, %arg5: memref<16384xf32, #tpu.memory_space<vmem>>, %arg6: memref<1024xi32, #tpu.memory_space<vmem>>, %arg7: memref<1024xf32, #tpu.memory_space<vmem>>) attributes {dimension_semantics = [#tpu.dimension_semantics<core_parallel>, #tpu.dimension_semantics<subcore_parallel>], iteration_bounds = array<i64: 2, 16>, scalar_prefetch = 0 : i64, scratch_operands = 3 : i64, tpu.core_type = #tpu.core_type<sc_vector_subcore>, window_params = [{transform_indices = #map}, {transform_indices = #map}, {transform_indices = #map}]} {
    %mul3A = arith.constant 2 : i32
    %mul3A_0 = arith.muli %arg1, %mul3A : i32
    %add3A = arith.addi %mul3A_0, %arg0 : i32
    %mul3A_1 = arith.constant 256 : i32
    %mul3A_2 = arith.muli %add3A, %mul3A_1 : i32
    %iota3A = tpu.iota {dimensions = array<i32: 0>} : vector<16xi32>
    %lt3A = arith.constant 8 : i32
    %lt3A_3 = vector.broadcast %lt3A : i32 to vector<16xi32>
    %lt3A_4 = arith.cmpi slt, %iota3A, %lt3A_3 : vector<16xi32>
    %sub3A = arith.constant 8 : i32
    %sub3A_5 = vector.broadcast %sub3A : i32 to vector<16xi32>
    %sub3A_6 = arith.subi %iota3A, %sub3A_5 : vector<16xi32>
    %max3A = arith.constant 0 : i32
    %max3A_7 = vector.broadcast %max3A : i32 to vector<16xi32>
    %max3A_8 = arith.maxsi %sub3A_6, %max3A_7 : vector<16xi32>
    %reshape3A = vector.shape_cast %max3A_8 : vector<16xi32> to vector<16x1xi32>
    %scan3A = arith.constant 0 : i32
    %scan3A_9 = arith.constant 0 : i32
    %scan3A_10 = arith.constant 2 : i32
    %scan3A_11 = arith.addi %scan3A_9, %scan3A_10 : i32
    %scan3A_12 = arith.constant 1 : i32
    scf.for %scan3A_14 = %scan3A_9 to %scan3A_11 step %scan3A_12  : i32 {
      %mul3A_15 = arith.constant 128 : i32
      %mul3A_16 = arith.muli %scan3A_14, %mul3A_15 : i32
      %add3A_17 = arith.addi %mul3A_2, %mul3A_16 : i32
      %multiple_of3A = tpu.assume_multiple %add3A_17, 128 : i32
      %mul3A_18 = arith.constant 128 : i32
      %mul3A_19 = arith.muli %multiple_of3A, %mul3A_18 : i32
      "tpu.region"() ({
        %run_scoped3A = tpu.sem_alloc : memref<!tpu.dma_semaphore, #tpu.memory_space<semaphore_mem>>
        %dma_start3A = tpu.memref_slice %arg2[%mul3A_19] : memref<1048576xf32, #tpu.memory_space<hbm>> -> memref<16384xf32, #tpu.memory_space<hbm>>
        %dma_start3A_30 = tpu.memref_slice %arg2[%mul3A_19] : memref<1048576xf32, #tpu.memory_space<hbm>> -> memref<16384xf32, #tpu.memory_space<hbm>>
        tpu.enqueue_dma source(%dma_start3A_30 : memref<16384xf32, #tpu.memory_space<hbm>>) target(%arg5 : memref<16384xf32, #tpu.memory_space<vmem>>) target_semaphore(%run_scoped3A : memref<!tpu.dma_semaphore, #tpu.memory_space<semaphore_mem>>)
        %dma_wait3A = tpu.memref_slice %arg2[%mul3A_19] : memref<1048576xf32, #tpu.memory_space<hbm>> -> memref<16384xf32, #tpu.memory_space<hbm>>
        %dma_wait3A_31 = tpu.memref_slice %arg2[%mul3A_19] : memref<1048576xf32, #tpu.memory_space<hbm>> -> memref<16384xf32, #tpu.memory_space<hbm>>
        tpu.wait_dma2 semaphore(%run_scoped3A : memref<!tpu.dma_semaphore, #tpu.memory_space<semaphore_mem>>) src(%dma_wait3A_31 : memref<16384xf32, #tpu.memory_space<hbm>>) dst(%arg5 : memref<16384xf32, #tpu.memory_space<vmem>>)
        tpu.yield
      }) : () -> ()
      %scan3A_20 = arith.constant 0 : i32
      %scan3A_21 = arith.constant 0 : i32
      %scan3A_22 = arith.constant 64 : i32
      %scan3A_23 = arith.addi %scan3A_21, %scan3A_22 : i32
      %scan3A_24 = arith.constant 1 : i32
      scf.for %scan3A_30 = %scan3A_21 to %scan3A_23 step %scan3A_24  : i32 {
        %mul3A_31 = arith.constant 2 : i32
        %mul3A_32 = arith.muli %mul3A_31, %scan3A_30 : i32
        %mul3A_33 = arith.constant 128 : i32
        %mul3A_34 = arith.muli %mul3A_32, %mul3A_33 : i32
        %get3A = arith.index_cast %mul3A_34 : i32 to index
        %get3A_35 = tpu.vector_load %arg5[%get3A] {strides = array<i32>} : memref<16384xf32, #tpu.memory_space<vmem>>, vector<16xf32>,
        %mul3A_36 = arith.constant 128 : i32
        %mul3A_37 = arith.muli %mul3A_32, %mul3A_36 : i32
        %add3A_38 = arith.constant 16 : i32
        %add3A_39 = arith.addi %mul3A_37, %add3A_38 : i32
        %get3A_40 = arith.index_cast %add3A_39 : i32 to index
        %get3A_41 = tpu.vector_load %arg5[%get3A_40] {strides = array<i32>} : memref<16384xf32, #tpu.memory_space<vmem>>, vector<16xf32>,
        %mul3A_42 = arith.constant 128 : i32
        %mul3A_43 = arith.muli %mul3A_32, %mul3A_42 : i32
        %add3A_44 = arith.constant 32 : i32
        %add3A_45 = arith.addi %mul3A_43, %add3A_44 : i32
        %get3A_46 = arith.index_cast %add3A_45 : i32 to index
        %get3A_47 = tpu.vector_load %arg5[%get3A_46] {strides = array<i32>} : memref<16384xf32, #tpu.memory_space<vmem>>, vector<16xf32>,
        %mul3A_48 = arith.constant 128 : i32
        %mul3A_49 = arith.muli %mul3A_32, %mul3A_48 : i32
        %add3A_50 = arith.constant 48 : i32
        %add3A_51 = arith.addi %mul3A_49, %add3A_50 : i32
        %get3A_52 = arith.index_cast %add3A_51 : i32 to index
        %get3A_53 = tpu.vector_load %arg5[%get3A_52] {strides = array<i32>} : memref<16384xf32, #tpu.memory_space<vmem>>, vector<16xf32>,
        %max3A_54 = arith.maximumf %get3A_35, %get3A_41 : vector<16xf32>
        %max3A_55 = arith.maximumf %get3A_47, %get3A_53 : vector<16xf32>
        %max3A_56 = arith.maximumf %max3A_54, %max3A_55 : vector<16xf32>
        %reduce_max3A = arith.constant true
        %reduce_max3A_57 = vector.broadcast %reduce_max3A : i1 to vector<16xi1>
        %reduce_max3A_58 = tpu.scan <max>, %max3A_56 masked %reduce_max3A_57 : vector<16xf32>, vector<16xi1> -> vector<16xf32>
        %reduce_max3A_59 = vector.extract %reduce_max3A_58[15] : f32 from vector<16xf32>
        %sub3A_60 = vector.broadcast %reduce_max3A_59 : f32 to vector<16xf32>
        %sub3A_61 = arith.subf %get3A_35, %sub3A_60 : vector<16xf32>
        %exp3A = math.exp %sub3A_61 : vector<16xf32>
        %sub3A_62 = vector.broadcast %reduce_max3A_59 : f32 to vector<16xf32>
        %sub3A_63 = arith.subf %get3A_41, %sub3A_62 : vector<16xf32>
        %exp3A_64 = math.exp %sub3A_63 : vector<16xf32>
        %add3A_65 = arith.addf %exp3A, %exp3A_64 : vector<16xf32>
        %sub3A_66 = vector.broadcast %reduce_max3A_59 : f32 to vector<16xf32>
        %sub3A_67 = arith.subf %get3A_47, %sub3A_66 : vector<16xf32>
        %exp3A_68 = math.exp %sub3A_67 : vector<16xf32>
        %add3A_69 = arith.addf %add3A_65, %exp3A_68 : vector<16xf32>
        %sub3A_70 = vector.broadcast %reduce_max3A_59 : f32 to vector<16xf32>
        %sub3A_71 = arith.subf %get3A_53, %sub3A_70 : vector<16xf32>
        %exp3A_72 = math.exp %sub3A_71 : vector<16xf32>
        %add3A_73 = arith.addf %add3A_69, %exp3A_72 : vector<16xf32>
        %reduce_sum3A = arith.constant true
        %reduce_sum3A_74 = vector.broadcast %reduce_sum3A : i1 to vector<16xi1>
        %reduce_sum3A_75 = tpu.scan <sum>, %add3A_73 masked %reduce_sum3A_74 : vector<16xf32>, vector<16xi1> -> vector<16xf32>
        %reduce_sum3A_76 = vector.extract %reduce_sum3A_75[15] : f32 from vector<16xf32>
        %mul3A_77 = arith.constant 128 : i32
        %mul3A_78 = arith.muli %mul3A_32, %mul3A_77 : i32
        %add3A_79 = arith.constant 0 : i32
        %add3A_80 = arith.addi %mul3A_78, %add3A_79 : i32
        %get3A_81 = arith.index_cast %add3A_80 : i32 to index
        %get3A_82 = tpu.vector_load %arg5[%get3A_81] {strides = array<i32>} : memref<16384xf32, #tpu.memory_space<vmem>>, vector<16xf32>,
        %add3A_83 = arith.constant 0 : i32
        %add3A_84 = vector.broadcast %add3A_83 : i32 to vector<16xi32>
        %add3A_85 = arith.addi %iota3A, %add3A_84 : vector<16xi32>
        %masked_sort3A = arith.constant dense<true> : vector<16xi1>
        %masked_sort3A_86, %masked_sort3A_87, %masked_sort3A_88 = tpu.sort %get3A_82, %add3A_85 masked %masked_sort3A {descending = true} : (vector<16xf32>, vector<16xi32>, vector<16xi1>) -> (vector<16xi1>, vector<16xf32>, vector<16xi32>)
        %mul3A_89 = arith.constant 128 : i32
        %mul3A_90 = arith.muli %mul3A_32, %mul3A_89 : i32
        %add3A_91 = arith.constant 16 : i32
        %add3A_92 = arith.addi %mul3A_90, %add3A_91 : i32
        %get3A_93 = arith.index_cast %add3A_92 : i32 to index
        %get3A_94 = tpu.vector_load %arg5[%get3A_93] {strides = array<i32>} : memref<16384xf32, #tpu.memory_space<vmem>>, vector<16xf32>,
        %add3A_95 = arith.constant 16 : i32
        %add3A_96 = vector.broadcast %add3A_95 : i32 to vector<16xi32>
        %add3A_97 = arith.addi %iota3A, %add3A_96 : vector<16xi32>
        %masked_sort3A_98 = arith.constant dense<true> : vector<16xi1>
        %masked_sort3A_99, %masked_sort3A_100, %masked_sort3A_101 = tpu.sort %get3A_94, %add3A_97 masked %masked_sort3A_98 : (vector<16xf32>, vector<16xi32>, vector<16xi1>) -> (vector<16xi1>, vector<16xf32>, vector<16xi32>)
        %mul3A_102 = arith.constant 128 : i32
        %mul3A_103 = arith.muli %mul3A_32, %mul3A_102 : i32
        %add3A_104 = arith.constant 32 : i32
        %add3A_105 = arith.addi %mul3A_103, %add3A_104 : i32
        %get3A_106 = arith.index_cast %add3A_105 : i32 to index
        %get3A_107 = tpu.vector_load %arg5[%get3A_106] {strides = array<i32>} : memref<16384xf32, #tpu.memory_space<vmem>>, vector<16xf32>,
        %add3A_108 = arith.constant 32 : i32
        %add3A_109 = vector.broadcast %add3A_108 : i32 to vector<16xi32>
        %add3A_110 = arith.addi %iota3A, %add3A_109 : vector<16xi32>
        %masked_sort3A_111 = arith.constant dense<true> : vector<16xi1>
        %masked_sort3A_112, %masked_sort3A_113, %masked_sort3A_114 = tpu.sort %get3A_107, %add3A_110 masked %masked_sort3A_111 {descending = true} : (vector<16xf32>, vector<16xi32>, vector<16xi1>) -> (vector<16xi1>, vector<16xf32>, vector<16xi32>)
        %mul3A_115 = arith.constant 128 : i32
        %mul3A_116 = arith.muli %mul3A_32, %mul3A_115 : i32
        %add3A_117 = arith.constant 48 : i32
        %add3A_118 = arith.addi %mul3A_116, %add3A_117 : i32
        %get3A_119 = arith.index_cast %add3A_118 : i32 to index
        %get3A_120 = tpu.vector_load %arg5[%get3A_119] {strides = array<i32>} : memref<16384xf32, #tpu.memory_space<vmem>>, vector<16xf32>,
        %add3A_121 = arith.constant 48 : i32
        %add3A_122 = vector.broadcast %add3A_121 : i32 to vector<16xi32>
        %add3A_123 = arith.addi %iota3A, %add3A_122 : vector<16xi32>
        %masked_sort3A_124 = arith.constant dense<true> : vector<16xi1>
        %masked_sort3A_125, %masked_sort3A_126, %masked_sort3A_127 = tpu.sort %get3A_120, %add3A_123 masked %masked_sort3A_124 : (vector<16xf32>, vector<16xi32>, vector<16xi1>) -> (vector<16xi1>, vector<16xf32>, vector<16xi32>)
        %select_n3A = arith.select %lt3A_4, %masked_sort3A_87, %masked_sort3A_100 : vector<16xi1>, vector<16xf32>
        %select_n3A_128 = arith.select %lt3A_4, %masked_sort3A_88, %masked_sort3A_101 : vector<16xi1>, vector<16xi32>
        %select_n3A_129 = arith.select %lt3A_4, %masked_sort3A_113, %masked_sort3A_126 : vector<16xi1>, vector<16xf32>
        %select_n3A_130 = arith.select %lt3A_4, %masked_sort3A_114, %masked_sort3A_127 : vector<16xi1>, vector<16xi32>
        %masked_sort3A_131 = arith.constant dense<true> : vector<16xi1>
        %masked_sort3A_132, %masked_sort3A_133, %masked_sort3A_134 = tpu.sort %select_n3A, %select_n3A_128 masked %masked_sort3A_131 {descending = true} : (vector<16xf32>, vector<16xi32>, vector<16xi1>) -> (vector<16xi1>, vector<16xf32>, vector<16xi32>)
        %masked_sort3A_135 = arith.constant dense<true> : vector<16xi1>
        %masked_sort3A_136, %masked_sort3A_137, %masked_sort3A_138 = tpu.sort %select_n3A_129, %select_n3A_130 masked %masked_sort3A_135 : (vector<16xf32>, vector<16xi32>, vector<16xi1>) -> (vector<16xi1>, vector<16xf32>, vector<16xi32>)
        %select_n3A_139 = arith.select %lt3A_4, %masked_sort3A_133, %masked_sort3A_137 : vector<16xi1>, vector<16xf32>
        %select_n3A_140 = arith.select %lt3A_4, %masked_sort3A_134, %masked_sort3A_138 : vector<16xi1>, vector<16xi32>
        %masked_sort3A_141 = arith.constant dense<true> : vector<16xi1>
        %masked_sort3A_142, %masked_sort3A_143, %masked_sort3A_144 = tpu.sort %select_n3A_139, %select_n3A_140 masked %masked_sort3A_141 {descending = true} : (vector<16xf32>, vector<16xi32>, vector<16xi1>) -> (vector<16xi1>, vector<16xf32>, vector<16xi32>)
        %sub3A_145 = vector.broadcast %reduce_max3A_59 : f32 to vector<16xf32>
        %sub3A_146 = arith.subf %masked_sort3A_143, %sub3A_145 : vector<16xf32>
        %exp3A_147 = math.exp %sub3A_146 : vector<16xf32>
        %div3A = vector.broadcast %reduce_sum3A_76 : f32 to vector<16xf32>
        %div3A_148 = arith.divf %exp3A_147, %div3A : vector<16xf32>
        %mul3A_149 = arith.constant 2 : i32
        %mul3A_150 = arith.muli %mul3A_149, %scan3A_30 : i32
        %add3A_151 = arith.constant 1 : i32
        %add3A_152 = arith.addi %mul3A_150, %add3A_151 : i32
        %mul3A_153 = arith.constant 128 : i32
        %mul3A_154 = arith.muli %add3A_152, %mul3A_153 : i32
        %get3A_155 = arith.index_cast %mul3A_154 : i32 to index
        %get3A_156 = tpu.vector_load %arg5[%get3A_155] {strides = array<i32>} : memref<16384xf32, #tpu.memory_space<vmem>>, vector<16xf32>,
        %mul3A_157 = arith.constant 128 : i32
        %mul3A_158 = arith.muli %add3A_152, %mul3A_157 : i32
        %add3A_159 = arith.constant 16 : i32
        %add3A_160 = arith.addi %mul3A_158, %add3A_159 : i32
        %get3A_161 = arith.index_cast %add3A_160 : i32 to index
        %get3A_162 = tpu.vector_load %arg5[%get3A_161] {strides = array<i32>} : memref<16384xf32, #tpu.memory_space<vmem>>, vector<16xf32>,
        %mul3A_163 = arith.constant 128 : i32
        %mul3A_164 = arith.muli %add3A_152, %mul3A_163 : i32
        %add3A_165 = arith.constant 32 : i32
        %add3A_166 = arith.addi %mul3A_164, %add3A_165 : i32
        %get3A_167 = arith.index_cast %add3A_166 : i32 to index
        %get3A_168 = tpu.vector_load %arg5[%get3A_167] {strides = array<i32>} : memref<16384xf32, #tpu.memory_space<vmem>>, vector<16xf32>,
        %mul3A_169 = arith.constant 128 : i32
        %mul3A_170 = arith.muli %add3A_152, %mul3A_169 : i32
        %add3A_171 = arith.constant 48 : i32
        %add3A_172 = arith.addi %mul3A_170, %add3A_171 : i32
        %get3A_173 = arith.index_cast %add3A_172 : i32 to index
        %get3A_174 = tpu.vector_load %arg5[%get3A_173] {strides = array<i32>} : memref<16384xf32, #tpu.memory_space<vmem>>, vector<16xf32>,
        %max3A_175 = arith.maximumf %get3A_156, %get3A_162 : vector<16xf32>
        %max3A_176 = arith.maximumf %get3A_168, %get3A_174 : vector<16xf32>
        %max3A_177 = arith.maximumf %max3A_175, %max3A_176 : vector<16xf32>
        %reduce_max3A_178 = arith.constant true
        %reduce_max3A_179 = vector.broadcast %reduce_max3A_178 : i1 to vector<16xi1>
        %reduce_max3A_180 = tpu.scan <max>, %max3A_177 masked %reduce_max3A_179 : vector<16xf32>, vector<16xi1> -> vector<16xf32>
        %reduce_max3A_181 = vector.extract %reduce_max3A_180[15] : f32 from vector<16xf32>
        %sub3A_182 = vector.broadcast %reduce_max3A_181 : f32 to vector<16xf32>
        %sub3A_183 = arith.subf %get3A_156, %sub3A_182 : vector<16xf32>
        %exp3A_184 = math.exp %sub3A_183 : vector<16xf32>
        %sub3A_185 = vector.broadcast %reduce_max3A_181 : f32 to vector<16xf32>
        %sub3A_186 = arith.subf %get3A_162, %sub3A_185 : vector<16xf32>
        %exp3A_187 = math.exp %sub3A_186 : vector<16xf32>
        %add3A_188 = arith.addf %exp3A_184, %exp3A_187 : vector<16xf32>
        %sub3A_189 = vector.broadcast %reduce_max3A_181 : f32 to vector<16xf32>
        %sub3A_190 = arith.subf %get3A_168, %sub3A_189 : vector<16xf32>
        %exp3A_191 = math.exp %sub3A_190 : vector<16xf32>
        %add3A_192 = arith.addf %add3A_188, %exp3A_191 : vector<16xf32>
        %sub3A_193 = vector.broadcast %reduce_max3A_181 : f32 to vector<16xf32>
        %sub3A_194 = arith.subf %get3A_174, %sub3A_193 : vector<16xf32>
        %exp3A_195 = math.exp %sub3A_194 : vector<16xf32>
        %add3A_196 = arith.addf %add3A_192, %exp3A_195 : vector<16xf32>
        %reduce_sum3A_197 = arith.constant true
        %reduce_sum3A_198 = vector.broadcast %reduce_sum3A_197 : i1 to vector<16xi1>
        %reduce_sum3A_199 = tpu.scan <sum>, %add3A_196 masked %reduce_sum3A_198 : vector<16xf32>, vector<16xi1> -> vector<16xf32>
        %reduce_sum3A_200 = vector.extract %reduce_sum3A_199[15] : f32 from vector<16xf32>
        %mul3A_201 = arith.constant 128 : i32
        %mul3A_202 = arith.muli %add3A_152, %mul3A_201 : i32
        %add3A_203 = arith.constant 0 : i32
        %add3A_204 = arith.addi %mul3A_202, %add3A_203 : i32
        %get3A_205 = arith.index_cast %add3A_204 : i32 to index
        %get3A_206 = tpu.vector_load %arg5[%get3A_205] {strides = array<i32>} : memref<16384xf32, #tpu.memory_space<vmem>>, vector<16xf32>,
        %add3A_207 = arith.constant 0 : i32
        %add3A_208 = vector.broadcast %add3A_207 : i32 to vector<16xi32>
        %add3A_209 = arith.addi %iota3A, %add3A_208 : vector<16xi32>
        %masked_sort3A_210 = arith.constant dense<true> : vector<16xi1>
        %masked_sort3A_211, %masked_sort3A_212, %masked_sort3A_213 = tpu.sort %get3A_206, %add3A_209 masked %masked_sort3A_210 {descending = true} : (vector<16xf32>, vector<16xi32>, vector<16xi1>) -> (vector<16xi1>, vector<16xf32>, vector<16xi32>)
        %mul3A_214 = arith.constant 128 : i32
        %mul3A_215 = arith.muli %add3A_152, %mul3A_214 : i32
        %add3A_216 = arith.constant 16 : i32
        %add3A_217 = arith.addi %mul3A_215, %add3A_216 : i32
        %get3A_218 = arith.index_cast %add3A_217 : i32 to index
        %get3A_219 = tpu.vector_load %arg5[%get3A_218] {strides = array<i32>} : memref<16384xf32, #tpu.memory_space<vmem>>, vector<16xf32>,
        %add3A_220 = arith.constant 16 : i32
        %add3A_221 = vector.broadcast %add3A_220 : i32 to vector<16xi32>
        %add3A_222 = arith.addi %iota3A, %add3A_221 : vector<16xi32>
        %masked_sort3A_223 = arith.constant dense<true> : vector<16xi1>
        %masked_sort3A_224, %masked_sort3A_225, %masked_sort3A_226 = tpu.sort %get3A_219, %add3A_222 masked %masked_sort3A_223 : (vector<16xf32>, vector<16xi32>, vector<16xi1>) -> (vector<16xi1>, vector<16xf32>, vector<16xi32>)
        %mul3A_227 = arith.constant 128 : i32
        %mul3A_228 = arith.muli %add3A_152, %mul3A_227 : i32
        %add3A_229 = arith.constant 32 : i32
        %add3A_230 = arith.addi %mul3A_228, %add3A_229 : i32
        %get3A_231 = arith.index_cast %add3A_230 : i32 to index
        %get3A_232 = tpu.vector_load %arg5[%get3A_231] {strides = array<i32>} : memref<16384xf32, #tpu.memory_space<vmem>>, vector<16xf32>,
        %add3A_233 = arith.constant 32 : i32
        %add3A_234 = vector.broadcast %add3A_233 : i32 to vector<16xi32>
        %add3A_235 = arith.addi %iota3A, %add3A_234 : vector<16xi32>
        %masked_sort3A_236 = arith.constant dense<true> : vector<16xi1>
        %masked_sort3A_237, %masked_sort3A_238, %masked_sort3A_239 = tpu.sort %get3A_232, %add3A_235 masked %masked_sort3A_236 {descending = true} : (vector<16xf32>, vector<16xi32>, vector<16xi1>) -> (vector<16xi1>, vector<16xf32>, vector<16xi32>)
        %mul3A_240 = arith.constant 128 : i32
        %mul3A_241 = arith.muli %add3A_152, %mul3A_240 : i32
        %add3A_242 = arith.constant 48 : i32
        %add3A_243 = arith.addi %mul3A_241, %add3A_242 : i32
        %get3A_244 = arith.index_cast %add3A_243 : i32 to index
        %get3A_245 = tpu.vector_load %arg5[%get3A_244] {strides = array<i32>} : memref<16384xf32, #tpu.memory_space<vmem>>, vector<16xf32>,
        %add3A_246 = arith.constant 48 : i32
        %add3A_247 = vector.broadcast %add3A_246 : i32 to vector<16xi32>
        %add3A_248 = arith.addi %iota3A, %add3A_247 : vector<16xi32>
        %masked_sort3A_249 = arith.constant dense<true> : vector<16xi1>
        %masked_sort3A_250, %masked_sort3A_251, %masked_sort3A_252 = tpu.sort %get3A_245, %add3A_248 masked %masked_sort3A_249 : (vector<16xf32>, vector<16xi32>, vector<16xi1>) -> (vector<16xi1>, vector<16xf32>, vector<16xi32>)
        %select_n3A_253 = arith.select %lt3A_4, %masked_sort3A_212, %masked_sort3A_225 : vector<16xi1>, vector<16xf32>
        %select_n3A_254 = arith.select %lt3A_4, %masked_sort3A_213, %masked_sort3A_226 : vector<16xi1>, vector<16xi32>
        %select_n3A_255 = arith.select %lt3A_4, %masked_sort3A_238, %masked_sort3A_251 : vector<16xi1>, vector<16xf32>
        %select_n3A_256 = arith.select %lt3A_4, %masked_sort3A_239, %masked_sort3A_252 : vector<16xi1>, vector<16xi32>
        %masked_sort3A_257 = arith.constant dense<true> : vector<16xi1>
        %masked_sort3A_258, %masked_sort3A_259, %masked_sort3A_260 = tpu.sort %select_n3A_253, %select_n3A_254 masked %masked_sort3A_257 {descending = true} : (vector<16xf32>, vector<16xi32>, vector<16xi1>) -> (vector<16xi1>, vector<16xf32>, vector<16xi32>)
        %masked_sort3A_261 = arith.constant dense<true> : vector<16xi1>
        %masked_sort3A_262, %masked_sort3A_263, %masked_sort3A_264 = tpu.sort %select_n3A_255, %select_n3A_256 masked %masked_sort3A_261 : (vector<16xf32>, vector<16xi32>, vector<16xi1>) -> (vector<16xi1>, vector<16xf32>, vector<16xi32>)
        %select_n3A_265 = arith.select %lt3A_4, %masked_sort3A_259, %masked_sort3A_263 : vector<16xi1>, vector<16xf32>
        %select_n3A_266 = arith.select %lt3A_4, %masked_sort3A_260, %masked_sort3A_264 : vector<16xi1>, vector<16xi32>
        %masked_sort3A_267 = arith.constant dense<true> : vector<16xi1>
        %masked_sort3A_268, %masked_sort3A_269, %masked_sort3A_270 = tpu.sort %select_n3A_265, %select_n3A_266 masked %masked_sort3A_267 {descending = true} : (vector<16xf32>, vector<16xi32>, vector<16xi1>) -> (vector<16xi1>, vector<16xf32>, vector<16xi32>)
        %sub3A_271 = vector.broadcast %reduce_max3A_181 : f32 to vector<16xf32>
        %sub3A_272 = arith.subf %masked_sort3A_269, %sub3A_271 : vector<16xf32>
        %exp3A_273 = math.exp %sub3A_272 : vector<16xf32>
        %div3A_274 = vector.broadcast %reduce_sum3A_200 : f32 to vector<16xf32>
        %div3A_275 = arith.divf %exp3A_273, %div3A_274 : vector<16xf32>
        %gather3A = vector.shape_cast %reshape3A : vector<16x1xi32> to vector<16xi32>
        %gather3A_276 = tpu.dynamic_gather %div3A_275[%gather3A] in [0] : vector<16xf32>, vector<16xi32> -> vector<16xf32>
        %select_n3A_277 = arith.select %lt3A_4, %div3A_148, %gather3A_276 : vector<16xi1>, vector<16xf32>
        %mul3A_278 = arith.constant 2 : i32
        %mul3A_279 = arith.muli %scan3A_30, %mul3A_278 : i32
        %mul3A_280 = arith.constant 8 : i32
        %mul3A_281 = arith.muli %mul3A_279, %mul3A_280 : i32
        %swap3A = arith.index_cast %mul3A_281 : i32 to index
        %swap3A_282 = tpu.vector_load %arg7[%swap3A] {strides = array<i32>} : memref<1024xf32, #tpu.memory_space<vmem>>, vector<16xf32>,
        tpu.vector_store %arg7[%swap3A], %select_n3A_277 {strides = array<i32>} : memref<1024xf32, #tpu.memory_space<vmem>>, vector<16xf32>,
        %gather3A_283 = vector.shape_cast %reshape3A : vector<16x1xi32> to vector<16xi32>
        %gather3A_284 = tpu.dynamic_gather %masked_sort3A_270[%gather3A_283] in [0] : vector<16xi32>, vector<16xi32> -> vector<16xi32>
        %select_n3A_285 = arith.select %lt3A_4, %masked_sort3A_144, %gather3A_284 : vector<16xi1>, vector<16xi32>
        %mul3A_286 = arith.constant 2 : i32
        %mul3A_287 = arith.muli %scan3A_30, %mul3A_286 : i32
        %mul3A_288 = arith.constant 8 : i32
        %mul3A_289 = arith.muli %mul3A_287, %mul3A_288 : i32
        %swap3A_290 = arith.index_cast %mul3A_289 : i32 to index
        %swap3A_291 = tpu.vector_load %arg6[%swap3A_290] {strides = array<i32>} : memref<1024xi32, #tpu.memory_space<vmem>>, vector<16xi32>,
        tpu.vector_store %arg6[%swap3A_290], %select_n3A_285 {strides = array<i32>} : memref<1024xi32, #tpu.memory_space<vmem>>, vector<16xi32>,
      }
      %scan3A_25 = arith.constant 64 : i32
      %mul3A_26 = arith.constant 8 : i32
      %mul3A_27 = arith.muli %multiple_of3A, %mul3A_26 : i32
      "tpu.region"() ({
        %run_scoped3A = tpu.sem_alloc : memref<!tpu.dma_semaphore, #tpu.memory_space<semaphore_mem>>
        %dma_start3A = tpu.memref_slice %arg3[%mul3A_27] : memref<65536xi32, #tpu.memory_space<hbm>> -> memref<1024xi32, #tpu.memory_space<hbm>>
        %dma_start3A_30 = tpu.memref_slice %arg3[%mul3A_27] : memref<65536xi32, #tpu.memory_space<hbm>> -> memref<1024xi32, #tpu.memory_space<hbm>>
        tpu.enqueue_dma source(%arg6 : memref<1024xi32, #tpu.memory_space<vmem>>) target(%dma_start3A_30 : memref<1024xi32, #tpu.memory_space<hbm>>) target_semaphore(%run_scoped3A : memref<!tpu.dma_semaphore, #tpu.memory_space<semaphore_mem>>)
        %dma_wait3A = tpu.memref_slice %arg3[%mul3A_27] : memref<65536xi32, #tpu.memory_space<hbm>> -> memref<1024xi32, #tpu.memory_space<hbm>>
        %dma_wait3A_31 = tpu.memref_slice %arg3[%mul3A_27] : memref<65536xi32, #tpu.memory_space<hbm>> -> memref<1024xi32, #tpu.memory_space<hbm>>
        tpu.wait_dma2 semaphore(%run_scoped3A : memref<!tpu.dma_semaphore, #tpu.memory_space<semaphore_mem>>) src(%arg6 : memref<1024xi32, #tpu.memory_space<vmem>>) dst(%dma_wait3A_31 : memref<1024xi32, #tpu.memory_space<hbm>>)
        tpu.yield
      }) : () -> ()
      %mul3A_28 = arith.constant 8 : i32
      %mul3A_29 = arith.muli %multiple_of3A, %mul3A_28 : i32
      "tpu.region"() ({
        %run_scoped3A = tpu.sem_alloc : memref<!tpu.dma_semaphore, #tpu.memory_space<semaphore_mem>>
        %dma_start3A = tpu.memref_slice %arg4[%mul3A_29] : memref<65536xf32, #tpu.memory_space<hbm>> -> memref<1024xf32, #tpu.memory_space<hbm>>
        %dma_start3A_30 = tpu.memref_slice %arg4[%mul3A_29] : memref<65536xf32, #tpu.memory_space<hbm>> -> memref<1024xf32, #tpu.memory_space<hbm>>
        tpu.enqueue_dma source(%arg7 : memref<1024xf32, #tpu.memory_space<vmem>>) target(%dma_start3A_30 : memref<1024xf32, #tpu.memory_space<hbm>>) target_semaphore(%run_scoped3A : memref<!tpu.dma_semaphore, #tpu.memory_space<semaphore_mem>>)
        %dma_wait3A = tpu.memref_slice %arg4[%mul3A_29] : memref<65536xf32, #tpu.memory_space<hbm>> -> memref<1024xf32, #tpu.memory_space<hbm>>
        %dma_wait3A_31 = tpu.memref_slice %arg4[%mul3A_29] : memref<65536xf32, #tpu.memory_space<hbm>> -> memref<1024xf32, #tpu.memory_space<hbm>>
        tpu.wait_dma2 semaphore(%run_scoped3A : memref<!tpu.dma_semaphore, #tpu.memory_space<semaphore_mem>>) src(%arg7 : memref<1024xf32, #tpu.memory_space<vmem>>) dst(%dma_wait3A_31 : memref<1024xf32, #tpu.memory_space<hbm>>)
        tpu.yield
      }) : () -> ()
    }
    %scan3A_13 = arith.constant 2 : i32
    return
  }
}

module attributes {stable_mosaic.version = 14 : i64} {
  func.func @_matmul_body(%arg0: i32, %arg1: memref<256x4096xf32, #tpu.memory_space<vmem>>, %arg2: memref<256x4096xf32, #tpu.memory_space<vmem>>, %arg3: memref<4096x128xf32, #tpu.memory_space<vmem>>, %arg4: memref<1x128xf32, #tpu.memory_space<vmem>>, %arg5: memref<512x128xf32, #tpu.memory_space<vmem>>) attributes {dimension_semantics = [#tpu.dimension_semantics<arbitrary>], iteration_bounds = array<i64: 16>, scalar_prefetch = 0 : i64, scratch_operands = 0 : i64, tpu.core_type = #tpu.core_type<tc>, window_params = [{transform_indices = @transform_0, window_bounds = array<i64: 256, 4096>}, {transform_indices = @transform_1, window_bounds = array<i64: 256, 4096>}, {pipeline_mode = #tpu.pipeline_mode<synchronous>, transform_indices = @transform_2, window_bounds = array<i64: 4096, 128>}, {pipeline_mode = #tpu.pipeline_mode<synchronous>, transform_indices = @transform_3, window_bounds = array<i64: 1, 128>}, {transform_indices = @transform_4, window_bounds = array<i64: 512, 128>}]} {
    %get3A = arith.constant 0 : index
    %get3A_0 = arith.constant 0 : index
    %get3A_1 = vector.load %arg3[%get3A, %get3A_0] : memref<4096x128xf32, #tpu.memory_space<vmem>>, vector<4096x128xf32>
    %convert_element_type3A = arith.truncf %get3A_1 : vector<4096x128xf32> to vector<4096x128xbf16>
    %get3A_2 = arith.constant 0 : index
    %get3A_3 = arith.constant 0 : index
    %get3A_4 = vector.load %arg1[%get3A_2, %get3A_3] : memref<256x4096xf32, #tpu.memory_space<vmem>>, vector<256x4096xf32>
    %convert_element_type3A_5 = arith.truncf %get3A_4 : vector<256x4096xf32> to vector<256x4096xbf16>
    %dot_general3A = arith.constant dense<0.000000e+00> : vector<256x128xf32>
    %dot_general3A_6 = tpu.matmul %convert_element_type3A_5, %convert_element_type3A, %dot_general3A {dimension_numbers = #tpu.dot_dimension_numbers<[1], [0], [0], [1], [0, 0, 1, 1], [], []>, transpose_lhs_hint = false} : vector<256x4096xbf16>, vector<4096x128xbf16>, vector<256x128xf32> -> vector<256x128xf32>
    %get3A_7 = arith.constant 0 : index
    %get3A_8 = arith.constant 0 : index
    %get3A_9 = vector.load %arg4[%get3A_7, %get3A_8] : memref<1x128xf32, #tpu.memory_space<vmem>>, vector<1x128xf32>
    %add3A = vector.broadcast %get3A_9 : vector<1x128xf32> to vector<256x128xf32>
    %add3A_10 = arith.addf %dot_general3A_6, %add3A : vector<256x128xf32>
    %swap3A = arith.constant 0 : index
    %swap3A_11 = arith.constant 0 : index
    %swap3A_12 = vector.load %arg5[%swap3A, %swap3A_11] : memref<512x128xf32, #tpu.memory_space<vmem>>, vector<256x128xf32>
    tpu.vector_store %arg5[%swap3A, %swap3A_11], %add3A_10 {strides = array<i32>} : memref<512x128xf32, #tpu.memory_space<vmem>>, vector<256x128xf32>,
    %get3A_13 = arith.constant 0 : index
    %get3A_14 = arith.constant 0 : index
    %get3A_15 = vector.load %arg2[%get3A_13, %get3A_14] : memref<256x4096xf32, #tpu.memory_space<vmem>>, vector<256x4096xf32>
    %convert_element_type3A_16 = arith.truncf %get3A_15 : vector<256x4096xf32> to vector<256x4096xbf16>
    %dot_general3A_17 = arith.constant dense<0.000000e+00> : vector<256x128xf32>
    %dot_general3A_18 = tpu.matmul %convert_element_type3A_16, %convert_element_type3A, %dot_general3A_17 {dimension_numbers = #tpu.dot_dimension_numbers<[1], [0], [0], [1], [0, 0, 1, 1], [], []>, transpose_lhs_hint = false} : vector<256x4096xbf16>, vector<4096x128xbf16>, vector<256x128xf32> -> vector<256x128xf32>
    %get3A_19 = arith.constant 0 : index
    %get3A_20 = arith.constant 0 : index
    %get3A_21 = vector.load %arg4[%get3A_19, %get3A_20] : memref<1x128xf32, #tpu.memory_space<vmem>>, vector<1x128xf32>
    %add3A_22 = vector.broadcast %get3A_21 : vector<1x128xf32> to vector<256x128xf32>
    %add3A_23 = arith.addf %dot_general3A_18, %add3A_22 : vector<256x128xf32>
    %swap3A_24 = arith.constant 256 : index
    %swap3A_25 = arith.constant 0 : index
    %swap3A_26 = vector.load %arg5[%swap3A_24, %swap3A_25] : memref<512x128xf32, #tpu.memory_space<vmem>>, vector<256x128xf32>
    tpu.vector_store %arg5[%swap3A_24, %swap3A_25], %add3A_23 {strides = array<i32>} : memref<512x128xf32, #tpu.memory_space<vmem>>, vector<256x128xf32>,
    return
  }
  func.func @transform_0(%arg0: i32) -> (i32, i32) {
    %mul3A = arith.constant 2 : i32
    %mul3A_0 = arith.muli %mul3A, %arg0 : i32
    %add3A = arith.constant 96 : i32
    %add3A_1 = arith.addi %add3A, %mul3A_0 : i32
    %c0_i32 = arith.constant 0 : i32
    %c0_i32_2 = arith.constant 0 : i32
    return %add3A_1, %c0_i32 : i32, i32
  }
  func.func @transform_1(%arg0: i32) -> (i32, i32) {
    %mul3A = arith.constant 2 : i32
    %mul3A_0 = arith.muli %mul3A, %arg0 : i32
    %add3A = arith.constant 96 : i32
    %add3A_1 = arith.addi %add3A, %mul3A_0 : i32
    %add3A_2 = arith.constant 1 : i32
    %add3A_3 = arith.addi %add3A_1, %add3A_2 : i32
    %c0_i32 = arith.constant 0 : i32
    %c0_i32_4 = arith.constant 0 : i32
    return %add3A_3, %c0_i32 : i32, i32
  }
  func.func @transform_2(%arg0: i32) -> (i32, i32) {
    %c0_i32 = arith.constant 0 : i32
    %c0_i32_0 = arith.constant 0 : i32
    %c0_i32_1 = arith.constant 0 : i32
    return %c0_i32, %c0_i32_0 : i32, i32
  }
  func.func @transform_3(%arg0: i32) -> (i32, i32) {
    %c0_i32 = arith.constant 0 : i32
    %c0_i32_0 = arith.constant 0 : i32
    %c0_i32_1 = arith.constant 0 : i32
    return %c0_i32, %c0_i32_0 : i32, i32
  }
  func.func @transform_4(%arg0: i32) -> (i32, i32) {
    %c0_i32 = arith.constant 0 : i32
    %c0_i32_0 = arith.constant 0 : i32
    return %arg0, %c0_i32 : i32, i32
  }
}

module attributes {stable_mosaic.version = 14 : i64} {
  func.func @_matmul_body(%arg0: i32, %arg1: memref<256x4096xf32, #tpu.memory_space<vmem>>, %arg2: memref<256x4096xf32, #tpu.memory_space<vmem>>, %arg3: memref<4096x128xf32, #tpu.memory_space<vmem>>, %arg4: memref<1x128xf32, #tpu.memory_space<vmem>>, %arg5: memref<512x128xf32, #tpu.memory_space<vmem>>) attributes {dimension_semantics = [#tpu.dimension_semantics<arbitrary>], iteration_bounds = array<i64: 16>, scalar_prefetch = 0 : i64, scratch_operands = 0 : i64, tpu.core_type = #tpu.core_type<tc>, window_params = [{transform_indices = @transform_0, window_bounds = array<i64: 256, 4096>}, {transform_indices = @transform_1, window_bounds = array<i64: 256, 4096>}, {pipeline_mode = #tpu.pipeline_mode<synchronous>, transform_indices = @transform_2, window_bounds = array<i64: 4096, 128>}, {pipeline_mode = #tpu.pipeline_mode<synchronous>, transform_indices = @transform_3, window_bounds = array<i64: 1, 128>}, {transform_indices = @transform_4, window_bounds = array<i64: 512, 128>}]} {
    %get3A = arith.constant 0 : index
    %get3A_0 = arith.constant 0 : index
    %get3A_1 = vector.load %arg3[%get3A, %get3A_0] : memref<4096x128xf32, #tpu.memory_space<vmem>>, vector<4096x128xf32>
    %convert_element_type3A = arith.truncf %get3A_1 : vector<4096x128xf32> to vector<4096x128xbf16>
    %get3A_2 = arith.constant 0 : index
    %get3A_3 = arith.constant 0 : index
    %get3A_4 = vector.load %arg1[%get3A_2, %get3A_3] : memref<256x4096xf32, #tpu.memory_space<vmem>>, vector<256x4096xf32>
    %convert_element_type3A_5 = arith.truncf %get3A_4 : vector<256x4096xf32> to vector<256x4096xbf16>
    %dot_general3A = arith.constant dense<0.000000e+00> : vector<256x128xf32>
    %dot_general3A_6 = tpu.matmul %convert_element_type3A_5, %convert_element_type3A, %dot_general3A {dimension_numbers = #tpu.dot_dimension_numbers<[1], [0], [0], [1], [0, 0, 1, 1], [], []>, transpose_lhs_hint = false} : vector<256x4096xbf16>, vector<4096x128xbf16>, vector<256x128xf32> -> vector<256x128xf32>
    %get3A_7 = arith.constant 0 : index
    %get3A_8 = arith.constant 0 : index
    %get3A_9 = vector.load %arg4[%get3A_7, %get3A_8] : memref<1x128xf32, #tpu.memory_space<vmem>>, vector<1x128xf32>
    %add3A = vector.broadcast %get3A_9 : vector<1x128xf32> to vector<256x128xf32>
    %add3A_10 = arith.addf %dot_general3A_6, %add3A : vector<256x128xf32>
    %swap3A = arith.constant 0 : index
    %swap3A_11 = arith.constant 0 : index
    %swap3A_12 = vector.load %arg5[%swap3A, %swap3A_11] : memref<512x128xf32, #tpu.memory_space<vmem>>, vector<256x128xf32>
    tpu.vector_store %arg5[%swap3A, %swap3A_11], %add3A_10 {strides = array<i32>} : memref<512x128xf32, #tpu.memory_space<vmem>>, vector<256x128xf32>,
    %get3A_13 = arith.constant 0 : index
    %get3A_14 = arith.constant 0 : index
    %get3A_15 = vector.load %arg2[%get3A_13, %get3A_14] : memref<256x4096xf32, #tpu.memory_space<vmem>>, vector<256x4096xf32>
    %convert_element_type3A_16 = arith.truncf %get3A_15 : vector<256x4096xf32> to vector<256x4096xbf16>
    %dot_general3A_17 = arith.constant dense<0.000000e+00> : vector<256x128xf32>
    %dot_general3A_18 = tpu.matmul %convert_element_type3A_16, %convert_element_type3A, %dot_general3A_17 {dimension_numbers = #tpu.dot_dimension_numbers<[1], [0], [0], [1], [0, 0, 1, 1], [], []>, transpose_lhs_hint = false} : vector<256x4096xbf16>, vector<4096x128xbf16>, vector<256x128xf32> -> vector<256x128xf32>
    %get3A_19 = arith.constant 0 : index
    %get3A_20 = arith.constant 0 : index
    %get3A_21 = vector.load %arg4[%get3A_19, %get3A_20] : memref<1x128xf32, #tpu.memory_space<vmem>>, vector<1x128xf32>
    %add3A_22 = vector.broadcast %get3A_21 : vector<1x128xf32> to vector<256x128xf32>
    %add3A_23 = arith.addf %dot_general3A_18, %add3A_22 : vector<256x128xf32>
    %swap3A_24 = arith.constant 256 : index
    %swap3A_25 = arith.constant 0 : index
    %swap3A_26 = vector.load %arg5[%swap3A_24, %swap3A_25] : memref<512x128xf32, #tpu.memory_space<vmem>>, vector<256x128xf32>
    tpu.vector_store %arg5[%swap3A_24, %swap3A_25], %add3A_23 {strides = array<i32>} : memref<512x128xf32, #tpu.memory_space<vmem>>, vector<256x128xf32>,
    return
  }
  func.func @transform_0(%arg0: i32) -> (i32, i32) {
    %mul3A = arith.constant 2 : i32
    %mul3A_0 = arith.muli %mul3A, %arg0 : i32
    %add3A = arith.constant 64 : i32
    %add3A_1 = arith.addi %add3A, %mul3A_0 : i32
    %c0_i32 = arith.constant 0 : i32
    %c0_i32_2 = arith.constant 0 : i32
    return %add3A_1, %c0_i32 : i32, i32
  }
  func.func @transform_1(%arg0: i32) -> (i32, i32) {
    %mul3A = arith.constant 2 : i32
    %mul3A_0 = arith.muli %mul3A, %arg0 : i32
    %add3A = arith.constant 64 : i32
    %add3A_1 = arith.addi %add3A, %mul3A_0 : i32
    %add3A_2 = arith.constant 1 : i32
    %add3A_3 = arith.addi %add3A_1, %add3A_2 : i32
    %c0_i32 = arith.constant 0 : i32
    %c0_i32_4 = arith.constant 0 : i32
    return %add3A_3, %c0_i32 : i32, i32
  }
  func.func @transform_2(%arg0: i32) -> (i32, i32) {
    %c0_i32 = arith.constant 0 : i32
    %c0_i32_0 = arith.constant 0 : i32
    %c0_i32_1 = arith.constant 0 : i32
    return %c0_i32, %c0_i32_0 : i32, i32
  }
  func.func @transform_3(%arg0: i32) -> (i32, i32) {
    %c0_i32 = arith.constant 0 : i32
    %c0_i32_0 = arith.constant 0 : i32
    %c0_i32_1 = arith.constant 0 : i32
    return %c0_i32, %c0_i32_0 : i32, i32
  }
  func.func @transform_4(%arg0: i32) -> (i32, i32) {
    %c0_i32 = arith.constant 0 : i32
    %c0_i32_0 = arith.constant 0 : i32
    return %arg0, %c0_i32 : i32, i32
  }
}

module attributes {stable_mosaic.version = 14 : i64} {
  func.func @_matmul_body(%arg0: i32, %arg1: memref<256x4096xf32, #tpu.memory_space<vmem>>, %arg2: memref<256x4096xf32, #tpu.memory_space<vmem>>, %arg3: memref<4096x128xf32, #tpu.memory_space<vmem>>, %arg4: memref<1x128xf32, #tpu.memory_space<vmem>>, %arg5: memref<512x128xf32, #tpu.memory_space<vmem>>) attributes {dimension_semantics = [#tpu.dimension_semantics<arbitrary>], iteration_bounds = array<i64: 16>, scalar_prefetch = 0 : i64, scratch_operands = 0 : i64, tpu.core_type = #tpu.core_type<tc>, window_params = [{transform_indices = @transform_0, window_bounds = array<i64: 256, 4096>}, {transform_indices = @transform_1, window_bounds = array<i64: 256, 4096>}, {pipeline_mode = #tpu.pipeline_mode<synchronous>, transform_indices = @transform_2, window_bounds = array<i64: 4096, 128>}, {pipeline_mode = #tpu.pipeline_mode<synchronous>, transform_indices = @transform_3, window_bounds = array<i64: 1, 128>}, {transform_indices = @transform_4, window_bounds = array<i64: 512, 128>}]} {
    %get3A = arith.constant 0 : index
    %get3A_0 = arith.constant 0 : index
    %get3A_1 = vector.load %arg3[%get3A, %get3A_0] : memref<4096x128xf32, #tpu.memory_space<vmem>>, vector<4096x128xf32>
    %convert_element_type3A = arith.truncf %get3A_1 : vector<4096x128xf32> to vector<4096x128xbf16>
    %get3A_2 = arith.constant 0 : index
    %get3A_3 = arith.constant 0 : index
    %get3A_4 = vector.load %arg1[%get3A_2, %get3A_3] : memref<256x4096xf32, #tpu.memory_space<vmem>>, vector<256x4096xf32>
    %convert_element_type3A_5 = arith.truncf %get3A_4 : vector<256x4096xf32> to vector<256x4096xbf16>
    %dot_general3A = arith.constant dense<0.000000e+00> : vector<256x128xf32>
    %dot_general3A_6 = tpu.matmul %convert_element_type3A_5, %convert_element_type3A, %dot_general3A {dimension_numbers = #tpu.dot_dimension_numbers<[1], [0], [0], [1], [0, 0, 1, 1], [], []>, transpose_lhs_hint = false} : vector<256x4096xbf16>, vector<4096x128xbf16>, vector<256x128xf32> -> vector<256x128xf32>
    %get3A_7 = arith.constant 0 : index
    %get3A_8 = arith.constant 0 : index
    %get3A_9 = vector.load %arg4[%get3A_7, %get3A_8] : memref<1x128xf32, #tpu.memory_space<vmem>>, vector<1x128xf32>
    %add3A = vector.broadcast %get3A_9 : vector<1x128xf32> to vector<256x128xf32>
    %add3A_10 = arith.addf %dot_general3A_6, %add3A : vector<256x128xf32>
    %swap3A = arith.constant 0 : index
    %swap3A_11 = arith.constant 0 : index
    %swap3A_12 = vector.load %arg5[%swap3A, %swap3A_11] : memref<512x128xf32, #tpu.memory_space<vmem>>, vector<256x128xf32>
    tpu.vector_store %arg5[%swap3A, %swap3A_11], %add3A_10 {strides = array<i32>} : memref<512x128xf32, #tpu.memory_space<vmem>>, vector<256x128xf32>,
    %get3A_13 = arith.constant 0 : index
    %get3A_14 = arith.constant 0 : index
    %get3A_15 = vector.load %arg2[%get3A_13, %get3A_14] : memref<256x4096xf32, #tpu.memory_space<vmem>>, vector<256x4096xf32>
    %convert_element_type3A_16 = arith.truncf %get3A_15 : vector<256x4096xf32> to vector<256x4096xbf16>
    %dot_general3A_17 = arith.constant dense<0.000000e+00> : vector<256x128xf32>
    %dot_general3A_18 = tpu.matmul %convert_element_type3A_16, %convert_element_type3A, %dot_general3A_17 {dimension_numbers = #tpu.dot_dimension_numbers<[1], [0], [0], [1], [0, 0, 1, 1], [], []>, transpose_lhs_hint = false} : vector<256x4096xbf16>, vector<4096x128xbf16>, vector<256x128xf32> -> vector<256x128xf32>
    %get3A_19 = arith.constant 0 : index
    %get3A_20 = arith.constant 0 : index
    %get3A_21 = vector.load %arg4[%get3A_19, %get3A_20] : memref<1x128xf32, #tpu.memory_space<vmem>>, vector<1x128xf32>
    %add3A_22 = vector.broadcast %get3A_21 : vector<1x128xf32> to vector<256x128xf32>
    %add3A_23 = arith.addf %dot_general3A_18, %add3A_22 : vector<256x128xf32>
    %swap3A_24 = arith.constant 256 : index
    %swap3A_25 = arith.constant 0 : index
    %swap3A_26 = vector.load %arg5[%swap3A_24, %swap3A_25] : memref<512x128xf32, #tpu.memory_space<vmem>>, vector<256x128xf32>
    tpu.vector_store %arg5[%swap3A_24, %swap3A_25], %add3A_23 {strides = array<i32>} : memref<512x128xf32, #tpu.memory_space<vmem>>, vector<256x128xf32>,
    return
  }
  func.func @transform_0(%arg0: i32) -> (i32, i32) {
    %mul3A = arith.constant 2 : i32
    %mul3A_0 = arith.muli %mul3A, %arg0 : i32
    %add3A = arith.constant 0 : i32
    %add3A_1 = arith.addi %add3A, %mul3A_0 : i32
    %c0_i32 = arith.constant 0 : i32
    %c0_i32_2 = arith.constant 0 : i32
    return %add3A_1, %c0_i32 : i32, i32
  }
  func.func @transform_1(%arg0: i32) -> (i32, i32) {
    %mul3A = arith.constant 2 : i32
    %mul3A_0 = arith.muli %mul3A, %arg0 : i32
    %add3A = arith.constant 0 : i32
    %add3A_1 = arith.addi %add3A, %mul3A_0 : i32
    %add3A_2 = arith.constant 1 : i32
    %add3A_3 = arith.addi %add3A_1, %add3A_2 : i32
    %c0_i32 = arith.constant 0 : i32
    %c0_i32_4 = arith.constant 0 : i32
    return %add3A_3, %c0_i32 : i32, i32
  }
  func.func @transform_2(%arg0: i32) -> (i32, i32) {
    %c0_i32 = arith.constant 0 : i32
    %c0_i32_0 = arith.constant 0 : i32
    %c0_i32_1 = arith.constant 0 : i32
    return %c0_i32, %c0_i32_0 : i32, i32
  }
  func.func @transform_3(%arg0: i32) -> (i32, i32) {
    %c0_i32 = arith.constant 0 : i32
    %c0_i32_0 = arith.constant 0 : i32
    %c0_i32_1 = arith.constant 0 : i32
    return %c0_i32, %c0_i32_0 : i32, i32
  }
  func.func @transform_4(%arg0: i32) -> (i32, i32) {
    %c0_i32 = arith.constant 0 : i32
    %c0_i32_0 = arith.constant 0 : i32
    return %arg0, %c0_i32 : i32, i32
  }
}

module attributes {stable_mosaic.version = 14 : i64} {
  func.func @_matmul_body(%arg0: i32, %arg1: memref<256x4096xf32, #tpu.memory_space<vmem>>, %arg2: memref<256x4096xf32, #tpu.memory_space<vmem>>, %arg3: memref<4096x128xf32, #tpu.memory_space<vmem>>, %arg4: memref<1x128xf32, #tpu.memory_space<vmem>>, %arg5: memref<512x128xf32, #tpu.memory_space<vmem>>) attributes {dimension_semantics = [#tpu.dimension_semantics<arbitrary>], iteration_bounds = array<i64: 16>, scalar_prefetch = 0 : i64, scratch_operands = 0 : i64, tpu.core_type = #tpu.core_type<tc>, window_params = [{transform_indices = @transform_0, window_bounds = array<i64: 256, 4096>}, {transform_indices = @transform_1, window_bounds = array<i64: 256, 4096>}, {pipeline_mode = #tpu.pipeline_mode<synchronous>, transform_indices = @transform_2, window_bounds = array<i64: 4096, 128>}, {pipeline_mode = #tpu.pipeline_mode<synchronous>, transform_indices = @transform_3, window_bounds = array<i64: 1, 128>}, {transform_indices = @transform_4, window_bounds = array<i64: 512, 128>}]} {
    %get3A = arith.constant 0 : index
    %get3A_0 = arith.constant 0 : index
    %get3A_1 = vector.load %arg3[%get3A, %get3A_0] : memref<4096x128xf32, #tpu.memory_space<vmem>>, vector<4096x128xf32>
    %convert_element_type3A = arith.truncf %get3A_1 : vector<4096x128xf32> to vector<4096x128xbf16>
    %get3A_2 = arith.constant 0 : index
    %get3A_3 = arith.constant 0 : index
    %get3A_4 = vector.load %arg1[%get3A_2, %get3A_3] : memref<256x4096xf32, #tpu.memory_space<vmem>>, vector<256x4096xf32>
    %convert_element_type3A_5 = arith.truncf %get3A_4 : vector<256x4096xf32> to vector<256x4096xbf16>
    %dot_general3A = arith.constant dense<0.000000e+00> : vector<256x128xf32>
    %dot_general3A_6 = tpu.matmul %convert_element_type3A_5, %convert_element_type3A, %dot_general3A {dimension_numbers = #tpu.dot_dimension_numbers<[1], [0], [0], [1], [0, 0, 1, 1], [], []>, transpose_lhs_hint = false} : vector<256x4096xbf16>, vector<4096x128xbf16>, vector<256x128xf32> -> vector<256x128xf32>
    %get3A_7 = arith.constant 0 : index
    %get3A_8 = arith.constant 0 : index
    %get3A_9 = vector.load %arg4[%get3A_7, %get3A_8] : memref<1x128xf32, #tpu.memory_space<vmem>>, vector<1x128xf32>
    %add3A = vector.broadcast %get3A_9 : vector<1x128xf32> to vector<256x128xf32>
    %add3A_10 = arith.addf %dot_general3A_6, %add3A : vector<256x128xf32>
    %swap3A = arith.constant 0 : index
    %swap3A_11 = arith.constant 0 : index
    %swap3A_12 = vector.load %arg5[%swap3A, %swap3A_11] : memref<512x128xf32, #tpu.memory_space<vmem>>, vector<256x128xf32>
    tpu.vector_store %arg5[%swap3A, %swap3A_11], %add3A_10 {strides = array<i32>} : memref<512x128xf32, #tpu.memory_space<vmem>>, vector<256x128xf32>,
    %get3A_13 = arith.constant 0 : index
    %get3A_14 = arith.constant 0 : index
    %get3A_15 = vector.load %arg2[%get3A_13, %get3A_14] : memref<256x4096xf32, #tpu.memory_space<vmem>>, vector<256x4096xf32>
    %convert_element_type3A_16 = arith.truncf %get3A_15 : vector<256x4096xf32> to vector<256x4096xbf16>
    %dot_general3A_17 = arith.constant dense<0.000000e+00> : vector<256x128xf32>
    %dot_general3A_18 = tpu.matmul %convert_element_type3A_16, %convert_element_type3A, %dot_general3A_17 {dimension_numbers = #tpu.dot_dimension_numbers<[1], [0], [0], [1], [0, 0, 1, 1], [], []>, transpose_lhs_hint = false} : vector<256x4096xbf16>, vector<4096x128xbf16>, vector<256x128xf32> -> vector<256x128xf32>
    %get3A_19 = arith.constant 0 : index
    %get3A_20 = arith.constant 0 : index
    %get3A_21 = vector.load %arg4[%get3A_19, %get3A_20] : memref<1x128xf32, #tpu.memory_space<vmem>>, vector<1x128xf32>
    %add3A_22 = vector.broadcast %get3A_21 : vector<1x128xf32> to vector<256x128xf32>
    %add3A_23 = arith.addf %dot_general3A_18, %add3A_22 : vector<256x128xf32>
    %swap3A_24 = arith.constant 256 : index
    %swap3A_25 = arith.constant 0 : index
    %swap3A_26 = vector.load %arg5[%swap3A_24, %swap3A_25] : memref<512x128xf32, #tpu.memory_space<vmem>>, vector<256x128xf32>
    tpu.vector_store %arg5[%swap3A_24, %swap3A_25], %add3A_23 {strides = array<i32>} : memref<512x128xf32, #tpu.memory_space<vmem>>, vector<256x128xf32>,
    return
  }
  func.func @transform_0(%arg0: i32) -> (i32, i32) {
    %mul3A = arith.constant 2 : i32
    %mul3A_0 = arith.muli %mul3A, %arg0 : i32
    %add3A = arith.constant 32 : i32
    %add3A_1 = arith.addi %add3A, %mul3A_0 : i32
    %c0_i32 = arith.constant 0 : i32
    %c0_i32_2 = arith.constant 0 : i32
    return %add3A_1, %c0_i32 : i32, i32
  }
  func.func @transform_1(%arg0: i32) -> (i32, i32) {
    %mul3A = arith.constant 2 : i32
    %mul3A_0 = arith.muli %mul3A, %arg0 : i32
    %add3A = arith.constant 32 : i32
    %add3A_1 = arith.addi %add3A, %mul3A_0 : i32
    %add3A_2 = arith.constant 1 : i32
    %add3A_3 = arith.addi %add3A_1, %add3A_2 : i32
    %c0_i32 = arith.constant 0 : i32
    %c0_i32_4 = arith.constant 0 : i32
    return %add3A_3, %c0_i32 : i32, i32
  }
  func.func @transform_2(%arg0: i32) -> (i32, i32) {
    %c0_i32 = arith.constant 0 : i32
    %c0_i32_0 = arith.constant 0 : i32
    %c0_i32_1 = arith.constant 0 : i32
    return %c0_i32, %c0_i32_0 : i32, i32
  }
  func.func @transform_3(%arg0: i32) -> (i32, i32) {
    %c0_i32 = arith.constant 0 : i32
    %c0_i32_0 = arith.constant 0 : i32
    %c0_i32_1 = arith.constant 0 : i32
    return %c0_i32, %c0_i32_0 : i32, i32
  }
  func.func @transform_4(%arg0: i32) -> (i32, i32) {
    %c0_i32 = arith.constant 0 : i32
    %c0_i32_0 = arith.constant 0 : i32
    return %arg0, %c0_i32 : i32, i32
  }
}

</mosaic_0001>

<sc_bundles>
// kernel: kernel.10.cloned.1.call-start
scs
__scs_entry_jumppad:
0x0: {  	(pc) =	sbr.rel $0x88, $3  }
0x1: {  	(tag) =	ssettag $0x0;
	lr =	simm.s32 $0x1  }
0x2: {  	[smem:$0x3F9E] =	sst lr;
	_ =	strace $0xD0000000  }
0x3: {  	_ = 	snop  }
0x4: {  	_ = 	snop  }
0x5: {  	_ = 	snop  }
0x6: {  	_ = 	snop  }
0x7: {  	_ = 	snop  }
__scs_overlays_trampoline_lowered:
0x8: {  	[smem:$0x3FAD] =	sst s0  }
0x9: {  	[smem:$0x3FAE] =	sst s1  }
0xa: {  	[smem:$0x3FAF] =	sst s2  }
0xb: {  	[smem:$0x3FB0] =	sst s3  }
0xc: {  	[smem:$0x3FB1] =	sst s4  }
0xd: {  	[smem:$0x3FB2] =	sst s5  }
0xe: {  	[smem:$0x3FB3] =	sst s6  }
0xf: {  	[smem:$0x3FB4] =	sst s7  }
0x10: {  	[smem:$0x3FB5] =	sst s8  }
0x11: {  	[smem:$0x3FB6] =	sst s9;
	s0 =	simm.s32 @!p0 $0x0  }
0x12: {  	s1 =	sld [smem:$0x3F9C];
	s0 =	simm.s32 @p0 $0x1  }
0x13: {  	[smem:$0x3FB7] =	sst s0;
	s0 =	simm.s32 @!p1 $0x0  }
0x14: {  	s2 =	sld [smem:$0x3F9B];
	s0 =	simm.s32 @p1 $0x1  }
0x15: {  	[smem:$0x3FB8] =	sst s0;
	s0 =	simm.s32 @!p2 $0x0  }
0x16: {  	s3 =	sld [smem:$0x3FDB];
	s0 =	simm.s32 @p2 $0x1  }
0x17: {  	s4 =	simm.s32 $0x1BF5;
	[smem:$0x3FBA] =	sst s0  }
0x18: {  	s0 =	sld [smem:$0x3F9D];
	_ =	swait.ge [sflag:s4], $0x0  }
0x19: {  	s7 =	sld [smem:$0x3F9E]  }
0x1a: {  	s8 =	sadd.s32 $0xFFFFE003, lr  }
0x1b: {  	s9 =	sadd.s32 $0xFFFFFEF7, lr;
	s5 =	simm.s32 $0xFFFFFFFF;
	p2 =	slt.u32 s8, $0xFFFFF086  }
0x1c: {  	p1 =	slt.u32 s9, $0xF7A;
	s5 =	simm.s32 @!p2 $0x0  }
0x1d: {  	s5 =	simm.s32 @p1 $0x1;
	p0 =	seq.s32 s7, s2  }
0x1e: {  	s7 =	smul.u32 @!p0 $0xF7A, s2;
	p2 =	seq.s32 @!p0 s5, $0x0  }
0x1f: {  	s9 =	smul.u32 $0xF7A, s1;
	s8 =	simm.s32 @!p0 $0x1BF5;
	p2 =	por !p2, p0  }
0x20: {  	[sflag:s8] =	ssyncset.s32 @!p0 $0xFFFFF086;
	s6 =	sadd.s32 @!p0 s3, s7;
	s7 =	simm.s32 @!p0 $0x108  }
0x21: {  	s3 =	sadd.s32 s3, s9;
	s6 =	sadd.s32 @!p0 $0x88, s6;
	s7 =	simm.s32 @p2 $0x1082  }
0x22: {  	[simem:s7], [sflag:s8] =	dma.local @!p0 [hbm:s6], $0xF7A  }
0x23: {  	s9 =	sor.u32 $0xD0000000, s2;
	s6 =	simm.s32 $0x108;
	_ =	swait.ge @!p0 [sflag:s8], $0x0  }
0x24: {  	s3 =	sadd.s32 $0x88, s3;
	s6 =	simm.s32 @!p1 $0x1082;
	[sflag:s4] =	ssyncset.s32 $0xFFFFF086  }
0x25: {  	[simem:s6], [sflag:s4] =	dma.local [hbm:s3], $0xF7A  }
0x26: {  	[smem:$0x3F9E] =	sst s1;
	(tag) =	ssettag s2;
	_ =	strace s9  }
0x27: {  	s1 =	sld [smem:$0x3FAE]  }
0x28: {  	s2 =	sld [smem:$0x3FAF]  }
0x29: {  	s4 =	sld [smem:$0x3FB1]  }
0x2a: {  	p0 =	seq.s32 s5, $0x0;
	s5 =	sld [smem:$0x3FB2]  }
0x2b: {  	s6 =	sld [smem:$0x3FB3]  }
0x2c: {  	s7 =	sld [smem:$0x3FB4]  }
0x2d: {  	s3 =	simm.s32 $0x108;
	s8 =	sld [smem:$0x3FB5]  }
0x2e: {  	s3 =	simm.s32 @!p0 $0x1082;
	s9 =	sld [smem:$0x3FB6]  }
0x2f: {  	lr =	sadd.s32 s0, s3;
	s0 =	sld [smem:$0x3FAD]  }
0x30: {  	s3 =	sld [smem:$0x3FB0]  }
0x31: {  	[smem:$0x3FB9] =	sst s10  }
0x32: {  	s10 =	sld [smem:$0x3FB7];
	_ =	sdelay $0x3  }
0x33: {  	p0 =	seq.s32 s10, $0x1;
	s10 =	sld [smem:$0x3FB9];
	_ =	sdelay $0x3  }
0x34: {  	[smem:$0x3FB9] =	sst s10  }
0x35: {  	s10 =	sld [smem:$0x3FB8];
	_ =	sdelay $0x3  }
0x36: {  	p1 =	seq.s32 s10, $0x1;
	s10 =	sld [smem:$0x3FB9];
	_ =	sdelay $0x3  }
0x37: {  	[smem:$0x3FB9] =	sst s10  }
0x38: {  	s10 =	sld [smem:$0x3FBA]  }
0x39: {  	_ = 	snop;
	(pc) =	sbr.ind lr, $3  }
0x3a: {  	_ = 	snop  }
0x3b: {  	_ = 	snop  }
0x3c: {  	p2 =	seq.s32 s10, $0x1;
	s10 =	sld [smem:$0x3FB9]  }
0x3d: {  	_ =	shalt  }
0x3e: {  	_ =	shalt  }
0x3f: {  	_ =	shalt  }
0x40: {  	_ =	shalt  }
0x41: {  	_ =	shalt  }
0x42: {  	_ =	shalt  }
0x43: {  	_ =	shalt  }
0x44: {  	_ =	shalt  }
0x45: {  	_ =	shalt  }
0x46: {  	_ =	shalt  }
0x47: {  	_ =	shalt  }
0x48: {  	_ =	shalt  }
0x49: {  	_ =	shalt  }
0x4a: {  	_ =	shalt  }
0x4b: {  	_ =	shalt  }
0x4c: {  	_ =	shalt  }
0x4d: {  	_ =	shalt  }
0x4e: {  	_ =	shalt  }
0x4f: {  	_ =	shalt  }
0x50: {  	_ =	shalt  }
0x51: {  	_ =	shalt  }
0x52: {  	_ =	shalt  }
0x53: {  	_ =	shalt  }
0x54: {  	_ =	shalt  }
0x55: {  	_ =	shalt  }
0x56: {  	_ =	shalt  }
0x57: {  	_ =	shalt  }
0x58: {  	_ =	shalt  }
0x59: {  	_ =	shalt  }
0x5a: {  	_ =	shalt  }
0x5b: {  	_ =	shalt  }
0x5c: {  	_ =	shalt  }
0x5d: {  	_ =	shalt  }
0x5e: {  	_ =	shalt  }
0x5f: {  	_ =	shalt  }
0x60: {  	_ =	shalt  }
0x61: {  	_ =	shalt  }
0x62: {  	_ =	shalt  }
0x63: {  	_ =	shalt  }
0x64: {  	_ =	shalt  }
0x65: {  	_ =	shalt  }
0x66: {  	_ =	shalt  }
0x67: {  	_ =	shalt  }
0x68: {  	_ =	shalt  }
0x69: {  	_ =	shalt  }
0x6a: {  	_ =	shalt  }
0x6b: {  	_ =	shalt  }
0x6c: {  	_ =	shalt  }
0x6d: {  	_ =	shalt  }
0x6e: {  	_ =	shalt  }
0x6f: {  	_ =	shalt  }
0x70: {  	_ =	shalt  }
0x71: {  	_ =	shalt  }
0x72: {  	_ =	shalt  }
0x73: {  	_ =	shalt  }
0x74: {  	_ =	shalt  }
0x75: {  	_ =	shalt  }
0x76: {  	_ =	shalt  }
0x77: {  	_ =	shalt  }
0x78: {  	_ =	shalt  }
0x79: {  	_ =	shalt  }
0x7a: {  	_ =	shalt  }
0x7b: {  	_ =	shalt  }
0x7c: {  	_ =	shalt  }
0x7d: {  	_ =	shalt  }
0x7e: {  	_ =	shalt  }
0x7f: {  	_ =	shalt  }
0x80: {  	_ =	shalt  }
0x81: {  	_ =	shalt  }
0x82: {  	_ =	shalt  }
0x83: {  	_ =	shalt  }
0x84: {  	_ =	shalt  }
0x85: {  	_ =	shalt  }
0x86: {  	_ =	shalt  }
0x87: {  	_ =	shalt  }
.Lfunc_end0:
.L_simem_size_0:
called_computation_lowered:
.L_overlay_start_0:
0x88: {  	s2 =	sld [smem:$0x3FD9]  }
0x89: {  	s3 =	sld [smem:$0x3FFE];
	_ =	sdelay $0x1  }
0x8a: {  	s1 =	srdreg.scid  }
0x8b: {  	s0 =	sand.u32 $0x1, s1  }
0x8c: {  	s17 =	sshll.u32 s0, $0xA;
	s2 =	sadd.s32 s3, s2  }
0x8d: {  	s2 =	sadd.s32 s2, s17  }
0x8e: {  	[smem:$0x3FC5] =	sst s2  }
0x8f: {  	_ = 	snop  }
0x90: {  	(tm) =	ssettm $0x1  }
0x91: {  	s18 =	sld [smem:$0x3FFB];
	_ =	sdelay $0x3  }
0x92: {  	_ =	strace s18  }
0x93: {  	s2 =	sld [smem:$0x3FFC];
	_ =	sdelay $0x3  }
0x94: {  	_ =	strace s2  }
0x95: {  	s2 =	sld [smem:$0x3FFD];
	_ =	sdelay $0x3  }
0x96: {  	_ =	strace s2  }
0x97: {  	_ =	strace $0x8FFFFFFF  }
0x98: {  	s19 =	sld [smem:$0x3FDB];
	_ =	sdelay $0x1  }
0x99: {  	s20 =	simm.s32 $_scs_section_size  }
0x9a: {  	s4 =	simm.s32 $_size__tile_overlayer_lowered;
	s5 =	simm.s32 $_tile_overlayer_lowered  }
0x9b: {  	s6 =	simm.s32 $0x1BFF;
	s21 =	sshll.u32 s5, $0x1;
	s3 =	sadd.s32 s20, s19  }
0x9c: {  	s22 =	simm.s32 $0x0;
	s4 =	sshll.u32 s4, $0x1;
	s5 =	sadd.s32 s21, s3  }
0x9d: {  	[timem:s22], [sflag:s6] =	dma.local [hbm:s5], s4  }
0x9e: {  	_ =	swait.ge [sflag:s6], s4  }
0x9f: {  	s4 =	ssub.s32 $0x0, s4;
	[sflag:s6] =	ssyncset.done $0x0  }
0xa0: {  	[sflag:s6] =	ssyncadd.s32 s4;
	_ =	sdelay $0x1  }
0xa1: {  	s23 =	simm.s32 $0x1B8B  }
0xa2: {  	_ =	swait.ge [sflag:s23], $0x1  }
0xa3: {  	[sflag:s23] =	ssyncset.done $0x0  }
0xa4: {  	[sflag:s23] =	ssyncadd.s32 $0xFFFFFFFF  }
0xa5: {  	s4 =	sld [smem:$0x0]  }
0xa6: {  	s5 =	sand.u32 $0xFFFFFFFE, s1  }
0xa7: {  	p0 =	sne.s32 s1, s5  }
0xa8: {  	s5 =	sshll.u32 @p0 s5, $0xE  }
0xa9: {  	s5 =	sadd.s32 @p0 $0x11B8D, s5;
	s6 =	sshll.u32 @p0 s4, $0x11  }
0xaa: {  	s5 =	sor.u32 @p0 s6, s5  }
0xab: {  	[sflag:s5] =	ssyncadd.remote.s32 @p0 $0x1;
	_ =	sdelay $0x1  }
0xac: {  	s5 =	simm.s32 @p0 $0x1B8D  }
0xad: {  	_ =	swait.eq @p0 [sflag:s5], $0x1  }
0xae: {  	[sflag:s5] =	ssyncadd.s32 @p0 $0xFFFFFFFF  }
0xaf: {  	s6 =	sshll.u32 @!p0 s1, $0xE  }
0xb0: {  	s6 =	sor.u32 @!p0 $0x4000, s6;
	s5 =	simm.s32 @!p0 $0x1B8D  }
0xb1: {  	s4 =	sshll.u32 @!p0 s4, $0x11;
	s6 =	sadd.s32 @!p0 $0x11B8D, s6;
	_ =	swait.eq @!p0 [sflag:s5], $0x1  }
0xb2: {  	s4 =	sor.u32 @!p0 s4, s6;
	[sflag:s5] =	ssyncadd.s32 @!p0 $0xFFFFFFFF  }
0xb3: {  	s25 =	simm.s32 $0x1B8E;
	s24 =	sld [smem:$0x3FFE];
	[sflag:s4] =	ssyncadd.remote.s32 @!p0 $0x1  }
0xb4: {  	s26 =	simm.s32 $execute0_lowered;
	[smem:$0x3FD2] =	sst s25  }
0xb5: {  	s5 =	sshll.u32 s26, $0x1;
	_ =	strace $0x8000004C;
	[dreg:$0x1] =	wrdreg $0xFFFFFFFF  }
0xb6: {  	s28 =	simm.s32 $_size_execute0_lowered;
	s3 =	sadd.s32 s3, s5;
	[dreg:$0x0] =	wrdreg $0x0  }
0xb7: {  	s5 =	sshll.u32 s28, $0x1;
	[dreg:$0x2] =	wrdreg s3  }
0xb8: {  	[dreg:$0x3] =	wrdreg s5  }
0xb9: {  	[dreg:$0x4] =	wrdreg $0xC0  }
0xba: {  	_ =	task [dreg:s22], $0x5FFFF  }
0xbb: {  	[dreg:$0x1] =	wrdreg $0xFFFFFFFF  }
0xbc: {  	[dreg:$0x0] =	wrdreg $0x60  }
0xbd: {  	[dreg:$0x2] =	wrdreg s24  }
0xbe: {  	[dreg:$0x3] =	wrdreg $0x9  }
0xbf: {  	_ =	task.clear_ibuf [dreg:s22], $0x4FFFF;
	_ =	strace $0x9000004C  }
0xc0: {  	s29 =	simm.s32 $0x9;
	_ =	strace $0x8000004E  }
0xc1: {  	_ =	swait.ge [sflag:s29], $0x1  }
0xc2: {  	[sflag:s29] =	ssyncadd.s32 $0xFFFFFFFF  }
0xc3: {  	_ =	strace $0x9000004E  }
0xc4: {  	_ =	sfence  }
0xc5: {  	s30 =	sld [smem:$0x0];
	_ =	sdelay $0x2  }
0xc6: {  	s31 =	sshll.u32 s1, $0xD;
	s1 =	sshrl.u32 s1, $0x2  }
0xc7: {  	s4 =	sand.u32 $0x4000, s31;
	s1 =	sadd.s32 s1, s30  }
0xc8: {  	s0 =	sor.u32 s4, s0;
	s1 =	sshll.u32 s1, $0x11  }
0xc9: {  	s0 =	sor.u32 s1, s0  }
0xca: {  	s0 =	sadd.s32 $0x8F2B, s0  }
0xcb: {  	[sflag:s0] =	ssyncadd.remote.s32 $0x1  }
0xcc: {  	_ =	sfence.sel $0xFFFF  }
0xcd: {  	[dreg:$0x0] =	wrdreg $0xFFFFFFFF;
	(pc) =	sbr.abs _section_cstart, $3  }
0xce: {  	[dreg:$0x1] =	wrdreg $0xFFFFFFFF  }
0xcf: {  	_ =	task.clear_ibuf [dreg:s22], $0x2FFFF;
	_ =	strace $0x9FFFFFFF  }
0xd0: {  	(tm) =	ssettm $0x7FFFFFFF  }
0xd1: {  	_ =	shalt  }
tec
execute0_lowered:
.L_overlay_start_1:
0x0: {  	(tag) =	ssettag $0x1  }
0x1: {  	v0 =	vimm.s32 $0xE40000  }
0x2: {  	s2 =	rddreg [dreg:$0x0];
	v0 =	vunpack.c.l.s2.s4 v0  }
0x3: {  	s0 =	rddreg [dreg:$0x1];
	s1 =	simm.s32 $0x0;
	s3 =	srdreg.scid  }
0x4: {  	s9 =	simm.s32 $0x4000;
	s10 =	simm.s32 $0x4400;
	s11 =	simm.s32 $0x0;
	v1 =	vunpack.c.l.s4.s8 v0  }
0x5: {  	[smem:$0x7FF] =	sst s1;
	s6 =	sand.u32 $0x1, s3;
	s3 =	sadd.s32 $0x4B000, s2  }
0x6: {  	v2 =	vimm.s32 $0x7060504;
	s4 =	sadd.s32 $0x6B000, s2;
	s5 =	sadd.s32 $0x6D000, s2;
	s7 =	ssub.s32 $0x2, s6;
	v3 =	vunpack.c.0.s8.s32 v1  }
0x7: {  	vm1 =	vcmask $0x3F30;
	s2 =	stileid.u32;
	v4 =	vunpack.c.0.s8.s32 v2;
	_ =	strace $0x8000004D;
	s8 =	sshrl.u32 s7, $0x1;
	v0 =	vlaneseq.u32  }
0x8: {  	vm0 =	vmmov $0xff;
	s31 =	sshll.u32 s2, $0x9;
	s6 =	sshll.u32 s6, $0x8;
	s7 =	ssub.s32 s7, s8;
	v2 =	vor.u32 $0x20, v0;
	v5 =	vand.u32 $0x3, v3  }
0x9: {  	s6 =	sor.u32 s6, s31;
	s8 =	simm.s32 $0x1;
	v1 =	vor.u32 $0x10, v0;
	s7 =	smax.u32 s7, $0x1;
	v3 =	vor.u32 $0x30, v0;
	v4 =	vsel vm1, v4, v5  }
.LBB2_1:
0xa: {  	p1 =	por $0x1, $0x1;
	s12 =	simm.s32 $0x0  }
.LBB2_2:
0xb: {  	s12 =	sor.u32 s6, s12  }
0xc: {  	s13 =	sshll.u32 s12, $0x4  }
0xd: {  	s14 =	sadd.s32 s3, s13;
	s13 =	simm.s32 $0x0  }
0xe: {  	[tilespmem:s13], [sflag:$0x1] =	stream.linear.gather [hbm4b:s14+s13], $0x4000, $0x38;
	[tilespmem:$0x4800] =	vst v63  }
0xf: {  	_ =	swait.ge [sflag:s8], $0x4000  }
0x10: {  	[sflag:s8] =	ssyncset.done $0x0  }
0x11: {  	s14 =	simm.s32 $0x80;
	[sflag:s8] =	ssyncadd.s32 $0xFFFFC000  }
0x12: {  	v6 =	vld [tilespmem:s14+$0x10]  }
0x13: {  	v7 =	vld [tilespmem:s14+$0x30]  }
0x14: {  	v8 =	vld [tilespmem:s14+$0x0];
	_ =	sdelay $0x2  }
0x15: {  	(xrf1) =	vsort.ascd.msk.f32 $0xffff, v6, v1  }
0x16: {  	(xrf1) =	vsort.ascd.msk.f32 $0xffff, v7, v3  }
0x17: {  	(xrf1) =	vsort.dscd.msk.f32 $0xffff, v8, v0  }
0x18: {  	v9 =	vld [tilespmem:s14+$0x20];
	_ =	sdelay $0x4  }
0x19: {  	v10 =	vld [tilespmem:s14+$0xFFFFFFB0];
	v5 =	vmax.f32 v8, v6;
	v11 =	vmax.f32 v9, v7  }
0x1a: {  	v42 =	vld [tilespmem:s14+$0xFFFFFF90];
	v5 =	vmax.f32 v5, v11  }
0x1b: {  	v12 =	vld [tilespmem:s14+$0xFFFFFF80];
	(xrf0) =	vmax.scan.msk.f32 $0xffff, v5  }
0x1c: {  	v13 =	vld [tilespmem:s14+$0xFFFFFFA0];
	(xrf1) =	vsort.dscd.msk.f32 $0xffff, v9, v2;
	_ =	sdelay $0x1  }
0x1d: {  	(xrf1) =	vsort.ascd.msk.f32 $0xffff, v10, v3  }
0x1e: {  	(xrf1) =	vsort.ascd.msk.f32 $0xffff, v42, v1;
	v15, v16, _ =	vpop (xrf1)  }
0x1f: {  	(xrf1) =	vsort.dscd.msk.f32 $0xffff, v12, v0;
	v18, v19, _ =	vpop (xrf1)  }
0x20: {  	(xrf1) =	vsort.dscd.msk.f32 $0xffff, v13, v2;
	v43, v20, _ =	vpop (xrf1)  }
0x21: {  	v5, _, _ =	vpop (xrf0);
	v44 =	vsel vm0, v43, v15;
	v45 =	vsel vm0, v20, v16  }
0x22: {  	v5 =	vbroadcast v5, $0xF;
	(xrf1) =	vsort.dscd.msk.f32 $0xffff, v44, v45;
	_ =	sdelay $0x1  }
0x23: {  	v8 =	vsub.f32 v8, v5  }
0x24: {  	v6 =	vsub.f32 v6, v5  }
0x25: {  	v14 =	vmax.f32 v12, v42;
	v17 =	vmax.f32 v13, v10;
	v8 =	vmul.f32 $1.442695020e+00, v8  }
0x26: {  	v9 =	vsub.f32 v9, v5;
	v7 =	vsub.f32 v7, v5;
	v6 =	vmul.f32 $1.442695020e+00, v6  }
0x27: {  	v14 =	vmax.f32 v14, v17  }
0x28: {  	(xrf0) =	vmax.scan.msk.f32 $0xffff, v14;
	v9 =	vmul.f32 $1.442695020e+00, v9;
	(erf) = vpow2.f32 v6;
	v47, v46, _ =	vpop (xrf1)  }
0x29: {  	(erf) = vpow2.f32 v8;
	v16 =	vsel vm0, v47, v18;
	v17 =	vsel vm0, v46, v19  }
0x2a: {  	v6 =	vmul.f32 $1.442695020e+00, v7;
	v7, v8, _ =	vpop (xrf1);
	(xrf1) =	vsort.ascd.msk.f32 $0xffff, v16, v17  }
0x2b: {  	(erf) = vpow2.f32 v9;
	v49, v48, _ =	vpop (xrf1)  }
0x2c: {  	v50, v51, _ =	vpop (xrf1)  }
0x2d: {  	(erf) = vpow2.f32 v6;
	v53, v52, _ =	vpop (xrf1);
	v9 =	vsel vm0, v50, v49;
	v14 =	vsel vm0, v51, v48  }
0x2e: {  	v6, _, _ =	vpop (xrf0);
	v7 =	vsel vm0, v53, v7;
	v8 =	vsel vm0, v52, v8;
	(xrf1) =	vsort.dscd.msk.f32 $0xffff, v9, v14  }
0x2f: {  	v6 =	vbroadcast v6, $0xF;
	v61, v60, _ =	vpop (xrf1);
	(xrf1) =	vsort.ascd.msk.f32 $0xffff, v7, v8;
	_ =	sdelay $0x1  }
0x30: {  	v12 =	vsub.f32 v12, v6;
	v54 =	vpop (erf)  }
0x31: {  	v11 =	vsub.f32 v42, v6;
	v55 =	vpop (erf)  }
0x32: {  	v12 =	vmul.f32 $1.442695020e+00, v12;
	v15 =	vadd.f32 v54, v55  }
0x33: {  	v13 =	vsub.f32 v13, v6;
	v11 =	vmul.f32 $1.442695020e+00, v11;
	v56 =	vpop (erf)  }
0x34: {  	(erf) = vpow2.f32 v12;
	v59 =	vadd.f32 v15, v56  }
0x35: {  	v10 =	vsub.f32 v10, v6;
	v58 =	vmul.f32 $1.442695020e+00, v13;
	v57 =	vpop (erf);
	(erf) = vpow2.f32 v11  }
0x36: {  	v63 =	vadd.f32 v59, v57  }
0x37: {  	(erf) = vpow2.f32 v58;
	v7 =	vmul.f32 $1.442695020e+00, v10;
	v8, v62, _ =	vpop (xrf1)  }
0x38: {  	(xrf2) =	vadd.scan.msk.f32 $0xffff, v63;
	v8 =	vsel vm0, v61, v8;
	v10 =	vsel vm0, v60, v62  }
0x39: {  	p0 =	por p1, p1;
	s15 =	simm.s32 $0x40;
	(erf) = vpow2.f32 v7;
	(xrf1) =	vsort.dscd.msk.f32 $0xffff, v8, v10  }
.LBB2_3:
0x3a: {  	p1 =	sne.s32 s15, $0xFC0  }
0x3b: {  	s14 =	sadd.s32 $0x100, s14;
	v7, v8, _ =	vpop (xrf1);
	s16 =	smov.u32 s15;
	s15 =	sadd.s32 $0x40, s15  }
0x3c: {  	v9, v10, _ =	vpop (xrf1)  }
0x3d: {  	v7 =	vsel vm0, v7, v9;
	v8 =	vsel vm0, v8, v10;
	v9 =	vpop (erf)  }
0x3e: {  	v10 =	vpop (erf);
	(xrf1) =	vsort.dscd.msk.f32 $0xffff, v7, v8  }
0x3f: {  	v7 =	vadd.f32 v10, v9  }
0x40: {  	v8 =	vpop (erf)  }
0x41: {  	v7 =	vadd.f32 v7, v8  }
0x42: {  	v8 =	vpop (erf)  }
0x43: {  	v7 =	vadd.f32 v7, v8  }
0x44: {  	v8, _, _ =	vpop (xrf2)  }
0x45: {  	v8 =	vbroadcast v8, $0xF;
	(xrf2) =	vadd.scan.msk.f32 $0xffff, v7;
	_ =	sdelay $0x1  }
0x46: {  	v7, v9, _ =	vpop (xrf1)  }
0x47: {  	v5 =	vsub.f32 v7, v5;
	_ =	sdelay $0x1  }
0x48: {  	v5 =	vmul.f32 $1.442695020e+00, v5  }
0x49: {  	v7 =	vperm.xlane v9, v4;
	(erf) = vrcp.f32 v8  }
0x4a: {  	v8, v9, _ =	vpop (xrf1);
	(erf) = vpow2.f32 v5  }
0x4b: {  	s17 =	sshra.s32 s13, $0x2;
	s13 =	smov.u32 s16;
	v5 =	vsub.f32 v8, v6;
	v7 =	vsel vm0, v9, v7  }
0x4c: {  	[tilespmem:s17+$0x4000] =	vst v7  }
0x4d: {  	v5 =	vmul.f32 $1.442695020e+00, v5;
	v6, _, _ =	vpop (xrf2)  }
0x4e: {  	v6 =	vbroadcast v6, $0xF  }
0x4f: {  	(erf) = vpow2.f32 v5  }
0x50: {  	(erf) = vrcp.f32 v6;
	_ =	sdelay $0x1  }
0x51: {  	v5 =	vpop (erf)  }
0x52: {  	v6 =	vpop (erf)  }
0x53: {  	v5 =	vmul.f32 v5, v6;
	_ =	sdelay $0x3  }
0x54: {  	v6 =	vpop (erf)  }
0x55: {  	v7 =	vpop (erf)  }
0x56: {  	v5 =	vperm.xlane v5, v4;
	v6 =	vmul.f32 v7, v6;
	_ =	sdelay $0x1  }
0x57: {  	v5 =	vsel vm0, v6, v5  }
0x58: {  	[tilespmem:s17+$0x4400] =	vst v5;
	_ =	sdelay $0x1  }
0x59: {  	v6 =	vld [tilespmem:s14+$0x10]  }
0x5a: {  	v7 =	vld [tilespmem:s14+$0x20]  }
0x5b: {  	v8 =	vld [tilespmem:s14+$0x30]  }
0x5c: {  	v9 =	vld [tilespmem:s14+$0x0]  }
0x5d: {  	v10 =	vld [tilespmem:s14+$0xFFFFFFB0]  }
0x5e: {  	v11 =	vld [tilespmem:s14+$0xFFFFFF80]  }
0x5f: {  	v12 =	vld [tilespmem:s14+$0xFFFFFF90];
	(xrf1) =	vsort.ascd.msk.f32 $0xffff, v6, v1  }
0x60: {  	v13 =	vld [tilespmem:s14+$0xFFFFFFA0];
	(xrf1) =	vsort.ascd.msk.f32 $0xffff, v8, v3  }
0x61: {  	v14 =	vmax.f32 v7, v8;
	v5 =	vmax.f32 v9, v6;
	(xrf1) =	vsort.dscd.msk.f32 $0xffff, v9, v0  }
0x62: {  	v5 =	vmax.f32 v5, v14;
	(xrf1) =	vsort.dscd.msk.f32 $0xffff, v7, v2  }
0x63: {  	(xrf1) =	vsort.ascd.msk.f32 $0xffff, v10, v3  }
0x64: {  	v14 =	vmax.f32 v11, v12;
	(xrf0) =	vmax.scan.msk.f32 $0xffff, v5  }
0x65: {  	v5 =	vmax.f32 v13, v10;
	(xrf1) =	vsort.ascd.msk.f32 $0xffff, v12, v1  }
0x66: {  	v14 =	vmax.f32 v14, v5;
	(xrf1) =	vsort.dscd.msk.f32 $0xffff, v11, v0  }
0x67: {  	(xrf1) =	vsort.dscd.msk.f32 $0xffff, v13, v2;
	_ =	sdelay $0x2  }
0x68: {  	v5, _, _ =	vpop (xrf0)  }
0x69: {  	v5 =	vbroadcast v5, $0xF  }
0x6a: {  	(xrf0) =	vmax.scan.msk.f32 $0xffff, v14  }
0x6b: {  	v9 =	vsub.f32 v9, v5;
	v6 =	vsub.f32 v6, v5;
	v14, v15, _ =	vpop (xrf1)  }
0x6c: {  	v7 =	vsub.f32 v7, v5;
	v8 =	vsub.f32 v8, v5;
	v16, v17, _ =	vpop (xrf1)  }
0x6d: {  	v9 =	vmul.f32 $1.442695020e+00, v9;
	v6 =	vmul.f32 $1.442695020e+00, v6;
	v18, v19, _ =	vpop (xrf1)  }
0x6e: {  	v7 =	vmul.f32 $1.442695020e+00, v7;
	v20 =	vsel vm0, v18, v14;
	v15 =	vsel vm0, v19, v15;
	v18, v19, _ =	vpop (xrf1)  }
0x6f: {  	v16 =	vsel vm0, v18, v16;
	v17 =	vsel vm0, v19, v17;
	v18, v19, _ =	vpop (xrf1);
	(erf) = vpow2.f32 v6;
	(xrf1) =	vsort.dscd.msk.f32 $0xffff, v20, v15  }
0x70: {  	v6 =	vmul.f32 $1.442695020e+00, v8;
	v8, _, _ =	vpop (xrf0);
	(erf) = vpow2.f32 v9;
	(xrf1) =	vsort.ascd.msk.f32 $0xffff, v16, v17  }
0x71: {  	v9, v14, _ =	vpop (xrf1);
	(erf) = vpow2.f32 v7  }
0x72: {  	v7, v15, _ =	vpop (xrf1);
	(erf) = vpow2.f32 v6  }
0x73: {  	v6 =	vbroadcast v8, $0xF;
	v7 =	vsel vm0, v7, v9;
	v8 =	vsel vm0, v15, v14;
	v9, v14, _ =	vpop (xrf1)  }
0x74: {  	v9 =	vsel vm0, v9, v18;
	v14 =	vsel vm0, v14, v19;
	(xrf1) =	vsort.dscd.msk.f32 $0xffff, v7, v8  }
0x75: {  	v7 =	vsub.f32 v11, v6;
	v8 =	vsub.f32 v12, v6;
	(xrf1) =	vsort.ascd.msk.f32 $0xffff, v9, v14  }
0x76: {  	v10 =	vsub.f32 v10, v6;
	v9 =	vsub.f32 v13, v6  }
0x77: {  	v7 =	vmul.f32 $1.442695020e+00, v7;
	v8 =	vmul.f32 $1.442695020e+00, v8  }
0x78: {  	v10 =	vmul.f32 $1.442695020e+00, v10;
	v9 =	vmul.f32 $1.442695020e+00, v9;
	v11 =	vpop (erf)  }
0x79: {  	v12 =	vpop (erf)  }
0x7a: {  	v14 =	vadd.f32 v11, v12;
	v12 =	vpop (erf)  }
0x7b: {  	(erf) = vpow2.f32 v7;
	v7 =	vpop (erf)  }
0x7c: {  	v13 =	vadd.f32 v14, v12;
	(erf) = vpow2.f32 v8  }
.Ltmp0:
0x7d: {  	v8, v12, _ =	vpop (xrf1);
	(pc) =	sbr.rel @p1 .LBB2_3-.Ltmp0, $4  }
0x7e: {  	v7 =	vadd.f32 v13, v7;
	(erf) = vpow2.f32 v9;
	v9, v11, _ =	vpop (xrf1)  }
0x7f: {  	v8 =	vsel vm0, v8, v9;
	v9 =	vsel vm0, v12, v11  }
0x80: {  	(erf) = vpow2.f32 v10;
	(xrf1) =	vsort.dscd.msk.f32 $0xffff, v8, v9  }
0x81: {  	(xrf2) =	vadd.scan.msk.f32 $0xffff, v7  }
0x82: {  	v7, v8, _ =	vpop (xrf1)  }
0x83: {  	v9, v10, _ =	vpop (xrf1)  }
0x84: {  	v7 =	vsel vm0, v7, v9;
	v8 =	vsel vm0, v8, v10;
	v55 =	vpop (erf)  }
0x85: {  	v56 =	vpop (erf);
	(xrf1) =	vsort.dscd.msk.f32 $0xffff, v7, v8  }
0x86: {  	v7 =	vadd.f32 v56, v55  }
0x87: {  	v57 =	vpop (erf)  }
0x88: {  	v7 =	vadd.f32 v7, v57  }
0x89: {  	v58 =	vpop (erf)  }
0x8a: {  	v7 =	vadd.f32 v7, v58;
	_ =	sdelay $0x1  }
0x8b: {  	(xrf2) =	vadd.scan.msk.f32 $0xffff, v7;
	_ =	sdelay $0x4  }
0x8c: {  	v7, _, _ =	vpop (xrf2)  }
0x8d: {  	v60, v59, _ =	vpop (xrf1);
	v7 =	vbroadcast v7, $0xF  }
0x8e: {  	v5 =	vsub.f32 v60, v5;
	v62, v61, _ =	vpop (xrf1)  }
0x8f: {  	v6 =	vsub.f32 v62, v6  }
0x90: {  	v5 =	vmul.f32 $1.442695020e+00, v5  }
0x91: {  	(erf) = vrcp.f32 v7;
	v6 =	vmul.f32 $1.442695020e+00, v6;
	v7, _, _ =	vpop (xrf2)  }
0x92: {  	(erf) = vpow2.f32 v5;
	v5 =	vbroadcast v7, $0xF  }
0x93: {  	(erf) = vpow2.f32 v6  }
0x94: {  	(erf) = vrcp.f32 v5;
	_ =	sdelay $0x5  }
0x95: {  	v5 =	vpop (erf)  }
0x96: {  	v6 =	vpop (erf)  }
0x97: {  	v5 =	vmul.f32 v5, v6;
	v6 =	vpop (erf)  }
0x98: {  	v7 =	vperm.xlane v59, v4;
	v63 =	vpop (erf)  }
0x99: {  	v5 =	vperm.xlane v5, v4;
	v6 =	vmul.f32 v63, v6  }
0x9a: {  	s13 =	sshra.s32 s13, $0x2;
	v7 =	vsel vm0, v61, v7  }
0x9b: {  	[tilespmem:s13+$0x4000] =	vst v7;
	v5 =	vsel vm0, v6, v5  }
0x9c: {  	s30 =	sadd.s32 s4, s12;
	[tilespmem:s13+$0x4400] =	vst v5  }
0x9d: {  	[hbm4b:s30+s1] =	stream.linear.scatter [tilespmem:s9], [sflag:$0x1], $0x400, $0x38;
	[tilespmem:$0x4800] =	vst v63  }
0x9e: {  	_ =	swait.ge [sflag:s8], $0x400  }
0x9f: {  	[sflag:s8] =	ssyncset.done $0x0  }
.Ltmp1:
0xa0: {  	s31 =	sadd.s32 s5, s12;
	[sflag:s8] =	ssyncadd.s32 $0xFFFFFC00;
	(pc) =	sbr.rel @p0 .LBB2_2-.Ltmp1, $4  }
0xa1: {  	[hbm4b:s31+s1] =	stream.linear.scatter [tilespmem:s10], [sflag:$0x1], $0x400, $0x38;
	[tilespmem:$0x4800] =	vst v63  }
0xa2: {  	_ =	swait.ge [sflag:s8], $0x400  }
0xa3: {  	[sflag:s8] =	ssyncset.done $0x0  }
0xa4: {  	s12 =	simm.s32 $0x80;
	p1 =	por $0x0, $0x0;
	[sflag:s8] =	ssyncadd.s32 $0xFFFFFC00  }
0xa5: {  	s11 =	sadd.s32 $0x1, s11  }
0xa6: {  	p0 =	sne.s32 s11, s7  }
.Ltmp2:
0xa7: {  	_ = 	snop;
	(pc) =	sbr.rel @p0 .LBB2_1-.Ltmp2, $1  }
0xa8: {  	_ =	sdelay $0x3  }
0xa9: {  	_ =	sfence.sel $0x180000  }
0xaa: {  	[bflag:$0x0] =	sbarrier.arrive $0xFFFF  }
0xab: {  	p0 =	sne.s32 s2, $0x0;
	_ =	strace $0x9000004D  }
0xac: {  	s0 =	sadd.s32 @!p0 $0x100000, s0;
	[bflag:$0x2] =	sbarrier.arrive $0xFFFF  }
0xad: {  	[sflag:s0] =	ssyncadd.tile.s32 @!p0 $0x1;
	_ =	shalt  }
.Lfunc_end2:
_tile_overlayer_lowered:
.L_overlay_start_2:
0xae: {  	(tag) =	ssettag $0x2  }
0xaf: {  	s0 =	rddreg [dreg:$0x0];
	s2 =	stileid.u32  }
0xb0: {  	s1 =	rddreg [dreg:$0x1];
	p0 =	sne.s32 s2, $0x0  }
0xb1: {  	s3 =	rddreg [dreg:$0x2];
	[bflag:$0x3] =	sbarrier.arrive $0xFFFF;
	s2 =	simm.s32 @!p0 $0x1C01  }
0xb2: {  	[timem:s3], [sflag:s2] =	dma.local @!p0 [hbm:s0], s1  }
0xb3: {  	s0 =	simm.s32 @!p0 $0x1  }
0xb4: {  	_ =	swait.ge @!p0 [sflag:s0], s1  }
0xb5: {  	s1 =	ssub.s32 @!p0 $0x0, s1;
	[sflag:s0] =	ssyncset.done @!p0 $0x0  }
0xb6: {  	[sflag:s0] =	ssyncadd.s32 @!p0 s1  }
0xb7: {  	[bflag:$0x3] =	sbarrier.arrive $0xFFFF  }
0xb8: {  	_ =	shalt  }

// kernel: kernel.13.cloned.1.call-start
scs
__scs_entry_jumppad:
0x0: {  	(pc) =	sbr.rel $0x88, $3  }
0x1: {  	(tag) =	ssettag $0x0;
	lr =	simm.s32 $0x1  }
0x2: {  	[smem:$0x3F9E] =	sst lr;
	_ =	strace $0xD0000000  }
0x3: {  	_ = 	snop  }
0x4: {  	_ = 	snop  }
0x5: {  	_ = 	snop  }
0x6: {  	_ = 	snop  }
0x7: {  	_ = 	snop  }
__scs_overlays_trampoline_lowered:
0x8: {  	[smem:$0x3FAD] =	sst s0  }
0x9: {  	[smem:$0x3FAE] =	sst s1  }
0xa: {  	[smem:$0x3FAF] =	sst s2  }
0xb: {  	[smem:$0x3FB0] =	sst s3  }
0xc: {  	[smem:$0x3FB1] =	sst s4  }
0xd: {  	[smem:$0x3FB2] =	sst s5  }
0xe: {  	[smem:$0x3FB3] =	sst s6  }
0xf: {  	[smem:$0x3FB4] =	sst s7  }
0x10: {  	[smem:$0x3FB5] =	sst s8  }
0x11: {  	[smem:$0x3FB6] =	sst s9;
	s0 =	simm.s32 @!p0 $0x0  }
0x12: {  	s1 =	sld [smem:$0x3F9C];
	s0 =	simm.s32 @p0 $0x1  }
0x13: {  	[smem:$0x3FB7] =	sst s0;
	s0 =	simm.s32 @!p1 $0x0  }
0x14: {  	s2 =	sld [smem:$0x3F9B];
	s0 =	simm.s32 @p1 $0x1  }
0x15: {  	[smem:$0x3FB8] =	sst s0;
	s0 =	simm.s32 @!p2 $0x0  }
0x16: {  	s3 =	sld [smem:$0x3FDB];
	s0 =	simm.s32 @p2 $0x1  }
0x17: {  	s4 =	simm.s32 $0x1BF5;
	[smem:$0x3FBA] =	sst s0  }
0x18: {  	s0 =	sld [smem:$0x3F9D];
	_ =	swait.ge [sflag:s4], $0x0  }
0x19: {  	s7 =	sld [smem:$0x3F9E]  }
0x1a: {  	s8 =	sadd.s32 $0xFFFFE003, lr  }
0x1b: {  	s9 =	sadd.s32 $0xFFFFFEF7, lr;
	s5 =	simm.s32 $0xFFFFFFFF;
	p2 =	slt.u32 s8, $0xFFFFF086  }
0x1c: {  	p1 =	slt.u32 s9, $0xF7A;
	s5 =	simm.s32 @!p2 $0x0  }
0x1d: {  	s5 =	simm.s32 @p1 $0x1;
	p0 =	seq.s32 s7, s2  }
0x1e: {  	s7 =	smul.u32 @!p0 $0xF7A, s2;
	p2 =	seq.s32 @!p0 s5, $0x0  }
0x1f: {  	s9 =	smul.u32 $0xF7A, s1;
	s8 =	simm.s32 @!p0 $0x1BF5;
	p2 =	por !p2, p0  }
0x20: {  	[sflag:s8] =	ssyncset.s32 @!p0 $0xFFFFF086;
	s6 =	sadd.s32 @!p0 s3, s7;
	s7 =	simm.s32 @!p0 $0x108  }
0x21: {  	s3 =	sadd.s32 s3, s9;
	s6 =	sadd.s32 @!p0 $0x88, s6;
	s7 =	simm.s32 @p2 $0x1082  }
0x22: {  	[simem:s7], [sflag:s8] =	dma.local @!p0 [hbm:s6], $0xF7A  }
0x23: {  	s9 =	sor.u32 $0xD0000000, s2;
	s6 =	simm.s32 $0x108;
	_ =	swait.ge @!p0 [sflag:s8], $0x0  }
0x24: {  	s3 =	sadd.s32 $0x88, s3;
	s6 =	simm.s32 @!p1 $0x1082;
	[sflag:s4] =	ssyncset.s32 $0xFFFFF086  }
0x25: {  	[simem:s6], [sflag:s4] =	dma.local [hbm:s3], $0xF7A  }
0x26: {  	[smem:$0x3F9E] =	sst s1;
	(tag) =	ssettag s2;
	_ =	strace s9  }
0x27: {  	s1 =	sld [smem:$0x3FAE]  }
0x28: {  	s2 =	sld [smem:$0x3FAF]  }
0x29: {  	s4 =	sld [smem:$0x3FB1]  }
0x2a: {  	p0 =	seq.s32 s5, $0x0;
	s5 =	sld [smem:$0x3FB2]  }
0x2b: {  	s6 =	sld [smem:$0x3FB3]  }
0x2c: {  	s7 =	sld [smem:$0x3FB4]  }
0x2d: {  	s3 =	simm.s32 $0x108;
	s8 =	sld [smem:$0x3FB5]  }
0x2e: {  	s3 =	simm.s32 @!p0 $0x1082;
	s9 =	sld [smem:$0x3FB6]  }
0x2f: {  	lr =	sadd.s32 s0, s3;
	s0 =	sld [smem:$0x3FAD]  }
0x30: {  	s3 =	sld [smem:$0x3FB0]  }
0x31: {  	[smem:$0x3FB9] =	sst s10  }
0x32: {  	s10 =	sld [smem:$0x3FB7];
	_ =	sdelay $0x3  }
0x33: {  	p0 =	seq.s32 s10, $0x1;
	s10 =	sld [smem:$0x3FB9];
	_ =	sdelay $0x3  }
0x34: {  	[smem:$0x3FB9] =	sst s10  }
0x35: {  	s10 =	sld [smem:$0x3FB8];
	_ =	sdelay $0x3  }
0x36: {  	p1 =	seq.s32 s10, $0x1;
	s10 =	sld [smem:$0x3FB9];
	_ =	sdelay $0x3  }
0x37: {  	[smem:$0x3FB9] =	sst s10  }
0x38: {  	s10 =	sld [smem:$0x3FBA]  }
0x39: {  	_ = 	snop;
	(pc) =	sbr.ind lr, $3  }
0x3a: {  	_ = 	snop  }
0x3b: {  	_ = 	snop  }
0x3c: {  	p2 =	seq.s32 s10, $0x1;
	s10 =	sld [smem:$0x3FB9]  }
0x3d: {  	_ =	shalt  }
0x3e: {  	_ =	shalt  }
0x3f: {  	_ =	shalt  }
0x40: {  	_ =	shalt  }
0x41: {  	_ =	shalt  }
0x42: {  	_ =	shalt  }
0x43: {  	_ =	shalt  }
0x44: {  	_ =	shalt  }
0x45: {  	_ =	shalt  }
0x46: {  	_ =	shalt  }
0x47: {  	_ =	shalt  }
0x48: {  	_ =	shalt  }
0x49: {  	_ =	shalt  }
0x4a: {  	_ =	shalt  }
0x4b: {  	_ =	shalt  }
0x4c: {  	_ =	shalt  }
0x4d: {  	_ =	shalt  }
0x4e: {  	_ =	shalt  }
0x4f: {  	_ =	shalt  }
0x50: {  	_ =	shalt  }
0x51: {  	_ =	shalt  }
0x52: {  	_ =	shalt  }
0x53: {  	_ =	shalt  }
0x54: {  	_ =	shalt  }
0x55: {  	_ =	shalt  }
0x56: {  	_ =	shalt  }
0x57: {  	_ =	shalt  }
0x58: {  	_ =	shalt  }
0x59: {  	_ =	shalt  }
0x5a: {  	_ =	shalt  }
0x5b: {  	_ =	shalt  }
0x5c: {  	_ =	shalt  }
0x5d: {  	_ =	shalt  }
0x5e: {  	_ =	shalt  }
0x5f: {  	_ =	shalt  }
0x60: {  	_ =	shalt  }
0x61: {  	_ =	shalt  }
0x62: {  	_ =	shalt  }
0x63: {  	_ =	shalt  }
0x64: {  	_ =	shalt  }
0x65: {  	_ =	shalt  }
0x66: {  	_ =	shalt  }
0x67: {  	_ =	shalt  }
0x68: {  	_ =	shalt  }
0x69: {  	_ =	shalt  }
0x6a: {  	_ =	shalt  }
0x6b: {  	_ =	shalt  }
0x6c: {  	_ =	shalt  }
0x6d: {  	_ =	shalt  }
0x6e: {  	_ =	shalt  }
0x6f: {  	_ =	shalt  }
0x70: {  	_ =	shalt  }
0x71: {  	_ =	shalt  }
0x72: {  	_ =	shalt  }
0x73: {  	_ =	shalt  }
0x74: {  	_ =	shalt  }
0x75: {  	_ =	shalt  }
0x76: {  	_ =	shalt  }
0x77: {  	_ =	shalt  }
0x78: {  	_ =	shalt  }
0x79: {  	_ =	shalt  }
0x7a: {  	_ =	shalt  }
0x7b: {  	_ =	shalt  }
0x7c: {  	_ =	shalt  }
0x7d: {  	_ =	shalt  }
0x7e: {  	_ =	shalt  }
0x7f: {  	_ =	shalt  }
0x80: {  	_ =	shalt  }
0x81: {  	_ =	shalt  }
0x82: {  	_ =	shalt  }
0x83: {  	_ =	shalt  }
0x84: {  	_ =	shalt  }
0x85: {  	_ =	shalt  }
0x86: {  	_ =	shalt  }
0x87: {  	_ =	shalt  }
.Lfunc_end0:
.L_simem_size_0:
called_computation.1_lowered:
.L_overlay_start_0:
0x88: {  	s2 =	sld [smem:$0x3FD9]  }
0x89: {  	s3 =	sld [smem:$0x3FFE];
	_ =	sdelay $0x1  }
0x8a: {  	s1 =	srdreg.scid  }
0x8b: {  	s0 =	sand.u32 $0x1, s1  }
0x8c: {  	s15 =	sshll.u32 s0, $0xA;
	s2 =	sadd.s32 s3, s2  }
0x8d: {  	s2 =	sadd.s32 s2, s15  }
0x8e: {  	[smem:$0x3FC5] =	sst s2  }
0x8f: {  	_ = 	snop  }
0x90: {  	s2 =	sld [smem:$0x3FD0];
	_ =	sdelay $0x2  }
0x91: {  	s4 =	simm.s32 $0xD;
	s16 =	simm.s32 $0x10  }
0x92: {  	[smem:s16], [sflag:s4] =	dma.local [hbm:s2], $0x1  }
0x93: {  	_ =	swait.eq [sflag:s4], $0x1  }
0x94: {  	[sflag:s4] =	ssyncset.done $0x0  }
0x95: {  	s17 =	sld [smem:$0x10];
	[sflag:s4] =	ssyncadd.s32 $0xFFFFFFFF  }
0x96: {  	s18 =	sld [smem:$0x11];
	(tm) =	ssettm $0x1  }
0x97: {  	s19 =	sld [smem:$0x3FFB];
	_ =	sdelay $0x3  }
0x98: {  	_ =	strace s19  }
0x99: {  	s2 =	sld [smem:$0x3FFC];
	_ =	sdelay $0x3  }
0x9a: {  	_ =	strace s2  }
0x9b: {  	s2 =	sld [smem:$0x3FFD];
	_ =	sdelay $0x3  }
0x9c: {  	_ =	strace s2  }
0x9d: {  	_ =	strace $0x8FFFFFFF  }
0x9e: {  	s20 =	sld [smem:$0x3FDB];
	_ =	sdelay $0x1  }
0x9f: {  	s5 =	simm.s32 $_scs_section_size  }
0xa0: {  	s6 =	simm.s32 $_size__tile_overlayer_lowered;
	s7 =	simm.s32 $_tile_overlayer_lowered  }
0xa1: {  	s8 =	simm.s32 $0x1BFF;
	s21 =	sshll.u32 s7, $0x1;
	s5 =	sadd.s32 s5, s20  }
0xa2: {  	s22 =	simm.s32 $0x0;
	s6 =	sshll.u32 s6, $0x1;
	s7 =	sadd.s32 s21, s5  }
0xa3: {  	[timem:s22], [sflag:s8] =	dma.local [hbm:s7], s6  }
0xa4: {  	_ =	swait.ge [sflag:s8], s6  }
0xa5: {  	s6 =	ssub.s32 $0x0, s6;
	[sflag:s8] =	ssyncset.done $0x0  }
0xa6: {  	[sflag:s8] =	ssyncadd.s32 s6;
	_ =	sdelay $0x1  }
0xa7: {  	s23 =	simm.s32 $0x1B8B  }
0xa8: {  	_ =	swait.ge [sflag:s23], $0x1  }
0xa9: {  	[sflag:s23] =	ssyncset.done $0x0  }
0xaa: {  	[sflag:s23] =	ssyncadd.s32 $0xFFFFFFFF  }
0xab: {  	s6 =	sld [smem:$0x0]  }
0xac: {  	s7 =	sand.u32 $0xFFFFFFFE, s1  }
0xad: {  	p0 =	sne.s32 s1, s7  }
0xae: {  	s7 =	sshll.u32 @p0 s7, $0xE  }
0xaf: {  	s7 =	sadd.s32 @p0 $0x11B8D, s7;
	s8 =	sshll.u32 @p0 s6, $0x11  }
0xb0: {  	s7 =	sor.u32 @p0 s8, s7  }
0xb1: {  	[sflag:s7] =	ssyncadd.remote.s32 @p0 $0x1;
	_ =	sdelay $0x1  }
0xb2: {  	s7 =	simm.s32 @p0 $0x1B8D  }
0xb3: {  	_ =	swait.eq @p0 [sflag:s7], $0x1  }
0xb4: {  	[sflag:s7] =	ssyncadd.s32 @p0 $0xFFFFFFFF  }
0xb5: {  	s8 =	sshll.u32 @!p0 s1, $0xE  }
0xb6: {  	s8 =	sor.u32 @!p0 $0x4000, s8;
	s7 =	simm.s32 @!p0 $0x1B8D  }
0xb7: {  	s6 =	sshll.u32 @!p0 s6, $0x11;
	s8 =	sadd.s32 @!p0 $0x11B8D, s8;
	_ =	swait.eq @!p0 [sflag:s7], $0x1  }
0xb8: {  	s6 =	sor.u32 @!p0 s6, s8;
	[sflag:s7] =	ssyncadd.s32 @!p0 $0xFFFFFFFF  }
0xb9: {  	s25 =	simm.s32 $0x1B8E;
	s24 =	sld [smem:$0x3FFE];
	[sflag:s6] =	ssyncadd.remote.s32 @!p0 $0x1  }
0xba: {  	s26 =	simm.s32 $execute0_lowered;
	[smem:$0x3FD2] =	sst s25  }
0xbb: {  	s7 =	sshll.u32 s26, $0x1;
	_ =	strace $0x8000004F;
	[dreg:$0x1] =	wrdreg $0xFFFFFFFF  }
0xbc: {  	s28 =	simm.s32 $_size_execute0_lowered;
	s5 =	sadd.s32 s5, s7;
	[dreg:$0x0] =	wrdreg $0x0  }
0xbd: {  	s7 =	sshll.u32 s28, $0x1;
	[dreg:$0x2] =	wrdreg s5  }
0xbe: {  	[dreg:$0x3] =	wrdreg s7  }
0xbf: {  	[dreg:$0x4] =	wrdreg $0xC0  }
0xc0: {  	_ =	task [dreg:s22], $0x5FFFF  }
0xc1: {  	[dreg:$0x1] =	wrdreg $0xFFFFFFFF  }
0xc2: {  	[dreg:$0x0] =	wrdreg $0x60  }
0xc3: {  	[dreg:$0x2] =	wrdreg s24  }
0xc4: {  	[dreg:$0x3] =	wrdreg s18  }
0xc5: {  	[dreg:$0x4] =	wrdreg s17  }
0xc6: {  	[dreg:$0x5] =	wrdreg $0xA  }
0xc7: {  	_ =	task.clear_ibuf [dreg:s22], $0x6FFFF;
	_ =	strace $0x9000004F  }
0xc8: {  	s29 =	simm.s32 $0xA;
	_ =	strace $0x80000051  }
0xc9: {  	_ =	swait.ge [sflag:s29], $0x1  }
0xca: {  	[sflag:s29] =	ssyncadd.s32 $0xFFFFFFFF  }
0xcb: {  	_ =	strace $0x90000051  }
0xcc: {  	_ =	sfence  }
0xcd: {  	s30 =	sld [smem:$0x0];
	_ =	sdelay $0x2  }
0xce: {  	s31 =	sshll.u32 s1, $0xD;
	s1 =	sshrl.u32 s1, $0x2  }
0xcf: {  	s4 =	sand.u32 $0x4000, s31;
	s1 =	sadd.s32 s1, s30  }
0xd0: {  	s0 =	sor.u32 s4, s0;
	s1 =	sshll.u32 s1, $0x11  }
0xd1: {  	s0 =	sor.u32 s1, s0  }
0xd2: {  	s0 =	sadd.s32 $0x8F2B, s0  }
0xd3: {  	[sflag:s0] =	ssyncadd.remote.s32 $0x1  }
0xd4: {  	_ =	sfence.sel $0xFFFF  }
0xd5: {  	[dreg:$0x0] =	wrdreg $0xFFFFFFFF;
	(pc) =	sbr.abs _section_cstart, $3  }
0xd6: {  	[dreg:$0x1] =	wrdreg $0xFFFFFFFF  }
0xd7: {  	_ =	task.clear_ibuf [dreg:s22], $0x2FFFF;
	_ =	strace $0x9FFFFFFF  }
0xd8: {  	(tm) =	ssettm $0x7FFFFFFF  }
0xd9: {  	_ =	shalt  }
tec
execute0_lowered:
.L_overlay_start_1:
0x0: {  	(tag) =	ssettag $0x1  }
0x1: {  	s4 =	rddreg [dreg:$0x0]  }
0x2: {  	s1 =	rddreg [dreg:$0x1];
	v0 =	vimm.s32 $0xE40000  }
0x3: {  	s2 =	rddreg [dreg:$0x2];
	v0 =	vunpack.c.l.s2.s4 v0  }
0x4: {  	s0 =	rddreg [dreg:$0x3]  }
0x5: {  	s3 =	simm.s32 $0x0;
	s5 =	srdreg.scid;
	s9 =	simm.s32 $0x4000;
	v1 =	vunpack.c.l.s4.s8 v0  }
0x6: {  	s10 =	simm.s32 $0x4400;
	s11 =	simm.s32 $0x0;
	s6 =	sand.u32 $0x1, s5  }
0x7: {  	v2 =	vimm.s32 $0x7060504;
	[smem:$0x7FF] =	sst s3;
	s5 =	sadd.s32 $0x6F000, s4;
	s7 =	ssub.s32 $0x2, s6;
	v3 =	vunpack.c.0.s8.s32 v1  }
0x8: {  	vm1 =	vcmask $0x3F30;
	s4 =	stileid.u32;
	v4 =	vunpack.c.0.s8.s32 v2;
	_ =	strace $0x80000050;
	s8 =	sshrl.u32 s7, $0x1;
	v0 =	vlaneseq.u32  }
0x9: {  	vm0 =	vmmov $0xff;
	s31 =	sshll.u32 s4, $0x9;
	s6 =	sshll.u32 s6, $0x8;
	s7 =	ssub.s32 s7, s8;
	v2 =	vor.u32 $0x20, v0;
	v5 =	vand.u32 $0x3, v3  }
0xa: {  	s6 =	sor.u32 s6, s31;
	s8 =	simm.s32 $0x1;
	v1 =	vor.u32 $0x10, v0;
	s7 =	smax.u32 s7, $0x1;
	v3 =	vor.u32 $0x30, v0;
	v4 =	vsel vm1, v4, v5  }
.LBB2_1:
0xb: {  	p1 =	por $0x1, $0x1;
	s12 =	simm.s32 $0x0  }
.LBB2_2:
0xc: {  	s12 =	sor.u32 s6, s12  }
0xd: {  	s13 =	sshll.u32 s12, $0x4  }
0xe: {  	s14 =	sadd.s32 s5, s13;
	s13 =	simm.s32 $0x0  }
0xf: {  	[tilespmem:s13], [sflag:$0x1] =	stream.linear.gather [hbm4b:s14+s13], $0x4000, $0x38;
	[tilespmem:$0x4800] =	vst v63  }
0x10: {  	_ =	swait.ge [sflag:s8], $0x4000  }
0x11: {  	[sflag:s8] =	ssyncset.done $0x0  }
0x12: {  	s14 =	simm.s32 $0x80;
	[sflag:s8] =	ssyncadd.s32 $0xFFFFC000  }
0x13: {  	v6 =	vld [tilespmem:s14+$0x10]  }
0x14: {  	v7 =	vld [tilespmem:s14+$0x30]  }
0x15: {  	v8 =	vld [tilespmem:s14+$0x0];
	_ =	sdelay $0x2  }
0x16: {  	(xrf1) =	vsort.ascd.msk.f32 $0xffff, v6, v1  }
0x17: {  	(xrf1) =	vsort.ascd.msk.f32 $0xffff, v7, v3  }
0x18: {  	(xrf1) =	vsort.dscd.msk.f32 $0xffff, v8, v0  }
0x19: {  	v9 =	vld [tilespmem:s14+$0x20];
	_ =	sdelay $0x4  }
0x1a: {  	v10 =	vld [tilespmem:s14+$0xFFFFFFB0];
	v5 =	vmax.f32 v8, v6;
	v11 =	vmax.f32 v9, v7  }
0x1b: {  	v42 =	vld [tilespmem:s14+$0xFFFFFF90];
	v5 =	vmax.f32 v5, v11  }
0x1c: {  	v12 =	vld [tilespmem:s14+$0xFFFFFF80];
	(xrf0) =	vmax.scan.msk.f32 $0xffff, v5  }
0x1d: {  	v13 =	vld [tilespmem:s14+$0xFFFFFFA0];
	(xrf1) =	vsort.dscd.msk.f32 $0xffff, v9, v2;
	_ =	sdelay $0x1  }
0x1e: {  	(xrf1) =	vsort.ascd.msk.f32 $0xffff, v10, v3  }
0x1f: {  	(xrf1) =	vsort.ascd.msk.f32 $0xffff, v42, v1;
	v15, v16, _ =	vpop (xrf1)  }
0x20: {  	(xrf1) =	vsort.dscd.msk.f32 $0xffff, v12, v0;
	v18, v19, _ =	vpop (xrf1)  }
0x21: {  	(xrf1) =	vsort.dscd.msk.f32 $0xffff, v13, v2;
	v43, v20, _ =	vpop (xrf1)  }
0x22: {  	v5, _, _ =	vpop (xrf0);
	v44 =	vsel vm0, v43, v15;
	v45 =	vsel vm0, v20, v16  }
0x23: {  	v5 =	vbroadcast v5, $0xF;
	(xrf1) =	vsort.dscd.msk.f32 $0xffff, v44, v45;
	_ =	sdelay $0x1  }
0x24: {  	v8 =	vsub.f32 v8, v5  }
0x25: {  	v6 =	vsub.f32 v6, v5  }
0x26: {  	v14 =	vmax.f32 v12, v42;
	v17 =	vmax.f32 v13, v10;
	v8 =	vmul.f32 $1.442695020e+00, v8  }
0x27: {  	v9 =	vsub.f32 v9, v5;
	v7 =	vsub.f32 v7, v5;
	v6 =	vmul.f32 $1.442695020e+00, v6  }
0x28: {  	v14 =	vmax.f32 v14, v17  }
0x29: {  	(xrf0) =	vmax.scan.msk.f32 $0xffff, v14;
	v9 =	vmul.f32 $1.442695020e+00, v9;
	(erf) = vpow2.f32 v6;
	v47, v46, _ =	vpop (xrf1)  }
0x2a: {  	(erf) = vpow2.f32 v8;
	v16 =	vsel vm0, v47, v18;
	v17 =	vsel vm0, v46, v19  }
0x2b: {  	v6 =	vmul.f32 $1.442695020e+00, v7;
	v7, v8, _ =	vpop (xrf1);
	(xrf1) =	vsort.ascd.msk.f32 $0xffff, v16, v17  }
0x2c: {  	(erf) = vpow2.f32 v9;
	v49, v48, _ =	vpop (xrf1)  }
0x2d: {  	v50, v51, _ =	vpop (xrf1)  }
0x2e: {  	(erf) = vpow2.f32 v6;
	v53, v52, _ =	vpop (xrf1);
	v9 =	vsel vm0, v50, v49;
	v14 =	vsel vm0, v51, v48  }
0x2f: {  	v6, _, _ =	vpop (xrf0);
	v7 =	vsel vm0, v53, v7;
	v8 =	vsel vm0, v52, v8;
	(xrf1) =	vsort.dscd.msk.f32 $0xffff, v9, v14  }
0x30: {  	v6 =	vbroadcast v6, $0xF;
	v61, v60, _ =	vpop (xrf1);
	(xrf1) =	vsort.ascd.msk.f32 $0xffff, v7, v8;
	_ =	sdelay $0x1  }
0x31: {  	v12 =	vsub.f32 v12, v6;
	v54 =	vpop (erf)  }
0x32: {  	v11 =	vsub.f32 v42, v6;
	v55 =	vpop (erf)  }
0x33: {  	v12 =	vmul.f32 $1.442695020e+00, v12;
	v15 =	vadd.f32 v54, v55  }
0x34: {  	v13 =	vsub.f32 v13, v6;
	v11 =	vmul.f32 $1.442695020e+00, v11;
	v56 =	vpop (erf)  }
0x35: {  	(erf) = vpow2.f32 v12;
	v59 =	vadd.f32 v15, v56  }
0x36: {  	v10 =	vsub.f32 v10, v6;
	v58 =	vmul.f32 $1.442695020e+00, v13;
	v57 =	vpop (erf);
	(erf) = vpow2.f32 v11  }
0x37: {  	v63 =	vadd.f32 v59, v57  }
0x38: {  	(erf) = vpow2.f32 v58;
	v7 =	vmul.f32 $1.442695020e+00, v10;
	v8, v62, _ =	vpop (xrf1)  }
0x39: {  	(xrf2) =	vadd.scan.msk.f32 $0xffff, v63;
	v8 =	vsel vm0, v61, v8;
	v10 =	vsel vm0, v60, v62  }
0x3a: {  	p0 =	por p1, p1;
	s15 =	simm.s32 $0x40;
	(erf) = vpow2.f32 v7;
	(xrf1) =	vsort.dscd.msk.f32 $0xffff, v8, v10  }
.LBB2_3:
0x3b: {  	p1 =	sne.s32 s15, $0xFC0  }
0x3c: {  	s14 =	sadd.s32 $0x100, s14;
	v7, v8, _ =	vpop (xrf1);
	s16 =	smov.u32 s15;
	s15 =	sadd.s32 $0x40, s15  }
0x3d: {  	v9, v10, _ =	vpop (xrf1)  }
0x3e: {  	v7 =	vsel vm0, v7, v9;
	v8 =	vsel vm0, v8, v10;
	v9 =	vpop (erf)  }
0x3f: {  	v10 =	vpop (erf);
	(xrf1) =	vsort.dscd.msk.f32 $0xffff, v7, v8  }
0x40: {  	v7 =	vadd.f32 v10, v9  }
0x41: {  	v8 =	vpop (erf)  }
0x42: {  	v7 =	vadd.f32 v7, v8  }
0x43: {  	v8 =	vpop (erf)  }
0x44: {  	v7 =	vadd.f32 v7, v8  }
0x45: {  	v8, _, _ =	vpop (xrf2)  }
0x46: {  	v8 =	vbroadcast v8, $0xF;
	(xrf2) =	vadd.scan.msk.f32 $0xffff, v7;
	_ =	sdelay $0x1  }
0x47: {  	v7, v9, _ =	vpop (xrf1)  }
0x48: {  	v5 =	vsub.f32 v7, v5;
	_ =	sdelay $0x1  }
0x49: {  	v5 =	vmul.f32 $1.442695020e+00, v5  }
0x4a: {  	v7 =	vperm.xlane v9, v4;
	(erf) = vrcp.f32 v8  }
0x4b: {  	v8, v9, _ =	vpop (xrf1);
	(erf) = vpow2.f32 v5  }
0x4c: {  	s17 =	sshra.s32 s13, $0x2;
	s13 =	smov.u32 s16;
	v5 =	vsub.f32 v8, v6;
	v7 =	vsel vm0, v9, v7  }
0x4d: {  	[tilespmem:s17+$0x4000] =	vst v7  }
0x4e: {  	v5 =	vmul.f32 $1.442695020e+00, v5;
	v6, _, _ =	vpop (xrf2)  }
0x4f: {  	v6 =	vbroadcast v6, $0xF  }
0x50: {  	(erf) = vpow2.f32 v5  }
0x51: {  	(erf) = vrcp.f32 v6;
	_ =	sdelay $0x1  }
0x52: {  	v5 =	vpop (erf)  }
0x53: {  	v6 =	vpop (erf)  }
0x54: {  	v5 =	vmul.f32 v5, v6;
	_ =	sdelay $0x3  }
0x55: {  	v6 =	vpop (erf)  }
0x56: {  	v7 =	vpop (erf)  }
0x57: {  	v5 =	vperm.xlane v5, v4;
	v6 =	vmul.f32 v7, v6;
	_ =	sdelay $0x1  }
0x58: {  	v5 =	vsel vm0, v6, v5  }
0x59: {  	[tilespmem:s17+$0x4400] =	vst v5;
	_ =	sdelay $0x1  }
0x5a: {  	v6 =	vld [tilespmem:s14+$0x10]  }
0x5b: {  	v7 =	vld [tilespmem:s14+$0x20]  }
0x5c: {  	v8 =	vld [tilespmem:s14+$0x30]  }
0x5d: {  	v9 =	vld [tilespmem:s14+$0x0]  }
0x5e: {  	v10 =	vld [tilespmem:s14+$0xFFFFFFB0]  }
0x5f: {  	v11 =	vld [tilespmem:s14+$0xFFFFFF80]  }
0x60: {  	v12 =	vld [tilespmem:s14+$0xFFFFFF90];
	(xrf1) =	vsort.ascd.msk.f32 $0xffff, v6, v1  }
0x61: {  	v13 =	vld [tilespmem:s14+$0xFFFFFFA0];
	(xrf1) =	vsort.ascd.msk.f32 $0xffff, v8, v3  }
0x62: {  	v14 =	vmax.f32 v7, v8;
	v5 =	vmax.f32 v9, v6;
	(xrf1) =	vsort.dscd.msk.f32 $0xffff, v9, v0  }
0x63: {  	v5 =	vmax.f32 v5, v14;
	(xrf1) =	vsort.dscd.msk.f32 $0xffff, v7, v2  }
0x64: {  	(xrf1) =	vsort.ascd.msk.f32 $0xffff, v10, v3  }
0x65: {  	v14 =	vmax.f32 v11, v12;
	(xrf0) =	vmax.scan.msk.f32 $0xffff, v5  }
0x66: {  	v5 =	vmax.f32 v13, v10;
	(xrf1) =	vsort.ascd.msk.f32 $0xffff, v12, v1  }
0x67: {  	v14 =	vmax.f32 v14, v5;
	(xrf1) =	vsort.dscd.msk.f32 $0xffff, v11, v0  }
0x68: {  	(xrf1) =	vsort.dscd.msk.f32 $0xffff, v13, v2;
	_ =	sdelay $0x2  }
0x69: {  	v5, _, _ =	vpop (xrf0)  }
0x6a: {  	v5 =	vbroadcast v5, $0xF  }
0x6b: {  	(xrf0) =	vmax.scan.msk.f32 $0xffff, v14  }
0x6c: {  	v9 =	vsub.f32 v9, v5;
	v6 =	vsub.f32 v6, v5;
	v14, v15, _ =	vpop (xrf1)  }
0x6d: {  	v7 =	vsub.f32 v7, v5;
	v8 =	vsub.f32 v8, v5;
	v16, v17, _ =	vpop (xrf1)  }
0x6e: {  	v9 =	vmul.f32 $1.442695020e+00, v9;
	v6 =	vmul.f32 $1.442695020e+00, v6;
	v18, v19, _ =	vpop (xrf1)  }
0x6f: {  	v7 =	vmul.f32 $1.442695020e+00, v7;
	v20 =	vsel vm0, v18, v14;
	v15 =	vsel vm0, v19, v15;
	v18, v19, _ =	vpop (xrf1)  }
0x70: {  	v16 =	vsel vm0, v18, v16;
	v17 =	vsel vm0, v19, v17;
	v18, v19, _ =	vpop (xrf1);
	(erf) = vpow2.f32 v6;
	(xrf1) =	vsort.dscd.msk.f32 $0xffff, v20, v15  }
0x71: {  	v6 =	vmul.f32 $1.442695020e+00, v8;
	v8, _, _ =	vpop (xrf0);
	(erf) = vpow2.f32 v9;
	(xrf1) =	vsort.ascd.msk.f32 $0xffff, v16, v17  }
0x72: {  	v9, v14, _ =	vpop (xrf1);
	(erf) = vpow2.f32 v7  }
0x73: {  	v7, v15, _ =	vpop (xrf1);
	(erf) = vpow2.f32 v6  }
0x74: {  	v6 =	vbroadcast v8, $0xF;
	v7 =	vsel vm0, v7, v9;
	v8 =	vsel vm0, v15, v14;
	v9, v14, _ =	vpop (xrf1)  }
0x75: {  	v9 =	vsel vm0, v9, v18;
	v14 =	vsel vm0, v14, v19;
	(xrf1) =	vsort.dscd.msk.f32 $0xffff, v7, v8  }
0x76: {  	v7 =	vsub.f32 v11, v6;
	v8 =	vsub.f32 v12, v6;
	(xrf1) =	vsort.ascd.msk.f32 $0xffff, v9, v14  }
0x77: {  	v10 =	vsub.f32 v10, v6;
	v9 =	vsub.f32 v13, v6  }
0x78: {  	v7 =	vmul.f32 $1.442695020e+00, v7;
	v8 =	vmul.f32 $1.442695020e+00, v8  }
0x79: {  	v10 =	vmul.f32 $1.442695020e+00, v10;
	v9 =	vmul.f32 $1.442695020e+00, v9;
	v11 =	vpop (erf)  }
0x7a: {  	v12 =	vpop (erf)  }
0x7b: {  	v14 =	vadd.f32 v11, v12;
	v12 =	vpop (erf)  }
0x7c: {  	(erf) = vpow2.f32 v7;
	v7 =	vpop (erf)  }
0x7d: {  	v13 =	vadd.f32 v14, v12;
	(erf) = vpow2.f32 v8  }
.Ltmp0:
0x7e: {  	v8, v12, _ =	vpop (xrf1);
	(pc) =	sbr.rel @p1 .LBB2_3-.Ltmp0, $4  }
0x7f: {  	v7 =	vadd.f32 v13, v7;
	(erf) = vpow2.f32 v9;
	v9, v11, _ =	vpop (xrf1)  }
0x80: {  	v8 =	vsel vm0, v8, v9;
	v9 =	vsel vm0, v12, v11  }
0x81: {  	(erf) = vpow2.f32 v10;
	(xrf1) =	vsort.dscd.msk.f32 $0xffff, v8, v9  }
0x82: {  	(xrf2) =	vadd.scan.msk.f32 $0xffff, v7  }
0x83: {  	v7, v8, _ =	vpop (xrf1)  }
0x84: {  	v9, v10, _ =	vpop (xrf1)  }
0x85: {  	v7 =	vsel vm0, v7, v9;
	v8 =	vsel vm0, v8, v10;
	v55 =	vpop (erf)  }
0x86: {  	v56 =	vpop (erf);
	(xrf1) =	vsort.dscd.msk.f32 $0xffff, v7, v8  }
0x87: {  	v7 =	vadd.f32 v56, v55  }
0x88: {  	v57 =	vpop (erf)  }
0x89: {  	v7 =	vadd.f32 v7, v57  }
0x8a: {  	v58 =	vpop (erf)  }
0x8b: {  	v7 =	vadd.f32 v7, v58;
	_ =	sdelay $0x1  }
0x8c: {  	(xrf2) =	vadd.scan.msk.f32 $0xffff, v7;
	_ =	sdelay $0x4  }
0x8d: {  	v7, _, _ =	vpop (xrf2)  }
0x8e: {  	v60, v59, _ =	vpop (xrf1);
	v7 =	vbroadcast v7, $0xF  }
0x8f: {  	v5 =	vsub.f32 v60, v5;
	v62, v61, _ =	vpop (xrf1)  }
0x90: {  	v6 =	vsub.f32 v62, v6  }
0x91: {  	v5 =	vmul.f32 $1.442695020e+00, v5  }
0x92: {  	(erf) = vrcp.f32 v7;
	v6 =	vmul.f32 $1.442695020e+00, v6;
	v7, _, _ =	vpop (xrf2)  }
0x93: {  	(erf) = vpow2.f32 v5;
	v5 =	vbroadcast v7, $0xF  }
0x94: {  	(erf) = vpow2.f32 v6  }
0x95: {  	(erf) = vrcp.f32 v5;
	_ =	sdelay $0x5  }
0x96: {  	v5 =	vpop (erf)  }
0x97: {  	v6 =	vpop (erf)  }
0x98: {  	v5 =	vmul.f32 v5, v6;
	v6 =	vpop (erf)  }
0x99: {  	v7 =	vperm.xlane v59, v4;
	v63 =	vpop (erf)  }
0x9a: {  	v5 =	vperm.xlane v5, v4;
	v6 =	vmul.f32 v63, v6  }
0x9b: {  	s13 =	sshra.s32 s13, $0x2;
	v7 =	vsel vm0, v61, v7  }
0x9c: {  	[tilespmem:s13+$0x4000] =	vst v7;
	v5 =	vsel vm0, v6, v5  }
0x9d: {  	s30 =	sadd.s32 s1, s12;
	[tilespmem:s13+$0x4400] =	vst v5  }
0x9e: {  	[hbm4b:s30+s3] =	stream.linear.scatter [tilespmem:s9], [sflag:$0x1], $0x400, $0x38;
	[tilespmem:$0x4800] =	vst v63  }
0x9f: {  	_ =	swait.ge [sflag:s8], $0x400  }
0xa0: {  	[sflag:s8] =	ssyncset.done $0x0  }
.Ltmp1:
0xa1: {  	s31 =	sadd.s32 s2, s12;
	[sflag:s8] =	ssyncadd.s32 $0xFFFFFC00;
	(pc) =	sbr.rel @p0 .LBB2_2-.Ltmp1, $4  }
0xa2: {  	[hbm4b:s31+s3] =	stream.linear.scatter [tilespmem:s10], [sflag:$0x1], $0x400, $0x38;
	[tilespmem:$0x4800] =	vst v63  }
0xa3: {  	_ =	swait.ge [sflag:s8], $0x400  }
0xa4: {  	[sflag:s8] =	ssyncset.done $0x0  }
0xa5: {  	s12 =	simm.s32 $0x80;
	p1 =	por $0x0, $0x0;
	[sflag:s8] =	ssyncadd.s32 $0xFFFFFC00  }
0xa6: {  	s11 =	sadd.s32 $0x1, s11  }
0xa7: {  	p0 =	sne.s32 s11, s7  }
.Ltmp2:
0xa8: {  	_ = 	snop;
	(pc) =	sbr.rel @p0 .LBB2_1-.Ltmp2, $1  }
0xa9: {  	_ =	sdelay $0x3  }
0xaa: {  	_ =	sfence.sel $0x180000  }
0xab: {  	[bflag:$0x0] =	sbarrier.arrive $0xFFFF  }
0xac: {  	p0 =	sne.s32 s4, $0x0;
	_ =	strace $0x90000050  }
0xad: {  	s0 =	sadd.s32 @!p0 $0x100000, s0;
	[bflag:$0x2] =	sbarrier.arrive $0xFFFF  }
0xae: {  	[sflag:s0] =	ssyncadd.tile.s32 @!p0 $0x1;
	_ =	shalt  }
.Lfunc_end2:
_tile_overlayer_lowered:
.L_overlay_start_2:
0xaf: {  	(tag) =	ssettag $0x2  }
0xb0: {  	s0 =	rddreg [dreg:$0x0];
	s2 =	stileid.u32  }
0xb1: {  	s1 =	rddreg [dreg:$0x1];
	p0 =	sne.s32 s2, $0x0  }
0xb2: {  	s3 =	rddreg [dreg:$0x2];
	[bflag:$0x3] =	sbarrier.arrive $0xFFFF;
	s2 =	simm.s32 @!p0 $0x1C01  }
0xb3: {  	[timem:s3], [sflag:s2] =	dma.local @!p0 [hbm:s0], s1  }
0xb4: {  	s0 =	simm.s32 @!p0 $0x1  }
0xb5: {  	_ =	swait.ge @!p0 [sflag:s0], s1  }
0xb6: {  	s1 =	ssub.s32 @!p0 $0x0, s1;
	[sflag:s0] =	ssyncset.done @!p0 $0x0  }
0xb7: {  	[sflag:s0] =	ssyncadd.s32 @!p0 s1  }
0xb8: {  	[bflag:$0x3] =	sbarrier.arrive $0xFFFF  }
0xb9: {  	_ =	shalt  }

// kernel: kernel.16.cloned.1.call-start
scs
__scs_entry_jumppad:
0x0: {  	(pc) =	sbr.rel $0x88, $3  }
0x1: {  	(tag) =	ssettag $0x0;
	lr =	simm.s32 $0x1  }
0x2: {  	[smem:$0x3F9E] =	sst lr;
	_ =	strace $0xD0000000  }
0x3: {  	_ = 	snop  }
0x4: {  	_ = 	snop  }
0x5: {  	_ = 	snop  }
0x6: {  	_ = 	snop  }
0x7: {  	_ = 	snop  }
__scs_overlays_trampoline_lowered:
0x8: {  	[smem:$0x3FAD] =	sst s0  }
0x9: {  	[smem:$0x3FAE] =	sst s1  }
0xa: {  	[smem:$0x3FAF] =	sst s2  }
0xb: {  	[smem:$0x3FB0] =	sst s3  }
0xc: {  	[smem:$0x3FB1] =	sst s4  }
0xd: {  	[smem:$0x3FB2] =	sst s5  }
0xe: {  	[smem:$0x3FB3] =	sst s6  }
0xf: {  	[smem:$0x3FB4] =	sst s7  }
0x10: {  	[smem:$0x3FB5] =	sst s8  }
0x11: {  	[smem:$0x3FB6] =	sst s9;
	s0 =	simm.s32 @!p0 $0x0  }
0x12: {  	s1 =	sld [smem:$0x3F9C];
	s0 =	simm.s32 @p0 $0x1  }
0x13: {  	[smem:$0x3FB7] =	sst s0;
	s0 =	simm.s32 @!p1 $0x0  }
0x14: {  	s2 =	sld [smem:$0x3F9B];
	s0 =	simm.s32 @p1 $0x1  }
0x15: {  	[smem:$0x3FB8] =	sst s0;
	s0 =	simm.s32 @!p2 $0x0  }
0x16: {  	s3 =	sld [smem:$0x3FDB];
	s0 =	simm.s32 @p2 $0x1  }
0x17: {  	s4 =	simm.s32 $0x1BF5;
	[smem:$0x3FBA] =	sst s0  }
0x18: {  	s0 =	sld [smem:$0x3F9D];
	_ =	swait.ge [sflag:s4], $0x0  }
0x19: {  	s7 =	sld [smem:$0x3F9E]  }
0x1a: {  	s8 =	sadd.s32 $0xFFFFE003, lr  }
0x1b: {  	s9 =	sadd.s32 $0xFFFFFEF7, lr;
	s5 =	simm.s32 $0xFFFFFFFF;
	p2 =	slt.u32 s8, $0xFFFFF086  }
0x1c: {  	p1 =	slt.u32 s9, $0xF7A;
	s5 =	simm.s32 @!p2 $0x0  }
0x1d: {  	s5 =	simm.s32 @p1 $0x1;
	p0 =	seq.s32 s7, s2  }
0x1e: {  	s7 =	smul.u32 @!p0 $0xF7A, s2;
	p2 =	seq.s32 @!p0 s5, $0x0  }
0x1f: {  	s9 =	smul.u32 $0xF7A, s1;
	s8 =	simm.s32 @!p0 $0x1BF5;
	p2 =	por !p2, p0  }
0x20: {  	[sflag:s8] =	ssyncset.s32 @!p0 $0xFFFFF086;
	s6 =	sadd.s32 @!p0 s3, s7;
	s7 =	simm.s32 @!p0 $0x108  }
0x21: {  	s3 =	sadd.s32 s3, s9;
	s6 =	sadd.s32 @!p0 $0x88, s6;
	s7 =	simm.s32 @p2 $0x1082  }
0x22: {  	[simem:s7], [sflag:s8] =	dma.local @!p0 [hbm:s6], $0xF7A  }
0x23: {  	s9 =	sor.u32 $0xD0000000, s2;
	s6 =	simm.s32 $0x108;
	_ =	swait.ge @!p0 [sflag:s8], $0x0  }
0x24: {  	s3 =	sadd.s32 $0x88, s3;
	s6 =	simm.s32 @!p1 $0x1082;
	[sflag:s4] =	ssyncset.s32 $0xFFFFF086  }
0x25: {  	[simem:s6], [sflag:s4] =	dma.local [hbm:s3], $0xF7A  }
0x26: {  	[smem:$0x3F9E] =	sst s1;
	(tag) =	ssettag s2;
	_ =	strace s9  }
0x27: {  	s1 =	sld [smem:$0x3FAE]  }
0x28: {  	s2 =	sld [smem:$0x3FAF]  }
0x29: {  	s4 =	sld [smem:$0x3FB1]  }
0x2a: {  	p0 =	seq.s32 s5, $0x0;
	s5 =	sld [smem:$0x3FB2]  }
0x2b: {  	s6 =	sld [smem:$0x3FB3]  }
0x2c: {  	s7 =	sld [smem:$0x3FB4]  }
0x2d: {  	s3 =	simm.s32 $0x108;
	s8 =	sld [smem:$0x3FB5]  }
0x2e: {  	s3 =	simm.s32 @!p0 $0x1082;
	s9 =	sld [smem:$0x3FB6]  }
0x2f: {  	lr =	sadd.s32 s0, s3;
	s0 =	sld [smem:$0x3FAD]  }
0x30: {  	s3 =	sld [smem:$0x3FB0]  }
0x31: {  	[smem:$0x3FB9] =	sst s10  }
0x32: {  	s10 =	sld [smem:$0x3FB7];
	_ =	sdelay $0x3  }
0x33: {  	p0 =	seq.s32 s10, $0x1;
	s10 =	sld [smem:$0x3FB9];
	_ =	sdelay $0x3  }
0x34: {  	[smem:$0x3FB9] =	sst s10  }
0x35: {  	s10 =	sld [smem:$0x3FB8];
	_ =	sdelay $0x3  }
0x36: {  	p1 =	seq.s32 s10, $0x1;
	s10 =	sld [smem:$0x3FB9];
	_ =	sdelay $0x3  }
0x37: {  	[smem:$0x3FB9] =	sst s10  }
0x38: {  	s10 =	sld [smem:$0x3FBA]  }
0x39: {  	_ = 	snop;
	(pc) =	sbr.ind lr, $3  }
0x3a: {  	_ = 	snop  }
0x3b: {  	_ = 	snop  }
0x3c: {  	p2 =	seq.s32 s10, $0x1;
	s10 =	sld [smem:$0x3FB9]  }
0x3d: {  	_ =	shalt  }
0x3e: {  	_ =	shalt  }
0x3f: {  	_ =	shalt  }
0x40: {  	_ =	shalt  }
0x41: {  	_ =	shalt  }
0x42: {  	_ =	shalt  }
0x43: {  	_ =	shalt  }
0x44: {  	_ =	shalt  }
0x45: {  	_ =	shalt  }
0x46: {  	_ =	shalt  }
0x47: {  	_ =	shalt  }
0x48: {  	_ =	shalt  }
0x49: {  	_ =	shalt  }
0x4a: {  	_ =	shalt  }
0x4b: {  	_ =	shalt  }
0x4c: {  	_ =	shalt  }
0x4d: {  	_ =	shalt  }
0x4e: {  	_ =	shalt  }
0x4f: {  	_ =	shalt  }
0x50: {  	_ =	shalt  }
0x51: {  	_ =	shalt  }
0x52: {  	_ =	shalt  }
0x53: {  	_ =	shalt  }
0x54: {  	_ =	shalt  }
0x55: {  	_ =	shalt  }
0x56: {  	_ =	shalt  }
0x57: {  	_ =	shalt  }
0x58: {  	_ =	shalt  }
0x59: {  	_ =	shalt  }
0x5a: {  	_ =	shalt  }
0x5b: {  	_ =	shalt  }
0x5c: {  	_ =	shalt  }
0x5d: {  	_ =	shalt  }
0x5e: {  	_ =	shalt  }
0x5f: {  	_ =	shalt  }
0x60: {  	_ =	shalt  }
0x61: {  	_ =	shalt  }
0x62: {  	_ =	shalt  }
0x63: {  	_ =	shalt  }
0x64: {  	_ =	shalt  }
0x65: {  	_ =	shalt  }
0x66: {  	_ =	shalt  }
0x67: {  	_ =	shalt  }
0x68: {  	_ =	shalt  }
0x69: {  	_ =	shalt  }
0x6a: {  	_ =	shalt  }
0x6b: {  	_ =	shalt  }
0x6c: {  	_ =	shalt  }
0x6d: {  	_ =	shalt  }
0x6e: {  	_ =	shalt  }
0x6f: {  	_ =	shalt  }
0x70: {  	_ =	shalt  }
0x71: {  	_ =	shalt  }
0x72: {  	_ =	shalt  }
0x73: {  	_ =	shalt  }
0x74: {  	_ =	shalt  }
0x75: {  	_ =	shalt  }
0x76: {  	_ =	shalt  }
0x77: {  	_ =	shalt  }
0x78: {  	_ =	shalt  }
0x79: {  	_ =	shalt  }
0x7a: {  	_ =	shalt  }
0x7b: {  	_ =	shalt  }
0x7c: {  	_ =	shalt  }
0x7d: {  	_ =	shalt  }
0x7e: {  	_ =	shalt  }
0x7f: {  	_ =	shalt  }
0x80: {  	_ =	shalt  }
0x81: {  	_ =	shalt  }
0x82: {  	_ =	shalt  }
0x83: {  	_ =	shalt  }
0x84: {  	_ =	shalt  }
0x85: {  	_ =	shalt  }
0x86: {  	_ =	shalt  }
0x87: {  	_ =	shalt  }
.Lfunc_end0:
.L_simem_size_0:
called_computation.2_lowered:
.L_overlay_start_0:
0x88: {  	s2 =	sld [smem:$0x3FD9]  }
0x89: {  	s3 =	sld [smem:$0x3FFE];
	_ =	sdelay $0x1  }
0x8a: {  	s1 =	srdreg.scid  }
0x8b: {  	s0 =	sand.u32 $0x1, s1  }
0x8c: {  	s17 =	sshll.u32 s0, $0xA;
	s2 =	sadd.s32 s3, s2  }
0x8d: {  	s2 =	sadd.s32 s2, s17  }
0x8e: {  	[smem:$0x3FC5] =	sst s2  }
0x8f: {  	_ = 	snop  }
0x90: {  	(tm) =	ssettm $0x1  }
0x91: {  	s18 =	sld [smem:$0x3FFB];
	_ =	sdelay $0x3  }
0x92: {  	_ =	strace s18  }
0x93: {  	s2 =	sld [smem:$0x3FFC];
	_ =	sdelay $0x3  }
0x94: {  	_ =	strace s2  }
0x95: {  	s2 =	sld [smem:$0x3FFD];
	_ =	sdelay $0x3  }
0x96: {  	_ =	strace s2  }
0x97: {  	_ =	strace $0x8FFFFFFF  }
0x98: {  	s19 =	sld [smem:$0x3FDB];
	_ =	sdelay $0x1  }
0x99: {  	s20 =	simm.s32 $_scs_section_size  }
0x9a: {  	s4 =	simm.s32 $_size__tile_overlayer_lowered;
	s5 =	simm.s32 $_tile_overlayer_lowered  }
0x9b: {  	s6 =	simm.s32 $0x1BFF;
	s21 =	sshll.u32 s5, $0x1;
	s3 =	sadd.s32 s20, s19  }
0x9c: {  	s22 =	simm.s32 $0x0;
	s4 =	sshll.u32 s4, $0x1;
	s5 =	sadd.s32 s21, s3  }
0x9d: {  	[timem:s22], [sflag:s6] =	dma.local [hbm:s5], s4  }
0x9e: {  	_ =	swait.ge [sflag:s6], s4  }
0x9f: {  	s4 =	ssub.s32 $0x0, s4;
	[sflag:s6] =	ssyncset.done $0x0  }
0xa0: {  	[sflag:s6] =	ssyncadd.s32 s4;
	_ =	sdelay $0x1  }
0xa1: {  	s23 =	simm.s32 $0x1B8B  }
0xa2: {  	_ =	swait.ge [sflag:s23], $0x1  }
0xa3: {  	[sflag:s23] =	ssyncset.done $0x0  }
0xa4: {  	[sflag:s23] =	ssyncadd.s32 $0xFFFFFFFF  }
0xa5: {  	s4 =	sld [smem:$0x0]  }
0xa6: {  	s5 =	sand.u32 $0xFFFFFFFE, s1  }
0xa7: {  	p0 =	sne.s32 s1, s5  }
0xa8: {  	s5 =	sshll.u32 @p0 s5, $0xE  }
0xa9: {  	s5 =	sadd.s32 @p0 $0x11B8D, s5;
	s6 =	sshll.u32 @p0 s4, $0x11  }
0xaa: {  	s5 =	sor.u32 @p0 s6, s5  }
0xab: {  	[sflag:s5] =	ssyncadd.remote.s32 @p0 $0x1;
	_ =	sdelay $0x1  }
0xac: {  	s5 =	simm.s32 @p0 $0x1B8D  }
0xad: {  	_ =	swait.eq @p0 [sflag:s5], $0x1  }
0xae: {  	[sflag:s5] =	ssyncadd.s32 @p0 $0xFFFFFFFF  }
0xaf: {  	s6 =	sshll.u32 @!p0 s1, $0xE  }
0xb0: {  	s6 =	sor.u32 @!p0 $0x4000, s6;
	s5 =	simm.s32 @!p0 $0x1B8D  }
0xb1: {  	s4 =	sshll.u32 @!p0 s4, $0x11;
	s6 =	sadd.s32 @!p0 $0x11B8D, s6;
	_ =	swait.eq @!p0 [sflag:s5], $0x1  }
0xb2: {  	s4 =	sor.u32 @!p0 s4, s6;
	[sflag:s5] =	ssyncadd.s32 @!p0 $0xFFFFFFFF  }
0xb3: {  	s25 =	simm.s32 $0x1B8E;
	s24 =	sld [smem:$0x3FFE];
	[sflag:s4] =	ssyncadd.remote.s32 @!p0 $0x1  }
0xb4: {  	s26 =	simm.s32 $execute0_lowered;
	[smem:$0x3FD2] =	sst s25  }
0xb5: {  	s5 =	sshll.u32 s26, $0x1;
	_ =	strace $0x80000049;
	[dreg:$0x1] =	wrdreg $0xFFFFFFFF  }
0xb6: {  	s28 =	simm.s32 $_size_execute0_lowered;
	s3 =	sadd.s32 s3, s5;
	[dreg:$0x0] =	wrdreg $0x0  }
0xb7: {  	s5 =	sshll.u32 s28, $0x1;
	[dreg:$0x2] =	wrdreg s3  }
0xb8: {  	[dreg:$0x3] =	wrdreg s5  }
0xb9: {  	[dreg:$0x4] =	wrdreg $0xC0  }
0xba: {  	_ =	task [dreg:s22], $0x5FFFF  }
0xbb: {  	[dreg:$0x1] =	wrdreg $0xFFFFFFFF  }
0xbc: {  	[dreg:$0x0] =	wrdreg $0x60  }
0xbd: {  	[dreg:$0x2] =	wrdreg s24  }
0xbe: {  	[dreg:$0x3] =	wrdreg $0xB  }
0xbf: {  	_ =	task.clear_ibuf [dreg:s22], $0x4FFFF;
	_ =	strace $0x90000049  }
0xc0: {  	s29 =	simm.s32 $0xB;
	_ =	strace $0x8000004B  }
0xc1: {  	_ =	swait.ge [sflag:s29], $0x1  }
0xc2: {  	[sflag:s29] =	ssyncadd.s32 $0xFFFFFFFF  }
0xc3: {  	_ =	strace $0x9000004B  }
0xc4: {  	_ =	sfence  }
0xc5: {  	s30 =	sld [smem:$0x0];
	_ =	sdelay $0x2  }
0xc6: {  	s31 =	sshll.u32 s1, $0xD;
	s1 =	sshrl.u32 s1, $0x2  }
0xc7: {  	s4 =	sand.u32 $0x4000, s31;
	s1 =	sadd.s32 s1, s30  }
0xc8: {  	s0 =	sor.u32 s4, s0;
	s1 =	sshll.u32 s1, $0x11  }
0xc9: {  	s0 =	sor.u32 s1, s0  }
0xca: {  	s0 =	sadd.s32 $0x8F2B, s0  }
0xcb: {  	[sflag:s0] =	ssyncadd.remote.s32 $0x1  }
0xcc: {  	_ =	sfence.sel $0xFFFF  }
0xcd: {  	[dreg:$0x0] =	wrdreg $0xFFFFFFFF;
	(pc) =	sbr.abs _section_cstart, $3  }
0xce: {  	[dreg:$0x1] =	wrdreg $0xFFFFFFFF  }
0xcf: {  	_ =	task.clear_ibuf [dreg:s22], $0x2FFFF;
	_ =	strace $0x9FFFFFFF  }
0xd0: {  	(tm) =	ssettm $0x7FFFFFFF  }
0xd1: {  	_ =	shalt  }
tec
execute0_lowered:
.L_overlay_start_1:
0x0: {  	(tag) =	ssettag $0x1  }
0x1: {  	v0 =	vimm.s32 $0xE40000  }
0x2: {  	s2 =	rddreg [dreg:$0x0];
	v0 =	vunpack.c.l.s2.s4 v0  }
0x3: {  	s0 =	rddreg [dreg:$0x1];
	s1 =	simm.s32 $0x0;
	s3 =	srdreg.scid  }
0x4: {  	s9 =	simm.s32 $0x4000;
	s10 =	simm.s32 $0x4400;
	s11 =	simm.s32 $0x0;
	v1 =	vunpack.c.l.s4.s8 v0  }
0x5: {  	[smem:$0x7FF] =	sst s1;
	s6 =	sand.u32 $0x1, s3;
	s3 =	sadd.s32 $0x27000, s2  }
0x6: {  	v2 =	vimm.s32 $0x7060504;
	s4 =	sadd.s32 $0x47000, s2;
	s5 =	sadd.s32 $0x49000, s2;
	s7 =	ssub.s32 $0x2, s6;
	v3 =	vunpack.c.0.s8.s32 v1  }
0x7: {  	vm1 =	vcmask $0x3F30;
	s2 =	stileid.u32;
	v4 =	vunpack.c.0.s8.s32 v2;
	_ =	strace $0x8000004A;
	s8 =	sshrl.u32 s7, $0x1;
	v0 =	vlaneseq.u32  }
0x8: {  	vm0 =	vmmov $0xff;
	s31 =	sshll.u32 s2, $0x9;
	s6 =	sshll.u32 s6, $0x8;
	s7 =	ssub.s32 s7, s8;
	v2 =	vor.u32 $0x20, v0;
	v5 =	vand.u32 $0x3, v3  }
0x9: {  	s6 =	sor.u32 s6, s31;
	s8 =	simm.s32 $0x1;
	v1 =	vor.u32 $0x10, v0;
	s7 =	smax.u32 s7, $0x1;
	v3 =	vor.u32 $0x30, v0;
	v4 =	vsel vm1, v4, v5  }
.LBB2_1:
0xa: {  	p1 =	por $0x1, $0x1;
	s12 =	simm.s32 $0x0  }
.LBB2_2:
0xb: {  	s12 =	sor.u32 s6, s12  }
0xc: {  	s13 =	sshll.u32 s12, $0x4  }
0xd: {  	s14 =	sadd.s32 s3, s13;
	s13 =	simm.s32 $0x0  }
0xe: {  	[tilespmem:s13], [sflag:$0x1] =	stream.linear.gather [hbm4b:s14+s13], $0x4000, $0x38;
	[tilespmem:$0x4800] =	vst v63  }
0xf: {  	_ =	swait.ge [sflag:s8], $0x4000  }
0x10: {  	[sflag:s8] =	ssyncset.done $0x0  }
0x11: {  	s14 =	simm.s32 $0x80;
	[sflag:s8] =	ssyncadd.s32 $0xFFFFC000  }
0x12: {  	v6 =	vld [tilespmem:s14+$0x10]  }
0x13: {  	v7 =	vld [tilespmem:s14+$0x30]  }
0x14: {  	v8 =	vld [tilespmem:s14+$0x0];
	_ =	sdelay $0x2  }
0x15: {  	(xrf1) =	vsort.ascd.msk.f32 $0xffff, v6, v1  }
0x16: {  	(xrf1) =	vsort.ascd.msk.f32 $0xffff, v7, v3  }
0x17: {  	(xrf1) =	vsort.dscd.msk.f32 $0xffff, v8, v0  }
0x18: {  	v9 =	vld [tilespmem:s14+$0x20];
	_ =	sdelay $0x4  }
0x19: {  	v10 =	vld [tilespmem:s14+$0xFFFFFFB0];
	v5 =	vmax.f32 v8, v6;
	v11 =	vmax.f32 v9, v7  }
0x1a: {  	v42 =	vld [tilespmem:s14+$0xFFFFFF90];
	v5 =	vmax.f32 v5, v11  }
0x1b: {  	v12 =	vld [tilespmem:s14+$0xFFFFFF80];
	(xrf0) =	vmax.scan.msk.f32 $0xffff, v5  }
0x1c: {  	v13 =	vld [tilespmem:s14+$0xFFFFFFA0];
	(xrf1) =	vsort.dscd.msk.f32 $0xffff, v9, v2;
	_ =	sdelay $0x1  }
0x1d: {  	(xrf1) =	vsort.ascd.msk.f32 $0xffff, v10, v3  }
0x1e: {  	(xrf1) =	vsort.ascd.msk.f32 $0xffff, v42, v1;
	v15, v16, _ =	vpop (xrf1)  }
0x1f: {  	(xrf1) =	vsort.dscd.msk.f32 $0xffff, v12, v0;
	v18, v19, _ =	vpop (xrf1)  }
0x20: {  	(xrf1) =	vsort.dscd.msk.f32 $0xffff, v13, v2;
	v43, v20, _ =	vpop (xrf1)  }
0x21: {  	v5, _, _ =	vpop (xrf0);
	v44 =	vsel vm0, v43, v15;
	v45 =	vsel vm0, v20, v16  }
0x22: {  	v5 =	vbroadcast v5, $0xF;
	(xrf1) =	vsort.dscd.msk.f32 $0xffff, v44, v45;
	_ =	sdelay $0x1  }
0x23: {  	v8 =	vsub.f32 v8, v5  }
0x24: {  	v6 =	vsub.f32 v6, v5  }
0x25: {  	v14 =	vmax.f32 v12, v42;
	v17 =	vmax.f32 v13, v10;
	v8 =	vmul.f32 $1.442695020e+00, v8  }
0x26: {  	v9 =	vsub.f32 v9, v5;
	v7 =	vsub.f32 v7, v5;
	v6 =	vmul.f32 $1.442695020e+00, v6  }
0x27: {  	v14 =	vmax.f32 v14, v17  }
0x28: {  	(xrf0) =	vmax.scan.msk.f32 $0xffff, v14;
	v9 =	vmul.f32 $1.442695020e+00, v9;
	(erf) = vpow2.f32 v6;
	v47, v46, _ =	vpop (xrf1)  }
0x29: {  	(erf) = vpow2.f32 v8;
	v16 =	vsel vm0, v47, v18;
	v17 =	vsel vm0, v46, v19  }
0x2a: {  	v6 =	vmul.f32 $1.442695020e+00, v7;
	v7, v8, _ =	vpop (xrf1);
	(xrf1) =	vsort.ascd.msk.f32 $0xffff, v16, v17  }
0x2b: {  	(erf) = vpow2.f32 v9;
	v49, v48, _ =	vpop (xrf1)  }
0x2c: {  	v50, v51, _ =	vpop (xrf1)  }
0x2d: {  	(erf) = vpow2.f32 v6;
	v53, v52, _ =	vpop (xrf1);
	v9 =	vsel vm0, v50, v49;
	v14 =	vsel vm0, v51, v48  }
0x2e: {  	v6, _, _ =	vpop (xrf0);
	v7 =	vsel vm0, v53, v7;
	v8 =	vsel vm0, v52, v8;
	(xrf1) =	vsort.dscd.msk.f32 $0xffff, v9, v14  }
0x2f: {  	v6 =	vbroadcast v6, $0xF;
	v61, v60, _ =	vpop (xrf1);
	(xrf1) =	vsort.ascd.msk.f32 $0xffff, v7, v8;
	_ =	sdelay $0x1  }
0x30: {  	v12 =	vsub.f32 v12, v6;
	v54 =	vpop (erf)  }
0x31: {  	v11 =	vsub.f32 v42, v6;
	v55 =	vpop (erf)  }
0x32: {  	v12 =	vmul.f32 $1.442695020e+00, v12;
	v15 =	vadd.f32 v54, v55  }
0x33: {  	v13 =	vsub.f32 v13, v6;
	v11 =	vmul.f32 $1.442695020e+00, v11;
	v56 =	vpop (erf)  }
0x34: {  	(erf) = vpow2.f32 v12;
	v59 =	vadd.f32 v15, v56  }
0x35: {  	v10 =	vsub.f32 v10, v6;
	v58 =	vmul.f32 $1.442695020e+00, v13;
	v57 =	vpop (erf);
	(erf) = vpow2.f32 v11  }
0x36: {  	v63 =	vadd.f32 v59, v57  }
0x37: {  	(erf) = vpow2.f32 v58;
	v7 =	vmul.f32 $1.442695020e+00, v10;
	v8, v62, _ =	vpop (xrf1)  }
0x38: {  	(xrf2) =	vadd.scan.msk.f32 $0xffff, v63;
	v8 =	vsel vm0, v61, v8;
	v10 =	vsel vm0, v60, v62  }
0x39: {  	p0 =	por p1, p1;
	s15 =	simm.s32 $0x40;
	(erf) = vpow2.f32 v7;
	(xrf1) =	vsort.dscd.msk.f32 $0xffff, v8, v10  }
.LBB2_3:
0x3a: {  	p1 =	sne.s32 s15, $0xFC0  }
0x3b: {  	s14 =	sadd.s32 $0x100, s14;
	v7, v8, _ =	vpop (xrf1);
	s16 =	smov.u32 s15;
	s15 =	sadd.s32 $0x40, s15  }
0x3c: {  	v9, v10, _ =	vpop (xrf1)  }
0x3d: {  	v7 =	vsel vm0, v7, v9;
	v8 =	vsel vm0, v8, v10;
	v9 =	vpop (erf)  }
0x3e: {  	v10 =	vpop (erf);
	(xrf1) =	vsort.dscd.msk.f32 $0xffff, v7, v8  }
0x3f: {  	v7 =	vadd.f32 v10, v9  }
0x40: {  	v8 =	vpop (erf)  }
0x41: {  	v7 =	vadd.f32 v7, v8  }
0x42: {  	v8 =	vpop (erf)  }
0x43: {  	v7 =	vadd.f32 v7, v8  }
0x44: {  	v8, _, _ =	vpop (xrf2)  }
0x45: {  	v8 =	vbroadcast v8, $0xF;
	(xrf2) =	vadd.scan.msk.f32 $0xffff, v7;
	_ =	sdelay $0x1  }
0x46: {  	v7, v9, _ =	vpop (xrf1)  }
0x47: {  	v5 =	vsub.f32 v7, v5;
	_ =	sdelay $0x1  }
0x48: {  	v5 =	vmul.f32 $1.442695020e+00, v5  }
0x49: {  	v7 =	vperm.xlane v9, v4;
	(erf) = vrcp.f32 v8  }
0x4a: {  	v8, v9, _ =	vpop (xrf1);
	(erf) = vpow2.f32 v5  }
0x4b: {  	s17 =	sshra.s32 s13, $0x2;
	s13 =	smov.u32 s16;
	v5 =	vsub.f32 v8, v6;
	v7 =	vsel vm0, v9, v7  }
0x4c: {  	[tilespmem:s17+$0x4000] =	vst v7  }
0x4d: {  	v5 =	vmul.f32 $1.442695020e+00, v5;
	v6, _, _ =	vpop (xrf2)  }
0x4e: {  	v6 =	vbroadcast v6, $0xF  }
0x4f: {  	(erf) = vpow2.f32 v5  }
0x50: {  	(erf) = vrcp.f32 v6;
	_ =	sdelay $0x1  }
0x51: {  	v5 =	vpop (erf)  }
0x52: {  	v6 =	vpop (erf)  }
0x53: {  	v5 =	vmul.f32 v5, v6;
	_ =	sdelay $0x3  }
0x54: {  	v6 =	vpop (erf)  }
0x55: {  	v7 =	vpop (erf)  }
0x56: {  	v5 =	vperm.xlane v5, v4;
	v6 =	vmul.f32 v7, v6;
	_ =	sdelay $0x1  }
0x57: {  	v5 =	vsel vm0, v6, v5  }
0x58: {  	[tilespmem:s17+$0x4400] =	vst v5;
	_ =	sdelay $0x1  }
0x59: {  	v6 =	vld [tilespmem:s14+$0x10]  }
0x5a: {  	v7 =	vld [tilespmem:s14+$0x20]  }
0x5b: {  	v8 =	vld [tilespmem:s14+$0x30]  }
0x5c: {  	v9 =	vld [tilespmem:s14+$0x0]  }
0x5d: {  	v10 =	vld [tilespmem:s14+$0xFFFFFFB0]  }
0x5e: {  	v11 =	vld [tilespmem:s14+$0xFFFFFF80]  }
0x5f: {  	v12 =	vld [tilespmem:s14+$0xFFFFFF90];
	(xrf1) =	vsort.ascd.msk.f32 $0xffff, v6, v1  }
0x60: {  	v13 =	vld [tilespmem:s14+$0xFFFFFFA0];
	(xrf1) =	vsort.ascd.msk.f32 $0xffff, v8, v3  }
0x61: {  	v14 =	vmax.f32 v7, v8;
	v5 =	vmax.f32 v9, v6;
	(xrf1) =	vsort.dscd.msk.f32 $0xffff, v9, v0  }
0x62: {  	v5 =	vmax.f32 v5, v14;
	(xrf1) =	vsort.dscd.msk.f32 $0xffff, v7, v2  }
0x63: {  	(xrf1) =	vsort.ascd.msk.f32 $0xffff, v10, v3  }
0x64: {  	v14 =	vmax.f32 v11, v12;
	(xrf0) =	vmax.scan.msk.f32 $0xffff, v5  }
0x65: {  	v5 =	vmax.f32 v13, v10;
	(xrf1) =	vsort.ascd.msk.f32 $0xffff, v12, v1  }
0x66: {  	v14 =	vmax.f32 v14, v5;
	(xrf1) =	vsort.dscd.msk.f32 $0xffff, v11, v0  }
0x67: {  	(xrf1) =	vsort.dscd.msk.f32 $0xffff, v13, v2;
	_ =	sdelay $0x2  }
0x68: {  	v5, _, _ =	vpop (xrf0)  }
0x69: {  	v5 =	vbroadcast v5, $0xF  }
0x6a: {  	(xrf0) =	vmax.scan.msk.f32 $0xffff, v14  }
0x6b: {  	v9 =	vsub.f32 v9, v5;
	v6 =	vsub.f32 v6, v5;
	v14, v15, _ =	vpop (xrf1)  }
0x6c: {  	v7 =	vsub.f32 v7, v5;
	v8 =	vsub.f32 v8, v5;
	v16, v17, _ =	vpop (xrf1)  }
0x6d: {  	v9 =	vmul.f32 $1.442695020e+00, v9;
	v6 =	vmul.f32 $1.442695020e+00, v6;
	v18, v19, _ =	vpop (xrf1)  }
0x6e: {  	v7 =	vmul.f32 $1.442695020e+00, v7;
	v20 =	vsel vm0, v18, v14;
	v15 =	vsel vm0, v19, v15;
	v18, v19, _ =	vpop (xrf1)  }
0x6f: {  	v16 =	vsel vm0, v18, v16;
	v17 =	vsel vm0, v19, v17;
	v18, v19, _ =	vpop (xrf1);
	(erf) = vpow2.f32 v6;
	(xrf1) =	vsort.dscd.msk.f32 $0xffff, v20, v15  }
0x70: {  	v6 =	vmul.f32 $1.442695020e+00, v8;
	v8, _, _ =	vpop (xrf0);
	(erf) = vpow2.f32 v9;
	(xrf1) =	vsort.ascd.msk.f32 $0xffff, v16, v17  }
0x71: {  	v9, v14, _ =	vpop (xrf1);
	(erf) = vpow2.f32 v7  }
0x72: {  	v7, v15, _ =	vpop (xrf1);
	(erf) = vpow2.f32 v6  }
0x73: {  	v6 =	vbroadcast v8, $0xF;
	v7 =	vsel vm0, v7, v9;
	v8 =	vsel vm0, v15, v14;
	v9, v14, _ =	vpop (xrf1)  }
0x74: {  	v9 =	vsel vm0, v9, v18;
	v14 =	vsel vm0, v14, v19;
	(xrf1) =	vsort.dscd.msk.f32 $0xffff, v7, v8  }
0x75: {  	v7 =	vsub.f32 v11, v6;
	v8 =	vsub.f32 v12, v6;
	(xrf1) =	vsort.ascd.msk.f32 $0xffff, v9, v14  }
0x76: {  	v10 =	vsub.f32 v10, v6;
	v9 =	vsub.f32 v13, v6  }
0x77: {  	v7 =	vmul.f32 $1.442695020e+00, v7;
	v8 =	vmul.f32 $1.442695020e+00, v8  }
0x78: {  	v10 =	vmul.f32 $1.442695020e+00, v10;
	v9 =	vmul.f32 $1.442695020e+00, v9;
	v11 =	vpop (erf)  }
0x79: {  	v12 =	vpop (erf)  }
0x7a: {  	v14 =	vadd.f32 v11, v12;
	v12 =	vpop (erf)  }
0x7b: {  	(erf) = vpow2.f32 v7;
	v7 =	vpop (erf)  }
0x7c: {  	v13 =	vadd.f32 v14, v12;
	(erf) = vpow2.f32 v8  }
.Ltmp0:
0x7d: {  	v8, v12, _ =	vpop (xrf1);
	(pc) =	sbr.rel @p1 .LBB2_3-.Ltmp0, $4  }
0x7e: {  	v7 =	vadd.f32 v13, v7;
	(erf) = vpow2.f32 v9;
	v9, v11, _ =	vpop (xrf1)  }
0x7f: {  	v8 =	vsel vm0, v8, v9;
	v9 =	vsel vm0, v12, v11  }
0x80: {  	(erf) = vpow2.f32 v10;
	(xrf1) =	vsort.dscd.msk.f32 $0xffff, v8, v9  }
0x81: {  	(xrf2) =	vadd.scan.msk.f32 $0xffff, v7  }
0x82: {  	v7, v8, _ =	vpop (xrf1)  }
0x83: {  	v9, v10, _ =	vpop (xrf1)  }
0x84: {  	v7 =	vsel vm0, v7, v9;
	v8 =	vsel vm0, v8, v10;
	v55 =	vpop (erf)  }
0x85: {  	v56 =	vpop (erf);
	(xrf1) =	vsort.dscd.msk.f32 $0xffff, v7, v8  }
0x86: {  	v7 =	vadd.f32 v56, v55  }
0x87: {  	v57 =	vpop (erf)  }
0x88: {  	v7 =	vadd.f32 v7, v57  }
0x89: {  	v58 =	vpop (erf)  }
0x8a: {  	v7 =	vadd.f32 v7, v58;
	_ =	sdelay $0x1  }
0x8b: {  	(xrf2) =	vadd.scan.msk.f32 $0xffff, v7;
	_ =	sdelay $0x4  }
0x8c: {  	v7, _, _ =	vpop (xrf2)  }
0x8d: {  	v60, v59, _ =	vpop (xrf1);
	v7 =	vbroadcast v7, $0xF  }
0x8e: {  	v5 =	vsub.f32 v60, v5;
	v62, v61, _ =	vpop (xrf1)  }
0x8f: {  	v6 =	vsub.f32 v62, v6  }
0x90: {  	v5 =	vmul.f32 $1.442695020e+00, v5  }
0x91: {  	(erf) = vrcp.f32 v7;
	v6 =	vmul.f32 $1.442695020e+00, v6;
	v7, _, _ =	vpop (xrf2)  }
0x92: {  	(erf) = vpow2.f32 v5;
	v5 =	vbroadcast v7, $0xF  }
0x93: {  	(erf) = vpow2.f32 v6  }
0x94: {  	(erf) = vrcp.f32 v5;
	_ =	sdelay $0x5  }
0x95: {  	v5 =	vpop (erf)  }
0x96: {  	v6 =	vpop (erf)  }
0x97: {  	v5 =	vmul.f32 v5, v6;
	v6 =	vpop (erf)  }
0x98: {  	v7 =	vperm.xlane v59, v4;
	v63 =	vpop (erf)  }
0x99: {  	v5 =	vperm.xlane v5, v4;
	v6 =	vmul.f32 v63, v6  }
0x9a: {  	s13 =	sshra.s32 s13, $0x2;
	v7 =	vsel vm0, v61, v7  }
0x9b: {  	[tilespmem:s13+$0x4000] =	vst v7;
	v5 =	vsel vm0, v6, v5  }
0x9c: {  	s30 =	sadd.s32 s4, s12;
	[tilespmem:s13+$0x4400] =	vst v5  }
0x9d: {  	[hbm4b:s30+s1] =	stream.linear.scatter [tilespmem:s9], [sflag:$0x1], $0x400, $0x38;
	[tilespmem:$0x4800] =	vst v63  }
0x9e: {  	_ =	swait.ge [sflag:s8], $0x400  }
0x9f: {  	[sflag:s8] =	ssyncset.done $0x0  }
.Ltmp1:
0xa0: {  	s31 =	sadd.s32 s5, s12;
	[sflag:s8] =	ssyncadd.s32 $0xFFFFFC00;
	(pc) =	sbr.rel @p0 .LBB2_2-.Ltmp1, $4  }
0xa1: {  	[hbm4b:s31+s1] =	stream.linear.scatter [tilespmem:s10], [sflag:$0x1], $0x400, $0x38;
	[tilespmem:$0x4800] =	vst v63  }
0xa2: {  	_ =	swait.ge [sflag:s8], $0x400  }
0xa3: {  	[sflag:s8] =	ssyncset.done $0x0  }
0xa4: {  	s12 =	simm.s32 $0x80;
	p1 =	por $0x0, $0x0;
	[sflag:s8] =	ssyncadd.s32 $0xFFFFFC00  }
0xa5: {  	s11 =	sadd.s32 $0x1, s11  }
0xa6: {  	p0 =	sne.s32 s11, s7  }
.Ltmp2:
0xa7: {  	_ = 	snop;
	(pc) =	sbr.rel @p0 .LBB2_1-.Ltmp2, $1  }
0xa8: {  	_ =	sdelay $0x3  }
0xa9: {  	_ =	sfence.sel $0x180000  }
0xaa: {  	[bflag:$0x0] =	sbarrier.arrive $0xFFFF  }
0xab: {  	p0 =	sne.s32 s2, $0x0;
	_ =	strace $0x9000004A  }
0xac: {  	s0 =	sadd.s32 @!p0 $0x100000, s0;
	[bflag:$0x2] =	sbarrier.arrive $0xFFFF  }
0xad: {  	[sflag:s0] =	ssyncadd.tile.s32 @!p0 $0x1;
	_ =	shalt  }
.Lfunc_end2:
_tile_overlayer_lowered:
.L_overlay_start_2:
0xae: {  	(tag) =	ssettag $0x2  }
0xaf: {  	s0 =	rddreg [dreg:$0x0];
	s2 =	stileid.u32  }
0xb0: {  	s1 =	rddreg [dreg:$0x1];
	p0 =	sne.s32 s2, $0x0  }
0xb1: {  	s3 =	rddreg [dreg:$0x2];
	[bflag:$0x3] =	sbarrier.arrive $0xFFFF;
	s2 =	simm.s32 @!p0 $0x1C01  }
0xb2: {  	[timem:s3], [sflag:s2] =	dma.local @!p0 [hbm:s0], s1  }
0xb3: {  	s0 =	simm.s32 @!p0 $0x1  }
0xb4: {  	_ =	swait.ge @!p0 [sflag:s0], s1  }
0xb5: {  	s1 =	ssub.s32 @!p0 $0x0, s1;
	[sflag:s0] =	ssyncset.done @!p0 $0x0  }
0xb6: {  	[sflag:s0] =	ssyncadd.s32 @!p0 s1  }
0xb7: {  	[bflag:$0x3] =	sbarrier.arrive $0xFFFF  }
0xb8: {  	_ =	shalt  }

// kernel: kernel.19.cloned.1.call-start
scs
__scs_entry_jumppad:
0x0: {  	(pc) =	sbr.rel $0x88, $3  }
0x1: {  	(tag) =	ssettag $0x0;
	lr =	simm.s32 $0x1  }
0x2: {  	[smem:$0x3F9E] =	sst lr;
	_ =	strace $0xD0000000  }
0x3: {  	_ = 	snop  }
0x4: {  	_ = 	snop  }
0x5: {  	_ = 	snop  }
0x6: {  	_ = 	snop  }
0x7: {  	_ = 	snop  }
__scs_overlays_trampoline_lowered:
0x8: {  	[smem:$0x3FAD] =	sst s0  }
0x9: {  	[smem:$0x3FAE] =	sst s1  }
0xa: {  	[smem:$0x3FAF] =	sst s2  }
0xb: {  	[smem:$0x3FB0] =	sst s3  }
0xc: {  	[smem:$0x3FB1] =	sst s4  }
0xd: {  	[smem:$0x3FB2] =	sst s5  }
0xe: {  	[smem:$0x3FB3] =	sst s6  }
0xf: {  	[smem:$0x3FB4] =	sst s7  }
0x10: {  	[smem:$0x3FB5] =	sst s8  }
0x11: {  	[smem:$0x3FB6] =	sst s9;
	s0 =	simm.s32 @!p0 $0x0  }
0x12: {  	s1 =	sld [smem:$0x3F9C];
	s0 =	simm.s32 @p0 $0x1  }
0x13: {  	[smem:$0x3FB7] =	sst s0;
	s0 =	simm.s32 @!p1 $0x0  }
0x14: {  	s2 =	sld [smem:$0x3F9B];
	s0 =	simm.s32 @p1 $0x1  }
0x15: {  	[smem:$0x3FB8] =	sst s0;
	s0 =	simm.s32 @!p2 $0x0  }
0x16: {  	s3 =	sld [smem:$0x3FDB];
	s0 =	simm.s32 @p2 $0x1  }
0x17: {  	s4 =	simm.s32 $0x1BF5;
	[smem:$0x3FBA] =	sst s0  }
0x18: {  	s0 =	sld [smem:$0x3F9D];
	_ =	swait.ge [sflag:s4], $0x0  }
0x19: {  	s7 =	sld [smem:$0x3F9E]  }
0x1a: {  	s8 =	sadd.s32 $0xFFFFE003, lr  }
0x1b: {  	s9 =	sadd.s32 $0xFFFFFEF7, lr;
	s5 =	simm.s32 $0xFFFFFFFF;
	p2 =	slt.u32 s8, $0xFFFFF086  }
0x1c: {  	p1 =	slt.u32 s9, $0xF7A;
	s5 =	simm.s32 @!p2 $0x0  }
0x1d: {  	s5 =	simm.s32 @p1 $0x1;
	p0 =	seq.s32 s7, s2  }
0x1e: {  	s7 =	smul.u32 @!p0 $0xF7A, s2;
	p2 =	seq.s32 @!p0 s5, $0x0  }
0x1f: {  	s9 =	smul.u32 $0xF7A, s1;
	s8 =	simm.s32 @!p0 $0x1BF5;
	p2 =	por !p2, p0  }
0x20: {  	[sflag:s8] =	ssyncset.s32 @!p0 $0xFFFFF086;
	s6 =	sadd.s32 @!p0 s3, s7;
	s7 =	simm.s32 @!p0 $0x108  }
0x21: {  	s3 =	sadd.s32 s3, s9;
	s6 =	sadd.s32 @!p0 $0x88, s6;
	s7 =	simm.s32 @p2 $0x1082  }
0x22: {  	[simem:s7], [sflag:s8] =	dma.local @!p0 [hbm:s6], $0xF7A  }
0x23: {  	s9 =	sor.u32 $0xD0000000, s2;
	s6 =	simm.s32 $0x108;
	_ =	swait.ge @!p0 [sflag:s8], $0x0  }
0x24: {  	s3 =	sadd.s32 $0x88, s3;
	s6 =	simm.s32 @!p1 $0x1082;
	[sflag:s4] =	ssyncset.s32 $0xFFFFF086  }
0x25: {  	[simem:s6], [sflag:s4] =	dma.local [hbm:s3], $0xF7A  }
0x26: {  	[smem:$0x3F9E] =	sst s1;
	(tag) =	ssettag s2;
	_ =	strace s9  }
0x27: {  	s1 =	sld [smem:$0x3FAE]  }
0x28: {  	s2 =	sld [smem:$0x3FAF]  }
0x29: {  	s4 =	sld [smem:$0x3FB1]  }
0x2a: {  	p0 =	seq.s32 s5, $0x0;
	s5 =	sld [smem:$0x3FB2]  }
0x2b: {  	s6 =	sld [smem:$0x3FB3]  }
0x2c: {  	s7 =	sld [smem:$0x3FB4]  }
0x2d: {  	s3 =	simm.s32 $0x108;
	s8 =	sld [smem:$0x3FB5]  }
0x2e: {  	s3 =	simm.s32 @!p0 $0x1082;
	s9 =	sld [smem:$0x3FB6]  }
0x2f: {  	lr =	sadd.s32 s0, s3;
	s0 =	sld [smem:$0x3FAD]  }
0x30: {  	s3 =	sld [smem:$0x3FB0]  }
0x31: {  	[smem:$0x3FB9] =	sst s10  }
0x32: {  	s10 =	sld [smem:$0x3FB7];
	_ =	sdelay $0x3  }
0x33: {  	p0 =	seq.s32 s10, $0x1;
	s10 =	sld [smem:$0x3FB9];
	_ =	sdelay $0x3  }
0x34: {  	[smem:$0x3FB9] =	sst s10  }
0x35: {  	s10 =	sld [smem:$0x3FB8];
	_ =	sdelay $0x3  }
0x36: {  	p1 =	seq.s32 s10, $0x1;
	s10 =	sld [smem:$0x3FB9];
	_ =	sdelay $0x3  }
0x37: {  	[smem:$0x3FB9] =	sst s10  }
0x38: {  	s10 =	sld [smem:$0x3FBA]  }
0x39: {  	_ = 	snop;
	(pc) =	sbr.ind lr, $3  }
0x3a: {  	_ = 	snop  }
0x3b: {  	_ = 	snop  }
0x3c: {  	p2 =	seq.s32 s10, $0x1;
	s10 =	sld [smem:$0x3FB9]  }
0x3d: {  	_ =	shalt  }
0x3e: {  	_ =	shalt  }
0x3f: {  	_ =	shalt  }
0x40: {  	_ =	shalt  }
0x41: {  	_ =	shalt  }
0x42: {  	_ =	shalt  }
0x43: {  	_ =	shalt  }
0x44: {  	_ =	shalt  }
0x45: {  	_ =	shalt  }
0x46: {  	_ =	shalt  }
0x47: {  	_ =	shalt  }
0x48: {  	_ =	shalt  }
0x49: {  	_ =	shalt  }
0x4a: {  	_ =	shalt  }
0x4b: {  	_ =	shalt  }
0x4c: {  	_ =	shalt  }
0x4d: {  	_ =	shalt  }
0x4e: {  	_ =	shalt  }
0x4f: {  	_ =	shalt  }
0x50: {  	_ =	shalt  }
0x51: {  	_ =	shalt  }
0x52: {  	_ =	shalt  }
0x53: {  	_ =	shalt  }
0x54: {  	_ =	shalt  }
0x55: {  	_ =	shalt  }
0x56: {  	_ =	shalt  }
0x57: {  	_ =	shalt  }
0x58: {  	_ =	shalt  }
0x59: {  	_ =	shalt  }
0x5a: {  	_ =	shalt  }
0x5b: {  	_ =	shalt  }
0x5c: {  	_ =	shalt  }
0x5d: {  	_ =	shalt  }
0x5e: {  	_ =	shalt  }
0x5f: {  	_ =	shalt  }
0x60: {  	_ =	shalt  }
0x61: {  	_ =	shalt  }
0x62: {  	_ =	shalt  }
0x63: {  	_ =	shalt  }
0x64: {  	_ =	shalt  }
0x65: {  	_ =	shalt  }
0x66: {  	_ =	shalt  }
0x67: {  	_ =	shalt  }
0x68: {  	_ =	shalt  }
0x69: {  	_ =	shalt  }
0x6a: {  	_ =	shalt  }
0x6b: {  	_ =	shalt  }
0x6c: {  	_ =	shalt  }
0x6d: {  	_ =	shalt  }
0x6e: {  	_ =	shalt  }
0x6f: {  	_ =	shalt  }
0x70: {  	_ =	shalt  }
0x71: {  	_ =	shalt  }
0x72: {  	_ =	shalt  }
0x73: {  	_ =	shalt  }
0x74: {  	_ =	shalt  }
0x75: {  	_ =	shalt  }
0x76: {  	_ =	shalt  }
0x77: {  	_ =	shalt  }
0x78: {  	_ =	shalt  }
0x79: {  	_ =	shalt  }
0x7a: {  	_ =	shalt  }
0x7b: {  	_ =	shalt  }
0x7c: {  	_ =	shalt  }
0x7d: {  	_ =	shalt  }
0x7e: {  	_ =	shalt  }
0x7f: {  	_ =	shalt  }
0x80: {  	_ =	shalt  }
0x81: {  	_ =	shalt  }
0x82: {  	_ =	shalt  }
0x83: {  	_ =	shalt  }
0x84: {  	_ =	shalt  }
0x85: {  	_ =	shalt  }
0x86: {  	_ =	shalt  }
0x87: {  	_ =	shalt  }
.Lfunc_end0:
.L_simem_size_0:
called_computation.3_lowered:
.L_overlay_start_0:
0x88: {  	s2 =	sld [smem:$0x3FD9]  }
0x89: {  	s3 =	sld [smem:$0x3FFE];
	_ =	sdelay $0x1  }
0x8a: {  	s1 =	srdreg.scid  }
0x8b: {  	s0 =	sand.u32 $0x1, s1  }
0x8c: {  	s16 =	sshll.u32 s0, $0xA;
	s2 =	sadd.s32 s3, s2  }
0x8d: {  	s2 =	sadd.s32 s2, s16  }
0x8e: {  	[smem:$0x3FC5] =	sst s2  }
0x8f: {  	_ = 	snop  }
0x90: {  	(tm) =	ssettm $0x1  }
0x91: {  	s17 =	sld [smem:$0x3FFB];
	_ =	sdelay $0x3  }
0x92: {  	_ =	strace s17  }
0x93: {  	s2 =	sld [smem:$0x3FFC];
	_ =	sdelay $0x3  }
0x94: {  	_ =	strace s2  }
0x95: {  	s2 =	sld [smem:$0x3FFD];
	_ =	sdelay $0x3  }
0x96: {  	_ =	strace s2  }
0x97: {  	_ =	strace $0x8FFFFFFF  }
0x98: {  	s18 =	sld [smem:$0x3FDB];
	_ =	sdelay $0x1  }
0x99: {  	s19 =	simm.s32 $_scs_section_size  }
0x9a: {  	s4 =	simm.s32 $_size__tile_overlayer_lowered;
	s5 =	simm.s32 $_tile_overlayer_lowered  }
0x9b: {  	s22 =	simm.s32 $0x1BFF;
	s21 =	sshll.u32 s5, $0x1;
	s2 =	sadd.s32 s19, s18  }
0x9c: {  	s6 =	simm.s32 $0x0;
	s20 =	sshll.u32 s4, $0x1;
	s4 =	sadd.s32 s21, s2  }
0x9d: {  	[timem:s6], [sflag:s22] =	dma.local [hbm:s4], s20  }
0x9e: {  	_ =	swait.ge [sflag:s22], s20  }
0x9f: {  	s3 =	ssub.s32 $0x0, s20;
	[sflag:s22] =	ssyncset.done $0x0  }
0xa0: {  	[sflag:s22] =	ssyncadd.s32 s3;
	_ =	sdelay $0x1  }
0xa1: {  	s23 =	simm.s32 $0x1B8B  }
0xa2: {  	_ =	swait.ge [sflag:s23], $0x1  }
0xa3: {  	[sflag:s23] =	ssyncset.done $0x0  }
0xa4: {  	s25 =	simm.s32 $0x1B8E;
	s24 =	sld [smem:$0x3FFE];
	[sflag:s23] =	ssyncadd.s32 $0xFFFFFFFF  }
0xa5: {  	s26 =	simm.s32 $execute0_lowered;
	[smem:$0x3FD2] =	sst s25  }
0xa6: {  	s4 =	sshll.u32 s26, $0x1;
	_ =	strace $0x80000046;
	[dreg:$0x1] =	wrdreg $0xFFFFFFFF  }
0xa7: {  	s28 =	simm.s32 $_size_execute0_lowered;
	s2 =	sadd.s32 s2, s4;
	[dreg:$0x0] =	wrdreg $0x0  }
0xa8: {  	s4 =	sshll.u32 s28, $0x1;
	[dreg:$0x2] =	wrdreg s2  }
0xa9: {  	[dreg:$0x3] =	wrdreg s4  }
0xaa: {  	[dreg:$0x4] =	wrdreg $0xC0  }
0xab: {  	_ =	task [dreg:s6], $0x5FFFF  }
0xac: {  	[dreg:$0x1] =	wrdreg $0xFFFFFFFF  }
0xad: {  	[dreg:$0x0] =	wrdreg $0x60  }
0xae: {  	[dreg:$0x2] =	wrdreg s24  }
0xaf: {  	[dreg:$0x3] =	wrdreg $0xC  }
0xb0: {  	_ =	task.clear_ibuf [dreg:s6], $0x4FFFF;
	_ =	strace $0x90000046  }
0xb1: {  	s29 =	simm.s32 $0xC;
	_ =	strace $0x80000048  }
0xb2: {  	_ =	swait.ge [sflag:s29], $0x1  }
0xb3: {  	[sflag:s29] =	ssyncadd.s32 $0xFFFFFFFF  }
0xb4: {  	_ =	strace $0x90000048  }
0xb5: {  	_ =	sfence  }
0xb6: {  	s30 =	sld [smem:$0x0];
	_ =	sdelay $0x2  }
0xb7: {  	s31 =	sshll.u32 s1, $0xD;
	s1 =	sshrl.u32 s1, $0x2  }
0xb8: {  	s3 =	sand.u32 $0x4000, s31;
	s1 =	sadd.s32 s1, s30  }
0xb9: {  	s0 =	sor.u32 s3, s0;
	s1 =	sshll.u32 s1, $0x11  }
0xba: {  	s0 =	sor.u32 s1, s0  }
0xbb: {  	s0 =	sadd.s32 $0x8F2B, s0  }
0xbc: {  	[sflag:s0] =	ssyncadd.remote.s32 $0x1  }
0xbd: {  	_ =	sfence.sel $0xFFFF  }
0xbe: {  	[dreg:$0x0] =	wrdreg $0xFFFFFFFF;
	(pc) =	sbr.abs _section_cstart, $3  }
0xbf: {  	[dreg:$0x1] =	wrdreg $0xFFFFFFFF  }
0xc0: {  	_ =	task.clear_ibuf [dreg:s6], $0x2FFFF;
	_ =	strace $0x9FFFFFFF  }
0xc1: {  	(tm) =	ssettm $0x7FFFFFFF  }
tec
execute0_lowered:
.L_overlay_start_1:
0x0: {  	(tag) =	ssettag $0x1  }
0x1: {  	v0 =	vimm.s32 $0xE40000  }
0x2: {  	s2 =	rddreg [dreg:$0x0];
	v0 =	vunpack.c.l.s2.s4 v0  }
0x3: {  	s0 =	rddreg [dreg:$0x1];
	s1 =	simm.s32 $0x0;
	s3 =	srdreg.scid  }
0x4: {  	s9 =	simm.s32 $0x4000;
	s10 =	simm.s32 $0x4400;
	s11 =	simm.s32 $0x0;
	v1 =	vunpack.c.l.s4.s8 v0  }
0x5: {  	[smem:$0x7FF] =	sst s1;
	s6 =	sand.u32 $0x1, s3;
	s3 =	sadd.s32 $0x3000, s2  }
0x6: {  	v2 =	vimm.s32 $0x7060504;
	s4 =	sadd.s32 $0x23000, s2;
	s5 =	sadd.s32 $0x25000, s2;
	s7 =	ssub.s32 $0x2, s6;
	v3 =	vunpack.c.0.s8.s32 v1  }
0x7: {  	vm1 =	vcmask $0x3F30;
	s2 =	stileid.u32;
	v4 =	vunpack.c.0.s8.s32 v2;
	_ =	strace $0x80000047;
	s8 =	sshrl.u32 s7, $0x1;
	v0 =	vlaneseq.u32  }
0x8: {  	vm0 =	vmmov $0xff;
	s31 =	sshll.u32 s2, $0x9;
	s6 =	sshll.u32 s6, $0x8;
	s7 =	ssub.s32 s7, s8;
	v2 =	vor.u32 $0x20, v0;
	v5 =	vand.u32 $0x3, v3  }
0x9: {  	s6 =	sor.u32 s6, s31;
	s8 =	simm.s32 $0x1;
	v1 =	vor.u32 $0x10, v0;
	s7 =	smax.u32 s7, $0x1;
	v3 =	vor.u32 $0x30, v0;
	v4 =	vsel vm1, v4, v5  }
.LBB2_1:
0xa: {  	p1 =	por $0x1, $0x1;
	s12 =	simm.s32 $0x0  }
.LBB2_2:
0xb: {  	s12 =	sor.u32 s6, s12  }
0xc: {  	s13 =	sshll.u32 s12, $0x4  }
0xd: {  	s14 =	sadd.s32 s3, s13;
	s13 =	simm.s32 $0x0  }
0xe: {  	[tilespmem:s13], [sflag:$0x1] =	stream.linear.gather [hbm4b:s14+s13], $0x4000, $0x38;
	[tilespmem:$0x4800] =	vst v63  }
0xf: {  	_ =	swait.ge [sflag:s8], $0x4000  }
0x10: {  	[sflag:s8] =	ssyncset.done $0x0  }
0x11: {  	s14 =	simm.s32 $0x80;
	[sflag:s8] =	ssyncadd.s32 $0xFFFFC000  }
0x12: {  	v6 =	vld [tilespmem:s14+$0x10]  }
0x13: {  	v7 =	vld [tilespmem:s14+$0x30]  }
0x14: {  	v8 =	vld [tilespmem:s14+$0x0];
	_ =	sdelay $0x2  }
0x15: {  	(xrf1) =	vsort.ascd.msk.f32 $0xffff, v6, v1  }
0x16: {  	(xrf1) =	vsort.ascd.msk.f32 $0xffff, v7, v3  }
0x17: {  	(xrf1) =	vsort.dscd.msk.f32 $0xffff, v8, v0  }
0x18: {  	v9 =	vld [tilespmem:s14+$0x20];
	_ =	sdelay $0x4  }
0x19: {  	v10 =	vld [tilespmem:s14+$0xFFFFFFB0];
	v5 =	vmax.f32 v8, v6;
	v11 =	vmax.f32 v9, v7  }
0x1a: {  	v42 =	vld [tilespmem:s14+$0xFFFFFF90];
	v5 =	vmax.f32 v5, v11  }
0x1b: {  	v12 =	vld [tilespmem:s14+$0xFFFFFF80];
	(xrf0) =	vmax.scan.msk.f32 $0xffff, v5  }
0x1c: {  	v13 =	vld [tilespmem:s14+$0xFFFFFFA0];
	(xrf1) =	vsort.dscd.msk.f32 $0xffff, v9, v2;
	_ =	sdelay $0x1  }
0x1d: {  	(xrf1) =	vsort.ascd.msk.f32 $0xffff, v10, v3  }
0x1e: {  	(xrf1) =	vsort.ascd.msk.f32 $0xffff, v42, v1;
	v15, v16, _ =	vpop (xrf1)  }
0x1f: {  	(xrf1) =	vsort.dscd.msk.f32 $0xffff, v12, v0;
	v18, v19, _ =	vpop (xrf1)  }
0x20: {  	(xrf1) =	vsort.dscd.msk.f32 $0xffff, v13, v2;
	v43, v20, _ =	vpop (xrf1)  }
0x21: {  	v5, _, _ =	vpop (xrf0);
	v44 =	vsel vm0, v43, v15;
	v45 =	vsel vm0, v20, v16  }
0x22: {  	v5 =	vbroadcast v5, $0xF;
	(xrf1) =	vsort.dscd.msk.f32 $0xffff, v44, v45;
	_ =	sdelay $0x1  }
0x23: {  	v8 =	vsub.f32 v8, v5  }
0x24: {  	v6 =	vsub.f32 v6, v5  }
0x25: {  	v14 =	vmax.f32 v12, v42;
	v17 =	vmax.f32 v13, v10;
	v8 =	vmul.f32 $1.442695020e+00, v8  }
0x26: {  	v9 =	vsub.f32 v9, v5;
	v7 =	vsub.f32 v7, v5;
	v6 =	vmul.f32 $1.442695020e+00, v6  }
0x27: {  	v14 =	vmax.f32 v14, v17  }
0x28: {  	(xrf0) =	vmax.scan.msk.f32 $0xffff, v14;
	v9 =	vmul.f32 $1.442695020e+00, v9;
	(erf) = vpow2.f32 v6;
	v47, v46, _ =	vpop (xrf1)  }
0x29: {  	(erf) = vpow2.f32 v8;
	v16 =	vsel vm0, v47, v18;
	v17 =	vsel vm0, v46, v19  }
0x2a: {  	v6 =	vmul.f32 $1.442695020e+00, v7;
	v7, v8, _ =	vpop (xrf1);
	(xrf1) =	vsort.ascd.msk.f32 $0xffff, v16, v17  }
0x2b: {  	(erf) = vpow2.f32 v9;
	v49, v48, _ =	vpop (xrf1)  }
0x2c: {  	v50, v51, _ =	vpop (xrf1)  }
0x2d: {  	(erf) = vpow2.f32 v6;
	v53, v52, _ =	vpop (xrf1);
	v9 =	vsel vm0, v50, v49;
	v14 =	vsel vm0, v51, v48  }
0x2e: {  	v6, _, _ =	vpop (xrf0);
	v7 =	vsel vm0, v53, v7;
	v8 =	vsel vm0, v52, v8;
	(xrf1) =	vsort.dscd.msk.f32 $0xffff, v9, v14  }
0x2f: {  	v6 =	vbroadcast v6, $0xF;
	v61, v60, _ =	vpop (xrf1);
	(xrf1) =	vsort.ascd.msk.f32 $0xffff, v7, v8;
	_ =	sdelay $0x1  }
0x30: {  	v12 =	vsub.f32 v12, v6;
	v54 =	vpop (erf)  }
0x31: {  	v11 =	vsub.f32 v42, v6;
	v55 =	vpop (erf)  }
0x32: {  	v12 =	vmul.f32 $1.442695020e+00, v12;
	v15 =	vadd.f32 v54, v55  }
0x33: {  	v13 =	vsub.f32 v13, v6;
	v11 =	vmul.f32 $1.442695020e+00, v11;
	v56 =	vpop (erf)  }
0x34: {  	(erf) = vpow2.f32 v12;
	v59 =	vadd.f32 v15, v56  }
0x35: {  	v10 =	vsub.f32 v10, v6;
	v58 =	vmul.f32 $1.442695020e+00, v13;
	v57 =	vpop (erf);
	(erf) = vpow2.f32 v11  }
0x36: {  	v63 =	vadd.f32 v59, v57  }
0x37: {  	(erf) = vpow2.f32 v58;
	v7 =	vmul.f32 $1.442695020e+00, v10;
	v8, v62, _ =	vpop (xrf1)  }
0x38: {  	(xrf2) =	vadd.scan.msk.f32 $0xffff, v63;
	v8 =	vsel vm0, v61, v8;
	v10 =	vsel vm0, v60, v62  }
0x39: {  	p0 =	por p1, p1;
	s15 =	simm.s32 $0x40;
	(erf) = vpow2.f32 v7;
	(xrf1) =	vsort.dscd.msk.f32 $0xffff, v8, v10  }
.LBB2_3:
0x3a: {  	p1 =	sne.s32 s15, $0xFC0  }
0x3b: {  	s14 =	sadd.s32 $0x100, s14;
	v7, v8, _ =	vpop (xrf1);
	s16 =	smov.u32 s15;
	s15 =	sadd.s32 $0x40, s15  }
0x3c: {  	v9, v10, _ =	vpop (xrf1)  }
0x3d: {  	v7 =	vsel vm0, v7, v9;
	v8 =	vsel vm0, v8, v10;
	v9 =	vpop (erf)  }
0x3e: {  	v10 =	vpop (erf);
	(xrf1) =	vsort.dscd.msk.f32 $0xffff, v7, v8  }
0x3f: {  	v7 =	vadd.f32 v10, v9  }
0x40: {  	v8 =	vpop (erf)  }
0x41: {  	v7 =	vadd.f32 v7, v8  }
0x42: {  	v8 =	vpop (erf)  }
0x43: {  	v7 =	vadd.f32 v7, v8  }
0x44: {  	v8, _, _ =	vpop (xrf2)  }
0x45: {  	v8 =	vbroadcast v8, $0xF;
	(xrf2) =	vadd.scan.msk.f32 $0xffff, v7;
	_ =	sdelay $0x1  }
0x46: {  	v7, v9, _ =	vpop (xrf1)  }
0x47: {  	v5 =	vsub.f32 v7, v5;
	_ =	sdelay $0x1  }
0x48: {  	v5 =	vmul.f32 $1.442695020e+00, v5  }
0x49: {  	v7 =	vperm.xlane v9, v4;
	(erf) = vrcp.f32 v8  }
0x4a: {  	v8, v9, _ =	vpop (xrf1);
	(erf) = vpow2.f32 v5  }
0x4b: {  	s17 =	sshra.s32 s13, $0x2;
	s13 =	smov.u32 s16;
	v5 =	vsub.f32 v8, v6;
	v7 =	vsel vm0, v9, v7  }
0x4c: {  	[tilespmem:s17+$0x4000] =	vst v7  }
0x4d: {  	v5 =	vmul.f32 $1.442695020e+00, v5;
	v6, _, _ =	vpop (xrf2)  }
0x4e: {  	v6 =	vbroadcast v6, $0xF  }
0x4f: {  	(erf) = vpow2.f32 v5  }
0x50: {  	(erf) = vrcp.f32 v6;
	_ =	sdelay $0x1  }
0x51: {  	v5 =	vpop (erf)  }
0x52: {  	v6 =	vpop (erf)  }
0x53: {  	v5 =	vmul.f32 v5, v6;
	_ =	sdelay $0x3  }
0x54: {  	v6 =	vpop (erf)  }
0x55: {  	v7 =	vpop (erf)  }
0x56: {  	v5 =	vperm.xlane v5, v4;
	v6 =	vmul.f32 v7, v6;
	_ =	sdelay $0x1  }
0x57: {  	v5 =	vsel vm0, v6, v5  }
0x58: {  	[tilespmem:s17+$0x4400] =	vst v5;
	_ =	sdelay $0x1  }
0x59: {  	v6 =	vld [tilespmem:s14+$0x10]  }
0x5a: {  	v7 =	vld [tilespmem:s14+$0x20]  }
0x5b: {  	v8 =	vld [tilespmem:s14+$0x30]  }
0x5c: {  	v9 =	vld [tilespmem:s14+$0x0]  }
0x5d: {  	v10 =	vld [tilespmem:s14+$0xFFFFFFB0]  }
0x5e: {  	v11 =	vld [tilespmem:s14+$0xFFFFFF80]  }
0x5f: {  	v12 =	vld [tilespmem:s14+$0xFFFFFF90];
	(xrf1) =	vsort.ascd.msk.f32 $0xffff, v6, v1  }
0x60: {  	v13 =	vld [tilespmem:s14+$0xFFFFFFA0];
	(xrf1) =	vsort.ascd.msk.f32 $0xffff, v8, v3  }
0x61: {  	v14 =	vmax.f32 v7, v8;
	v5 =	vmax.f32 v9, v6;
	(xrf1) =	vsort.dscd.msk.f32 $0xffff, v9, v0  }
0x62: {  	v5 =	vmax.f32 v5, v14;
	(xrf1) =	vsort.dscd.msk.f32 $0xffff, v7, v2  }
0x63: {  	(xrf1) =	vsort.ascd.msk.f32 $0xffff, v10, v3  }
0x64: {  	v14 =	vmax.f32 v11, v12;
	(xrf0) =	vmax.scan.msk.f32 $0xffff, v5  }
0x65: {  	v5 =	vmax.f32 v13, v10;
	(xrf1) =	vsort.ascd.msk.f32 $0xffff, v12, v1  }
0x66: {  	v14 =	vmax.f32 v14, v5;
	(xrf1) =	vsort.dscd.msk.f32 $0xffff, v11, v0  }
0x67: {  	(xrf1) =	vsort.dscd.msk.f32 $0xffff, v13, v2;
	_ =	sdelay $0x2  }
0x68: {  	v5, _, _ =	vpop (xrf0)  }
0x69: {  	v5 =	vbroadcast v5, $0xF  }
0x6a: {  	(xrf0) =	vmax.scan.msk.f32 $0xffff, v14  }
0x6b: {  	v9 =	vsub.f32 v9, v5;
	v6 =	vsub.f32 v6, v5;
	v14, v15, _ =	vpop (xrf1)  }
0x6c: {  	v7 =	vsub.f32 v7, v5;
	v8 =	vsub.f32 v8, v5;
	v16, v17, _ =	vpop (xrf1)  }
0x6d: {  	v9 =	vmul.f32 $1.442695020e+00, v9;
	v6 =	vmul.f32 $1.442695020e+00, v6;
	v18, v19, _ =	vpop (xrf1)  }
0x6e: {  	v7 =	vmul.f32 $1.442695020e+00, v7;
	v20 =	vsel vm0, v18, v14;
	v15 =	vsel vm0, v19, v15;
	v18, v19, _ =	vpop (xrf1)  }
0x6f: {  	v16 =	vsel vm0, v18, v16;
	v17 =	vsel vm0, v19, v17;
	v18, v19, _ =	vpop (xrf1);
	(erf) = vpow2.f32 v6;
	(xrf1) =	vsort.dscd.msk.f32 $0xffff, v20, v15  }
0x70: {  	v6 =	vmul.f32 $1.442695020e+00, v8;
	v8, _, _ =	vpop (xrf0);
	(erf) = vpow2.f32 v9;
	(xrf1) =	vsort.ascd.msk.f32 $0xffff, v16, v17  }
0x71: {  	v9, v14, _ =	vpop (xrf1);
	(erf) = vpow2.f32 v7  }
0x72: {  	v7, v15, _ =	vpop (xrf1);
	(erf) = vpow2.f32 v6  }
0x73: {  	v6 =	vbroadcast v8, $0xF;
	v7 =	vsel vm0, v7, v9;
	v8 =	vsel vm0, v15, v14;
	v9, v14, _ =	vpop (xrf1)  }
0x74: {  	v9 =	vsel vm0, v9, v18;
	v14 =	vsel vm0, v14, v19;
	(xrf1) =	vsort.dscd.msk.f32 $0xffff, v7, v8  }
0x75: {  	v7 =	vsub.f32 v11, v6;
	v8 =	vsub.f32 v12, v6;
	(xrf1) =	vsort.ascd.msk.f32 $0xffff, v9, v14  }
0x76: {  	v10 =	vsub.f32 v10, v6;
	v9 =	vsub.f32 v13, v6  }
0x77: {  	v7 =	vmul.f32 $1.442695020e+00, v7;
	v8 =	vmul.f32 $1.442695020e+00, v8  }
0x78: {  	v10 =	vmul.f32 $1.442695020e+00, v10;
	v9 =	vmul.f32 $1.442695020e+00, v9;
	v11 =	vpop (erf)  }
0x79: {  	v12 =	vpop (erf)  }
0x7a: {  	v14 =	vadd.f32 v11, v12;
	v12 =	vpop (erf)  }
0x7b: {  	(erf) = vpow2.f32 v7;
	v7 =	vpop (erf)  }
0x7c: {  	v13 =	vadd.f32 v14, v12;
	(erf) = vpow2.f32 v8  }
.Ltmp0:
0x7d: {  	v8, v12, _ =	vpop (xrf1);
	(pc) =	sbr.rel @p1 .LBB2_3-.Ltmp0, $4  }
0x7e: {  	v7 =	vadd.f32 v13, v7;
	(erf) = vpow2.f32 v9;
	v9, v11, _ =	vpop (xrf1)  }
0x7f: {  	v8 =	vsel vm0, v8, v9;
	v9 =	vsel vm0, v12, v11  }
0x80: {  	(erf) = vpow2.f32 v10;
	(xrf1) =	vsort.dscd.msk.f32 $0xffff, v8, v9  }
0x81: {  	(xrf2) =	vadd.scan.msk.f32 $0xffff, v7  }
0x82: {  	v7, v8, _ =	vpop (xrf1)  }
0x83: {  	v9, v10, _ =	vpop (xrf1)  }
0x84: {  	v7 =	vsel vm0, v7, v9;
	v8 =	vsel vm0, v8, v10;
	v55 =	vpop (erf)  }
0x85: {  	v56 =	vpop (erf);
	(xrf1) =	vsort.dscd.msk.f32 $0xffff, v7, v8  }
0x86: {  	v7 =	vadd.f32 v56, v55  }
0x87: {  	v57 =	vpop (erf)  }
0x88: {  	v7 =	vadd.f32 v7, v57  }
0x89: {  	v58 =	vpop (erf)  }
0x8a: {  	v7 =	vadd.f32 v7, v58;
	_ =	sdelay $0x1  }
0x8b: {  	(xrf2) =	vadd.scan.msk.f32 $0xffff, v7;
	_ =	sdelay $0x4  }
0x8c: {  	v7, _, _ =	vpop (xrf2)  }
0x8d: {  	v60, v59, _ =	vpop (xrf1);
	v7 =	vbroadcast v7, $0xF  }
0x8e: {  	v5 =	vsub.f32 v60, v5;
	v62, v61, _ =	vpop (xrf1)  }
0x8f: {  	v6 =	vsub.f32 v62, v6  }
0x90: {  	v5 =	vmul.f32 $1.442695020e+00, v5  }
0x91: {  	(erf) = vrcp.f32 v7;
	v6 =	vmul.f32 $1.442695020e+00, v6;
	v7, _, _ =	vpop (xrf2)  }
0x92: {  	(erf) = vpow2.f32 v5;
	v5 =	vbroadcast v7, $0xF  }
0x93: {  	(erf) = vpow2.f32 v6  }
0x94: {  	(erf) = vrcp.f32 v5;
	_ =	sdelay $0x5  }
0x95: {  	v5 =	vpop (erf)  }
0x96: {  	v6 =	vpop (erf)  }
0x97: {  	v5 =	vmul.f32 v5, v6;
	v6 =	vpop (erf)  }
0x98: {  	v7 =	vperm.xlane v59, v4;
	v63 =	vpop (erf)  }
0x99: {  	v5 =	vperm.xlane v5, v4;
	v6 =	vmul.f32 v63, v6  }
0x9a: {  	s13 =	sshra.s32 s13, $0x2;
	v7 =	vsel vm0, v61, v7  }
0x9b: {  	[tilespmem:s13+$0x4000] =	vst v7;
	v5 =	vsel vm0, v6, v5  }
0x9c: {  	s30 =	sadd.s32 s4, s12;
	[tilespmem:s13+$0x4400] =	vst v5  }
0x9d: {  	[hbm4b:s30+s1] =	stream.linear.scatter [tilespmem:s9], [sflag:$0x1], $0x400, $0x38;
	[tilespmem:$0x4800] =	vst v63  }
0x9e: {  	_ =	swait.ge [sflag:s8], $0x400  }
0x9f: {  	[sflag:s8] =	ssyncset.done $0x0  }
.Ltmp1:
0xa0: {  	s31 =	sadd.s32 s5, s12;
	[sflag:s8] =	ssyncadd.s32 $0xFFFFFC00;
	(pc) =	sbr.rel @p0 .LBB2_2-.Ltmp1, $4  }
0xa1: {  	[hbm4b:s31+s1] =	stream.linear.scatter [tilespmem:s10], [sflag:$0x1], $0x400, $0x38;
	[tilespmem:$0x4800] =	vst v63  }
0xa2: {  	_ =	swait.ge [sflag:s8], $0x400  }
0xa3: {  	[sflag:s8] =	ssyncset.done $0x0  }
0xa4: {  	s12 =	simm.s32 $0x80;
	p1 =	por $0x0, $0x0;
	[sflag:s8] =	ssyncadd.s32 $0xFFFFFC00  }
0xa5: {  	s11 =	sadd.s32 $0x1, s11  }
0xa6: {  	p0 =	sne.s32 s11, s7  }
.Ltmp2:
0xa7: {  	_ = 	snop;
	(pc) =	sbr.rel @p0 .LBB2_1-.Ltmp2, $1  }
0xa8: {  	_ =	sdelay $0x3  }
0xa9: {  	_ =	sfence.sel $0x180000  }
0xaa: {  	[bflag:$0x0] =	sbarrier.arrive $0xFFFF  }
0xab: {  	p0 =	sne.s32 s2, $0x0;
	_ =	strace $0x90000047  }
0xac: {  	s0 =	sadd.s32 @!p0 $0x100000, s0;
	[bflag:$0x2] =	sbarrier.arrive $0xFFFF  }
0xad: {  	[sflag:s0] =	ssyncadd.tile.s32 @!p0 $0x1;
	_ =	shalt  }
.Lfunc_end2:
_tile_overlayer_lowered:
.L_overlay_start_2:
0xae: {  	(tag) =	ssettag $0x2  }
0xaf: {  	s0 =	rddreg [dreg:$0x0];
	s2 =	stileid.u32  }
0xb0: {  	s1 =	rddreg [dreg:$0x1];
	p0 =	sne.s32 s2, $0x0  }
0xb1: {  	s3 =	rddreg [dreg:$0x2];
	[bflag:$0x3] =	sbarrier.arrive $0xFFFF;
	s2 =	simm.s32 @!p0 $0x1C01  }
0xb2: {  	[timem:s3], [sflag:s2] =	dma.local @!p0 [hbm:s0], s1  }
0xb3: {  	s0 =	simm.s32 @!p0 $0x1  }
0xb4: {  	_ =	swait.ge @!p0 [sflag:s0], s1  }
0xb5: {  	s1 =	ssub.s32 @!p0 $0x0, s1;
	[sflag:s0] =	ssyncset.done @!p0 $0x0  }
0xb6: {  	[sflag:s0] =	ssyncadd.s32 @!p0 s1  }
0xb7: {  	[bflag:$0x3] =	sbarrier.arrive $0xFFFF  }
0xb8: {  	_ =	shalt  }

</sc_bundles>
